<compile_context>
chip_gen: v7x
topology: tpu7x:2x2x1
jax: 0.10.2.dev20260603
libtpu: 0.0.44.dev20260713+nightly
codegen_flags: <defaults>
</compile_context>

<pallas_src>
import functools

import jax
import jax.numpy as jnp
from jax import lax
from jax.experimental import pallas as pl
from jax.experimental.pallas import tpu as pltpu
from jax.experimental.pallas import tpu_sc as plsc

_CW = 8
_W = _CW * 128
_CAP = 2048
_CCAP = 48


def kernel(attribute_value, table):
    idx = jnp.squeeze(attribute_value).astype(jnp.int32)
    (B,) = idx.shape
    V, D = table.shape

    info = plsc.get_sparse_core_info()
    NC, NS, L = info.num_cores, info.num_subcores, info.num_lanes
    NW = NC * NS
    b_per_w = B // NW
    n_vec = B // L

    tcols = (V + 127) // 128
    cpw = -(-tcols // NW)
    n_ch = -(-cpw // _CW)
    max_col = (V + 127) // 128 - _CW
    B_pad = B + NW

    mesh = plsc.VectorSubcoreMesh(core_axis_name="c", subcore_axis_name="s")

    @functools.partial(
        pl.kernel,
        mesh=mesh,
        out_type=jax.ShapeDtypeStruct((B_pad, 128), jnp.float32),
        compiler_params=pltpu.CompilerParams(needs_layout_passes=False),
        scratch_types=[
            pltpu.VMEM((B,), jnp.int32),
            pltpu.VMEM((_CAP,), jnp.int32),
            pltpu.VMEM((_CAP,), jnp.int32),
            pltpu.VMEM((2, D // 8, 8, _W), jnp.float32),
            pltpu.VMEM((2, _CCAP,), jnp.int32),
            pltpu.VMEM((2, _CCAP,), jnp.int32),
            pltpu.VMEM((2, _CCAP, 128), jnp.float32),
            pltpu.SemaphoreType.DMA((2,)),
            pltpu.SemaphoreType.DMA((2,)),
        ],
    )
    def scan_kernel(
        table_hbm, idx_hbm, stage_hbm, idx_all, hpos, hval, bufs, cpos, clan,
        cvals, fsem, ssem
    ):
        wid = lax.axis_index("s") * NC + lax.axis_index("c")
        lo_col = wid * cpw
        hi_col = lax.min(lo_col + cpw, tcols)
        c0 = lax.iota(jnp.int32, L)
        n_tr = D // 8

        def chunk_start(c):
            return lax.min(lo_col + c * _CW, max_col) * 128

        def fetch(c, b):
            start = pl.multiple_of(chunk_start(c), 128)
            for t in range(n_tr):
                pltpu.async_copy(
                    view3.at[t, :, pl.ds(start, _W)],
                    bufs.at[b, t],
                    fsem.at[b],
                )

        view3 = table_hbm.reshape(n_tr, 8, V)

        pltpu.sync_copy(idx_hbm, idx_all)
        fetch(0, 0)
        fetch(1, 1)

        lo_v = lax.broadcast(lo_col, (L,))
        hi_v = lax.broadcast(hi_col, (L,))

        def p1(b, nh):
            r = idx_all[pl.ds(b * L, L)]
            j = r >> 7
            m = (j >= lo_v) & (j < hi_v)
            plsc.store_compressed(hpos.at[pl.ds(nh, L)], b * L + c0, mask=m)
            plsc.store_compressed(hval.at[pl.ds(nh, L)], r, mask=m)
            return nh + plsc.all_reduce_population_count(m)[0]

        nh = lax.fori_loop(0, n_vec, p1, 0)
        nh_v = lax.broadcast(nh, (L,))
        n_hv = (nh + L - 1) // L
        dump = lax.broadcast(B + wid, (L,))
        zeros = lax.broadcast(0, (L,))

        t_lo = c0 >> 3
        s_ids = c0 & 7

        def do_chunk(c, _):
            b = lax.rem(c, 2)

            @pl.when(c >= 2)
            def _():
                pltpu.make_async_copy(
                    cvals.at[b], stage_hbm.at[cpos.at[b]], ssem.at[b]
                ).wait()
            for q in range(_CCAP // L):
                cpos[b, pl.ds(q * L, L)] = dump
                clan[b, pl.ds(q * L, L)] = zeros
            pltpu.make_async_copy(
                view3.at[:, :, pl.ds(0, _W)], bufs.at[b], fsem.at[b]
            ).wait()
            start = chunk_start(c)
            start_v = lax.broadcast(start, (L,))

            def pc(h, mh):
                hp = hpos[pl.ds(h * L, L)]
                hr = hval[pl.ds(h * L, L)]
                l = hr - start_v
                m = (
                    (l >= 0)
                    & (l < _W)
                    & ((h * L + c0) < nh_v)
                )
                plsc.store_compressed(cpos.at[b].at[pl.ds(mh, L)], hp, mask=m)
                plsc.store_compressed(clan.at[b].at[pl.ds(mh, L)], l, mask=m)
                return mh + plsc.all_reduce_population_count(m)[0]

            mh = lax.fori_loop(0, n_hv, pc, 0)

            def px(h, _c):
                lvecs = clan[b, pl.ds(h * L, L)]
                for lane in range(L):
                    lv = lax.broadcast(lvecs[lane], (L,))
                    g0 = plsc.load_gather(bufs.at[b], [t_lo, s_ids, lv])
                    g1 = plsc.load_gather(bufs.at[b], [t_lo + 2, s_ids, lv])
                    row = h * L + lane
                    cvals[b, row, pl.ds(0, L)] = g0
                    cvals[b, row, pl.ds(L, L)] = g1
                return _c

            lax.fori_loop(0, (mh + L - 1) // L, px, 0)

            @pl.when(c + 2 < n_ch)
            def _():
                fetch(c + 2, b)

            pltpu.async_copy(cvals.at[b], stage_hbm.at[cpos.at[b]], ssem.at[b])
            return 0

        lax.fori_loop(0, n_ch, do_chunk, 0)
        for b in range(2):
            pltpu.make_async_copy(
                cvals.at[b], stage_hbm.at[cpos.at[b]], ssem.at[b]
            ).wait()

    @functools.partial(
        pl.kernel,
        mesh=mesh,
        out_type=jax.ShapeDtypeStruct((D, B), jnp.float32),
        compiler_params=pltpu.CompilerParams(needs_layout_passes=False),
        scratch_types=[
            pltpu.VMEM((b_per_w, 128), jnp.float32),
            pltpu.VMEM((D, b_per_w), jnp.float32),
        ],
    )
    def transpose_kernel(stage_hbm, out_hbm, stag_v, rows_v):
        wid = lax.axis_index("s") * NC + lax.axis_index("c")
        base = pl.multiple_of(wid * b_per_w, b_per_w)
        pltpu.sync_copy(stage_hbm.at[pl.ds(base, b_per_w)], stag_v)
        c0 = lax.iota(jnp.int32, L)

        def blk(q, _c):
            ivec = q * L + c0
            for c in range(D):
                cv = lax.broadcast(c, (L,))
                g = plsc.load_gather(stag_v, [ivec, cv])
                rows_v[c, pl.ds(q * L, L)] = g
            return _c

        lax.fori_loop(0, b_per_w // L, blk, 0)
        pltpu.sync_copy(rows_v, out_hbm.at[:, pl.ds(base, b_per_w)])

    stage = scan_kernel(table.T, idx)
    outT = transpose_kernel(stage)
    return outT.T

# --- scband reference (transcript-rebuilt; emitter-appended) ---
"""Pipeline reference for scband-categorical-attribute-70763881168962 (READ-ONLY COPY).

The authoritative reference and input builder live on the scoring server;
editing this copy changes nothing except your own understanding.
"""

import jax, jax.numpy as jnp
import numpy as np

NUM_CATEGORIES = 1000000
EMBED_DIM = 32
BATCH = 16384


def setup_inputs(seed: int = 0) -> dict:
    key = jax.random.key(seed)
    k_idx, k_tab = jax.random.split(key)
    attribute_value = jax.random.randint(k_idx, (BATCH,), 0, NUM_CATEGORIES, dtype=jnp.int64 if jax.config.jax_enable_x64 else jnp.int32)
    table = jax.random.normal(k_tab, (NUM_CATEGORIES, EMBED_DIM), dtype=jnp.float32)
    return {"attribute_value": attribute_value, "table": table}


def reference(attribute_value, table):
    # torch: self.embedder(attribute_value.squeeze().long())
    idx = jnp.squeeze(attribute_value).astype(jnp.int32)
    embedding = jnp.take(table, idx, axis=0)
    return embedding

if __name__ == "__main__":
    import jax
    _d = setup_inputs()
    print(jax.jit(kernel)(*tuple(_d.values())))

</pallas_src>

<mosaic_0001>
#map = affine_map<(d0, d1) -> (0, 0)>
module attributes {stable_mosaic.version = 14 : i64} {
  func.func @transpose_kernel(%arg0: i32, %arg1: i32, %arg2: memref<16416x128xf32, #tpu.memory_space<hbm>>, %arg3: memref<32x16384xf32, #tpu.memory_space<hbm>>, %arg4: memref<512x128xf32, #tpu.memory_space<vmem>>, %arg5: memref<32x512xf32, #tpu.memory_space<vmem>>) attributes {dimension_semantics = [#tpu.dimension_semantics<core_parallel>, #tpu.dimension_semantics<subcore_parallel>], iteration_bounds = array<i64: 2, 16>, scalar_prefetch = 0 : i64, scratch_operands = 2 : i64, tpu.core_type = #tpu.core_type<sc_vector_subcore>, window_params = [{transform_indices = #map}, {transform_indices = #map}]} {
    %mul3A = arith.constant 2 : i32
    %mul3A_0 = arith.muli %arg1, %mul3A : i32
    %add3A = arith.addi %mul3A_0, %arg0 : i32
    %mul3A_1 = arith.constant 512 : i32
    %mul3A_2 = arith.muli %add3A, %mul3A_1 : i32
    %multiple_of3A = tpu.assume_multiple %mul3A_2, 512 : i32
    "tpu.region"() ({
      %run_scoped3A = tpu.sem_alloc : memref<!tpu.dma_semaphore, #tpu.memory_space<semaphore_mem>>
      %dma_start3A = arith.constant 0 : i32
      %dma_start3A_8 = tpu.memref_slice %arg2[%multiple_of3A, %dma_start3A] : memref<16416x128xf32, #tpu.memory_space<hbm>> -> memref<512x128xf32, #tpu.memory_space<hbm>>
      %dma_start3A_9 = arith.constant 0 : i32
      %dma_start3A_10 = tpu.memref_slice %arg2[%multiple_of3A, %dma_start3A_9] : memref<16416x128xf32, #tpu.memory_space<hbm>> -> memref<512x128xf32, #tpu.memory_space<hbm>>
      tpu.enqueue_dma source(%dma_start3A_10 : memref<512x128xf32, #tpu.memory_space<hbm>>) target(%arg4 : memref<512x128xf32, #tpu.memory_space<vmem>>) target_semaphore(%run_scoped3A : memref<!tpu.dma_semaphore, #tpu.memory_space<semaphore_mem>>)
      %dma_wait3A = arith.constant 0 : i32
      %dma_wait3A_11 = tpu.memref_slice %arg2[%multiple_of3A, %dma_wait3A] : memref<16416x128xf32, #tpu.memory_space<hbm>> -> memref<512x128xf32, #tpu.memory_space<hbm>>
      %dma_wait3A_12 = arith.constant 0 : i32
      %dma_wait3A_13 = tpu.memref_slice %arg2[%multiple_of3A, %dma_wait3A_12] : memref<16416x128xf32, #tpu.memory_space<hbm>> -> memref<512x128xf32, #tpu.memory_space<hbm>>
      tpu.wait_dma2 semaphore(%run_scoped3A : memref<!tpu.dma_semaphore, #tpu.memory_space<semaphore_mem>>) src(%dma_wait3A_13 : memref<512x128xf32, #tpu.memory_space<hbm>>) dst(%arg4 : memref<512x128xf32, #tpu.memory_space<vmem>>)
      tpu.yield
    }) : () -> ()
    %iota3A = tpu.iota {dimensions = array<i32: 0>} : vector<16xi32>
    %scan3A = arith.constant 0 : i32
    %scan3A_3 = arith.constant 0 : i32
    %scan3A_4 = arith.constant 32 : i32
    %scan3A_5 = arith.addi %scan3A_3, %scan3A_4 : i32
    %scan3A_6 = arith.constant 1 : i32
    scf.for %scan3A_8 = %scan3A_3 to %scan3A_5 step %scan3A_6  : i32 {
      %mul3A_9 = arith.constant 16 : i32
      %mul3A_10 = arith.muli %scan3A_8, %mul3A_9 : i32
      %add3A_11 = vector.broadcast %mul3A_10 : i32 to vector<16xi32>
      %add3A_12 = arith.addi %add3A_11, %iota3A : vector<16xi32>
      %broadcast_in_dim3A = arith.constant 0 : i32
      %broadcast_in_dim3A_13 = vector.broadcast %broadcast_in_dim3A : i32 to vector<16xi32>
      %gather3A = tpu.vector_load_idx %arg4[%add3A_12, %broadcast_in_dim3A_13] : memref<512x128xf32, #tpu.memory_space<vmem>>[vector<16xi32>, vector<16xi32>], vector<16xf32>,
      %mul3A_14 = arith.constant 16 : i32
      %mul3A_15 = arith.muli %scan3A_8, %mul3A_14 : i32
      %swap3A = arith.constant 0 : i32
      %swap3A_16 = arith.index_cast %swap3A : i32 to index
      %swap3A_17 = arith.index_cast %mul3A_15 : i32 to index
      %swap3A_18 = tpu.vector_load %arg5[%swap3A_16, %swap3A_17] {strides = array<i32>} : memref<32x512xf32, #tpu.memory_space<vmem>>, vector<16xf32>,
      tpu.vector_store %arg5[%swap3A_16, %swap3A_17], %gather3A {strides = array<i32>} : memref<32x512xf32, #tpu.memory_space<vmem>>, vector<16xf32>,
      %broadcast_in_dim3A_19 = arith.constant 1 : i32
      %broadcast_in_dim3A_20 = vector.broadcast %broadcast_in_dim3A_19 : i32 to vector<16xi32>
      %gather3A_21 = tpu.vector_load_idx %arg4[%add3A_12, %broadcast_in_dim3A_20] : memref<512x128xf32, #tpu.memory_space<vmem>>[vector<16xi32>, vector<16xi32>], vector<16xf32>,
      %mul3A_22 = arith.constant 16 : i32
      %mul3A_23 = arith.muli %scan3A_8, %mul3A_22 : i32
      %swap3A_24 = arith.constant 1 : i32
      %swap3A_25 = arith.index_cast %swap3A_24 : i32 to index
      %swap3A_26 = arith.index_cast %mul3A_23 : i32 to index
      %swap3A_27 = tpu.vector_load %arg5[%swap3A_25, %swap3A_26] {strides = array<i32>} : memref<32x512xf32, #tpu.memory_space<vmem>>, vector<16xf32>,
      tpu.vector_store %arg5[%swap3A_25, %swap3A_26], %gather3A_21 {strides = array<i32>} : memref<32x512xf32, #tpu.memory_space<vmem>>, vector<16xf32>,
      %broadcast_in_dim3A_28 = arith.constant 2 : i32
      %broadcast_in_dim3A_29 = vector.broadcast %broadcast_in_dim3A_28 : i32 to vector<16xi32>
      %gather3A_30 = tpu.vector_load_idx %arg4[%add3A_12, %broadcast_in_dim3A_29] : memref<512x128xf32, #tpu.memory_space<vmem>>[vector<16xi32>, vector<16xi32>], vector<16xf32>,
      %mul3A_31 = arith.constant 16 : i32
      %mul3A_32 = arith.muli %scan3A_8, %mul3A_31 : i32
      %swap3A_33 = arith.constant 2 : i32
      %swap3A_34 = arith.index_cast %swap3A_33 : i32 to index
      %swap3A_35 = arith.index_cast %mul3A_32 : i32 to index
      %swap3A_36 = tpu.vector_load %arg5[%swap3A_34, %swap3A_35] {strides = array<i32>} : memref<32x512xf32, #tpu.memory_space<vmem>>, vector<16xf32>,
      tpu.vector_store %arg5[%swap3A_34, %swap3A_35], %gather3A_30 {strides = array<i32>} : memref<32x512xf32, #tpu.memory_space<vmem>>, vector<16xf32>,
      %broadcast_in_dim3A_37 = arith.constant 3 : i32
      %broadcast_in_dim3A_38 = vector.broadcast %broadcast_in_dim3A_37 : i32 to vector<16xi32>
      %gather3A_39 = tpu.vector_load_idx %arg4[%add3A_12, %broadcast_in_dim3A_38] : memref<512x128xf32, #tpu.memory_space<vmem>>[vector<16xi32>, vector<16xi32>], vector<16xf32>,
      %mul3A_40 = arith.constant 16 : i32
      %mul3A_41 = arith.muli %scan3A_8, %mul3A_40 : i32
      %swap3A_42 = arith.constant 3 : i32
      %swap3A_43 = arith.index_cast %swap3A_42 : i32 to index
      %swap3A_44 = arith.index_cast %mul3A_41 : i32 to index
      %swap3A_45 = tpu.vector_load %arg5[%swap3A_43, %swap3A_44] {strides = array<i32>} : memref<32x512xf32, #tpu.memory_space<vmem>>, vector<16xf32>,
      tpu.vector_store %arg5[%swap3A_43, %swap3A_44], %gather3A_39 {strides = array<i32>} : memref<32x512xf32, #tpu.memory_space<vmem>>, vector<16xf32>,
      %broadcast_in_dim3A_46 = arith.constant 4 : i32
      %broadcast_in_dim3A_47 = vector.broadcast %broadcast_in_dim3A_46 : i32 to vector<16xi32>
      %gather3A_48 = tpu.vector_load_idx %arg4[%add3A_12, %broadcast_in_dim3A_47] : memref<512x128xf32, #tpu.memory_space<vmem>>[vector<16xi32>, vector<16xi32>], vector<16xf32>,
      %mul3A_49 = arith.constant 16 : i32
      %mul3A_50 = arith.muli %scan3A_8, %mul3A_49 : i32
      %swap3A_51 = arith.constant 4 : i32
      %swap3A_52 = arith.index_cast %swap3A_51 : i32 to index
      %swap3A_53 = arith.index_cast %mul3A_50 : i32 to index
      %swap3A_54 = tpu.vector_load %arg5[%swap3A_52, %swap3A_53] {strides = array<i32>} : memref<32x512xf32, #tpu.memory_space<vmem>>, vector<16xf32>,
      tpu.vector_store %arg5[%swap3A_52, %swap3A_53], %gather3A_48 {strides = array<i32>} : memref<32x512xf32, #tpu.memory_space<vmem>>, vector<16xf32>,
      %broadcast_in_dim3A_55 = arith.constant 5 : i32
      %broadcast_in_dim3A_56 = vector.broadcast %broadcast_in_dim3A_55 : i32 to vector<16xi32>
      %gather3A_57 = tpu.vector_load_idx %arg4[%add3A_12, %broadcast_in_dim3A_56] : memref<512x128xf32, #tpu.memory_space<vmem>>[vector<16xi32>, vector<16xi32>], vector<16xf32>,
      %mul3A_58 = arith.constant 16 : i32
      %mul3A_59 = arith.muli %scan3A_8, %mul3A_58 : i32
      %swap3A_60 = arith.constant 5 : i32
      %swap3A_61 = arith.index_cast %swap3A_60 : i32 to index
      %swap3A_62 = arith.index_cast %mul3A_59 : i32 to index
      %swap3A_63 = tpu.vector_load %arg5[%swap3A_61, %swap3A_62] {strides = array<i32>} : memref<32x512xf32, #tpu.memory_space<vmem>>, vector<16xf32>,
      tpu.vector_store %arg5[%swap3A_61, %swap3A_62], %gather3A_57 {strides = array<i32>} : memref<32x512xf32, #tpu.memory_space<vmem>>, vector<16xf32>,
      %broadcast_in_dim3A_64 = arith.constant 6 : i32
      %broadcast_in_dim3A_65 = vector.broadcast %broadcast_in_dim3A_64 : i32 to vector<16xi32>
      %gather3A_66 = tpu.vector_load_idx %arg4[%add3A_12, %broadcast_in_dim3A_65] : memref<512x128xf32, #tpu.memory_space<vmem>>[vector<16xi32>, vector<16xi32>], vector<16xf32>,
      %mul3A_67 = arith.constant 16 : i32
      %mul3A_68 = arith.muli %scan3A_8, %mul3A_67 : i32
      %swap3A_69 = arith.constant 6 : i32
      %swap3A_70 = arith.index_cast %swap3A_69 : i32 to index
      %swap3A_71 = arith.index_cast %mul3A_68 : i32 to index
      %swap3A_72 = tpu.vector_load %arg5[%swap3A_70, %swap3A_71] {strides = array<i32>} : memref<32x512xf32, #tpu.memory_space<vmem>>, vector<16xf32>,
      tpu.vector_store %arg5[%swap3A_70, %swap3A_71], %gather3A_66 {strides = array<i32>} : memref<32x512xf32, #tpu.memory_space<vmem>>, vector<16xf32>,
      %broadcast_in_dim3A_73 = arith.constant 7 : i32
      %broadcast_in_dim3A_74 = vector.broadcast %broadcast_in_dim3A_73 : i32 to vector<16xi32>
      %gather3A_75 = tpu.vector_load_idx %arg4[%add3A_12, %broadcast_in_dim3A_74] : memref<512x128xf32, #tpu.memory_space<vmem>>[vector<16xi32>, vector<16xi32>], vector<16xf32>,
      %mul3A_76 = arith.constant 16 : i32
      %mul3A_77 = arith.muli %scan3A_8, %mul3A_76 : i32
      %swap3A_78 = arith.constant 7 : i32
      %swap3A_79 = arith.index_cast %swap3A_78 : i32 to index
      %swap3A_80 = arith.index_cast %mul3A_77 : i32 to index
      %swap3A_81 = tpu.vector_load %arg5[%swap3A_79, %swap3A_80] {strides = array<i32>} : memref<32x512xf32, #tpu.memory_space<vmem>>, vector<16xf32>,
      tpu.vector_store %arg5[%swap3A_79, %swap3A_80], %gather3A_75 {strides = array<i32>} : memref<32x512xf32, #tpu.memory_space<vmem>>, vector<16xf32>,
      %broadcast_in_dim3A_82 = arith.constant 8 : i32
      %broadcast_in_dim3A_83 = vector.broadcast %broadcast_in_dim3A_82 : i32 to vector<16xi32>
      %gather3A_84 = tpu.vector_load_idx %arg4[%add3A_12, %broadcast_in_dim3A_83] : memref<512x128xf32, #tpu.memory_space<vmem>>[vector<16xi32>, vector<16xi32>], vector<16xf32>,
      %mul3A_85 = arith.constant 16 : i32
      %mul3A_86 = arith.muli %scan3A_8, %mul3A_85 : i32
      %swap3A_87 = arith.constant 8 : i32
      %swap3A_88 = arith.index_cast %swap3A_87 : i32 to index
      %swap3A_89 = arith.index_cast %mul3A_86 : i32 to index
      %swap3A_90 = tpu.vector_load %arg5[%swap3A_88, %swap3A_89] {strides = array<i32>} : memref<32x512xf32, #tpu.memory_space<vmem>>, vector<16xf32>,
      tpu.vector_store %arg5[%swap3A_88, %swap3A_89], %gather3A_84 {strides = array<i32>} : memref<32x512xf32, #tpu.memory_space<vmem>>, vector<16xf32>,
      %broadcast_in_dim3A_91 = arith.constant 9 : i32
      %broadcast_in_dim3A_92 = vector.broadcast %broadcast_in_dim3A_91 : i32 to vector<16xi32>
      %gather3A_93 = tpu.vector_load_idx %arg4[%add3A_12, %broadcast_in_dim3A_92] : memref<512x128xf32, #tpu.memory_space<vmem>>[vector<16xi32>, vector<16xi32>], vector<16xf32>,
      %mul3A_94 = arith.constant 16 : i32
      %mul3A_95 = arith.muli %scan3A_8, %mul3A_94 : i32
      %swap3A_96 = arith.constant 9 : i32
      %swap3A_97 = arith.index_cast %swap3A_96 : i32 to index
      %swap3A_98 = arith.index_cast %mul3A_95 : i32 to index
      %swap3A_99 = tpu.vector_load %arg5[%swap3A_97, %swap3A_98] {strides = array<i32>} : memref<32x512xf32, #tpu.memory_space<vmem>>, vector<16xf32>,
      tpu.vector_store %arg5[%swap3A_97, %swap3A_98], %gather3A_93 {strides = array<i32>} : memref<32x512xf32, #tpu.memory_space<vmem>>, vector<16xf32>,
      %broadcast_in_dim3A_100 = arith.constant 10 : i32
      %broadcast_in_dim3A_101 = vector.broadcast %broadcast_in_dim3A_100 : i32 to vector<16xi32>
      %gather3A_102 = tpu.vector_load_idx %arg4[%add3A_12, %broadcast_in_dim3A_101] : memref<512x128xf32, #tpu.memory_space<vmem>>[vector<16xi32>, vector<16xi32>], vector<16xf32>,
      %mul3A_103 = arith.constant 16 : i32
      %mul3A_104 = arith.muli %scan3A_8, %mul3A_103 : i32
      %swap3A_105 = arith.constant 10 : i32
      %swap3A_106 = arith.index_cast %swap3A_105 : i32 to index
      %swap3A_107 = arith.index_cast %mul3A_104 : i32 to index
      %swap3A_108 = tpu.vector_load %arg5[%swap3A_106, %swap3A_107] {strides = array<i32>} : memref<32x512xf32, #tpu.memory_space<vmem>>, vector<16xf32>,
      tpu.vector_store %arg5[%swap3A_106, %swap3A_107], %gather3A_102 {strides = array<i32>} : memref<32x512xf32, #tpu.memory_space<vmem>>, vector<16xf32>,
      %broadcast_in_dim3A_109 = arith.constant 11 : i32
      %broadcast_in_dim3A_110 = vector.broadcast %broadcast_in_dim3A_109 : i32 to vector<16xi32>
      %gather3A_111 = tpu.vector_load_idx %arg4[%add3A_12, %broadcast_in_dim3A_110] : memref<512x128xf32, #tpu.memory_space<vmem>>[vector<16xi32>, vector<16xi32>], vector<16xf32>,
      %mul3A_112 = arith.constant 16 : i32
      %mul3A_113 = arith.muli %scan3A_8, %mul3A_112 : i32
      %swap3A_114 = arith.constant 11 : i32
      %swap3A_115 = arith.index_cast %swap3A_114 : i32 to index
      %swap3A_116 = arith.index_cast %mul3A_113 : i32 to index
      %swap3A_117 = tpu.vector_load %arg5[%swap3A_115, %swap3A_116] {strides = array<i32>} : memref<32x512xf32, #tpu.memory_space<vmem>>, vector<16xf32>,
      tpu.vector_store %arg5[%swap3A_115, %swap3A_116], %gather3A_111 {strides = array<i32>} : memref<32x512xf32, #tpu.memory_space<vmem>>, vector<16xf32>,
      %broadcast_in_dim3A_118 = arith.constant 12 : i32
      %broadcast_in_dim3A_119 = vector.broadcast %broadcast_in_dim3A_118 : i32 to vector<16xi32>
      %gather3A_120 = tpu.vector_load_idx %arg4[%add3A_12, %broadcast_in_dim3A_119] : memref<512x128xf32, #tpu.memory_space<vmem>>[vector<16xi32>, vector<16xi32>], vector<16xf32>,
      %mul3A_121 = arith.constant 16 : i32
      %mul3A_122 = arith.muli %scan3A_8, %mul3A_121 : i32
      %swap3A_123 = arith.constant 12 : i32
      %swap3A_124 = arith.index_cast %swap3A_123 : i32 to index
      %swap3A_125 = arith.index_cast %mul3A_122 : i32 to index
      %swap3A_126 = tpu.vector_load %arg5[%swap3A_124, %swap3A_125] {strides = array<i32>} : memref<32x512xf32, #tpu.memory_space<vmem>>, vector<16xf32>,
      tpu.vector_store %arg5[%swap3A_124, %swap3A_125], %gather3A_120 {strides = array<i32>} : memref<32x512xf32, #tpu.memory_space<vmem>>, vector<16xf32>,
      %broadcast_in_dim3A_127 = arith.constant 13 : i32
      %broadcast_in_dim3A_128 = vector.broadcast %broadcast_in_dim3A_127 : i32 to vector<16xi32>
      %gather3A_129 = tpu.vector_load_idx %arg4[%add3A_12, %broadcast_in_dim3A_128] : memref<512x128xf32, #tpu.memory_space<vmem>>[vector<16xi32>, vector<16xi32>], vector<16xf32>,
      %mul3A_130 = arith.constant 16 : i32
      %mul3A_131 = arith.muli %scan3A_8, %mul3A_130 : i32
      %swap3A_132 = arith.constant 13 : i32
      %swap3A_133 = arith.index_cast %swap3A_132 : i32 to index
      %swap3A_134 = arith.index_cast %mul3A_131 : i32 to index
      %swap3A_135 = tpu.vector_load %arg5[%swap3A_133, %swap3A_134] {strides = array<i32>} : memref<32x512xf32, #tpu.memory_space<vmem>>, vector<16xf32>,
      tpu.vector_store %arg5[%swap3A_133, %swap3A_134], %gather3A_129 {strides = array<i32>} : memref<32x512xf32, #tpu.memory_space<vmem>>, vector<16xf32>,
      %broadcast_in_dim3A_136 = arith.constant 14 : i32
      %broadcast_in_dim3A_137 = vector.broadcast %broadcast_in_dim3A_136 : i32 to vector<16xi32>
      %gather3A_138 = tpu.vector_load_idx %arg4[%add3A_12, %broadcast_in_dim3A_137] : memref<512x128xf32, #tpu.memory_space<vmem>>[vector<16xi32>, vector<16xi32>], vector<16xf32>,
      %mul3A_139 = arith.constant 16 : i32
      %mul3A_140 = arith.muli %scan3A_8, %mul3A_139 : i32
      %swap3A_141 = arith.constant 14 : i32
      %swap3A_142 = arith.index_cast %swap3A_141 : i32 to index
      %swap3A_143 = arith.index_cast %mul3A_140 : i32 to index
      %swap3A_144 = tpu.vector_load %arg5[%swap3A_142, %swap3A_143] {strides = array<i32>} : memref<32x512xf32, #tpu.memory_space<vmem>>, vector<16xf32>,
      tpu.vector_store %arg5[%swap3A_142, %swap3A_143], %gather3A_138 {strides = array<i32>} : memref<32x512xf32, #tpu.memory_space<vmem>>, vector<16xf32>,
      %broadcast_in_dim3A_145 = arith.constant 15 : i32
      %broadcast_in_dim3A_146 = vector.broadcast %broadcast_in_dim3A_145 : i32 to vector<16xi32>
      %gather3A_147 = tpu.vector_load_idx %arg4[%add3A_12, %broadcast_in_dim3A_146] : memref<512x128xf32, #tpu.memory_space<vmem>>[vector<16xi32>, vector<16xi32>], vector<16xf32>,
      %mul3A_148 = arith.constant 16 : i32
      %mul3A_149 = arith.muli %scan3A_8, %mul3A_148 : i32
      %swap3A_150 = arith.constant 15 : i32
      %swap3A_151 = arith.index_cast %swap3A_150 : i32 to index
      %swap3A_152 = arith.index_cast %mul3A_149 : i32 to index
      %swap3A_153 = tpu.vector_load %arg5[%swap3A_151, %swap3A_152] {strides = array<i32>} : memref<32x512xf32, #tpu.memory_space<vmem>>, vector<16xf32>,
      tpu.vector_store %arg5[%swap3A_151, %swap3A_152], %gather3A_147 {strides = array<i32>} : memref<32x512xf32, #tpu.memory_space<vmem>>, vector<16xf32>,
      %broadcast_in_dim3A_154 = arith.constant 16 : i32
      %broadcast_in_dim3A_155 = vector.broadcast %broadcast_in_dim3A_154 : i32 to vector<16xi32>
      %gather3A_156 = tpu.vector_load_idx %arg4[%add3A_12, %broadcast_in_dim3A_155] : memref<512x128xf32, #tpu.memory_space<vmem>>[vector<16xi32>, vector<16xi32>], vector<16xf32>,
      %mul3A_157 = arith.constant 16 : i32
      %mul3A_158 = arith.muli %scan3A_8, %mul3A_157 : i32
      %swap3A_159 = arith.constant 16 : i32
      %swap3A_160 = arith.index_cast %swap3A_159 : i32 to index
      %swap3A_161 = arith.index_cast %mul3A_158 : i32 to index
      %swap3A_162 = tpu.vector_load %arg5[%swap3A_160, %swap3A_161] {strides = array<i32>} : memref<32x512xf32, #tpu.memory_space<vmem>>, vector<16xf32>,
      tpu.vector_store %arg5[%swap3A_160, %swap3A_161], %gather3A_156 {strides = array<i32>} : memref<32x512xf32, #tpu.memory_space<vmem>>, vector<16xf32>,
      %broadcast_in_dim3A_163 = arith.constant 17 : i32
      %broadcast_in_dim3A_164 = vector.broadcast %broadcast_in_dim3A_163 : i32 to vector<16xi32>
      %gather3A_165 = tpu.vector_load_idx %arg4[%add3A_12, %broadcast_in_dim3A_164] : memref<512x128xf32, #tpu.memory_space<vmem>>[vector<16xi32>, vector<16xi32>], vector<16xf32>,
      %mul3A_166 = arith.constant 16 : i32
      %mul3A_167 = arith.muli %scan3A_8, %mul3A_166 : i32
      %swap3A_168 = arith.constant 17 : i32
      %swap3A_169 = arith.index_cast %swap3A_168 : i32 to index
      %swap3A_170 = arith.index_cast %mul3A_167 : i32 to index
      %swap3A_171 = tpu.vector_load %arg5[%swap3A_169, %swap3A_170] {strides = array<i32>} : memref<32x512xf32, #tpu.memory_space<vmem>>, vector<16xf32>,
      tpu.vector_store %arg5[%swap3A_169, %swap3A_170], %gather3A_165 {strides = array<i32>} : memref<32x512xf32, #tpu.memory_space<vmem>>, vector<16xf32>,
      %broadcast_in_dim3A_172 = arith.constant 18 : i32
      %broadcast_in_dim3A_173 = vector.broadcast %broadcast_in_dim3A_172 : i32 to vector<16xi32>
      %gather3A_174 = tpu.vector_load_idx %arg4[%add3A_12, %broadcast_in_dim3A_173] : memref<512x128xf32, #tpu.memory_space<vmem>>[vector<16xi32>, vector<16xi32>], vector<16xf32>,
      %mul3A_175 = arith.constant 16 : i32
      %mul3A_176 = arith.muli %scan3A_8, %mul3A_175 : i32
      %swap3A_177 = arith.constant 18 : i32
      %swap3A_178 = arith.index_cast %swap3A_177 : i32 to index
      %swap3A_179 = arith.index_cast %mul3A_176 : i32 to index
      %swap3A_180 = tpu.vector_load %arg5[%swap3A_178, %swap3A_179] {strides = array<i32>} : memref<32x512xf32, #tpu.memory_space<vmem>>, vector<16xf32>,
      tpu.vector_store %arg5[%swap3A_178, %swap3A_179], %gather3A_174 {strides = array<i32>} : memref<32x512xf32, #tpu.memory_space<vmem>>, vector<16xf32>,
      %broadcast_in_dim3A_181 = arith.constant 19 : i32
      %broadcast_in_dim3A_182 = vector.broadcast %broadcast_in_dim3A_181 : i32 to vector<16xi32>
      %gather3A_183 = tpu.vector_load_idx %arg4[%add3A_12, %broadcast_in_dim3A_182] : memref<512x128xf32, #tpu.memory_space<vmem>>[vector<16xi32>, vector<16xi32>], vector<16xf32>,
      %mul3A_184 = arith.constant 16 : i32
      %mul3A_185 = arith.muli %scan3A_8, %mul3A_184 : i32
      %swap3A_186 = arith.constant 19 : i32
      %swap3A_187 = arith.index_cast %swap3A_186 : i32 to index
      %swap3A_188 = arith.index_cast %mul3A_185 : i32 to index
      %swap3A_189 = tpu.vector_load %arg5[%swap3A_187, %swap3A_188] {strides = array<i32>} : memref<32x512xf32, #tpu.memory_space<vmem>>, vector<16xf32>,
      tpu.vector_store %arg5[%swap3A_187, %swap3A_188], %gather3A_183 {strides = array<i32>} : memref<32x512xf32, #tpu.memory_space<vmem>>, vector<16xf32>,
      %broadcast_in_dim3A_190 = arith.constant 20 : i32
      %broadcast_in_dim3A_191 = vector.broadcast %broadcast_in_dim3A_190 : i32 to vector<16xi32>
      %gather3A_192 = tpu.vector_load_idx %arg4[%add3A_12, %broadcast_in_dim3A_191] : memref<512x128xf32, #tpu.memory_space<vmem>>[vector<16xi32>, vector<16xi32>], vector<16xf32>,
      %mul3A_193 = arith.constant 16 : i32
      %mul3A_194 = arith.muli %scan3A_8, %mul3A_193 : i32
      %swap3A_195 = arith.constant 20 : i32
      %swap3A_196 = arith.index_cast %swap3A_195 : i32 to index
      %swap3A_197 = arith.index_cast %mul3A_194 : i32 to index
      %swap3A_198 = tpu.vector_load %arg5[%swap3A_196, %swap3A_197] {strides = array<i32>} : memref<32x512xf32, #tpu.memory_space<vmem>>, vector<16xf32>,
      tpu.vector_store %arg5[%swap3A_196, %swap3A_197], %gather3A_192 {strides = array<i32>} : memref<32x512xf32, #tpu.memory_space<vmem>>, vector<16xf32>,
      %broadcast_in_dim3A_199 = arith.constant 21 : i32
      %broadcast_in_dim3A_200 = vector.broadcast %broadcast_in_dim3A_199 : i32 to vector<16xi32>
      %gather3A_201 = tpu.vector_load_idx %arg4[%add3A_12, %broadcast_in_dim3A_200] : memref<512x128xf32, #tpu.memory_space<vmem>>[vector<16xi32>, vector<16xi32>], vector<16xf32>,
      %mul3A_202 = arith.constant 16 : i32
      %mul3A_203 = arith.muli %scan3A_8, %mul3A_202 : i32
      %swap3A_204 = arith.constant 21 : i32
      %swap3A_205 = arith.index_cast %swap3A_204 : i32 to index
      %swap3A_206 = arith.index_cast %mul3A_203 : i32 to index
      %swap3A_207 = tpu.vector_load %arg5[%swap3A_205, %swap3A_206] {strides = array<i32>} : memref<32x512xf32, #tpu.memory_space<vmem>>, vector<16xf32>,
      tpu.vector_store %arg5[%swap3A_205, %swap3A_206], %gather3A_201 {strides = array<i32>} : memref<32x512xf32, #tpu.memory_space<vmem>>, vector<16xf32>,
      %broadcast_in_dim3A_208 = arith.constant 22 : i32
      %broadcast_in_dim3A_209 = vector.broadcast %broadcast_in_dim3A_208 : i32 to vector<16xi32>
      %gather3A_210 = tpu.vector_load_idx %arg4[%add3A_12, %broadcast_in_dim3A_209] : memref<512x128xf32, #tpu.memory_space<vmem>>[vector<16xi32>, vector<16xi32>], vector<16xf32>,
      %mul3A_211 = arith.constant 16 : i32
      %mul3A_212 = arith.muli %scan3A_8, %mul3A_211 : i32
      %swap3A_213 = arith.constant 22 : i32
      %swap3A_214 = arith.index_cast %swap3A_213 : i32 to index
      %swap3A_215 = arith.index_cast %mul3A_212 : i32 to index
      %swap3A_216 = tpu.vector_load %arg5[%swap3A_214, %swap3A_215] {strides = array<i32>} : memref<32x512xf32, #tpu.memory_space<vmem>>, vector<16xf32>,
      tpu.vector_store %arg5[%swap3A_214, %swap3A_215], %gather3A_210 {strides = array<i32>} : memref<32x512xf32, #tpu.memory_space<vmem>>, vector<16xf32>,
      %broadcast_in_dim3A_217 = arith.constant 23 : i32
      %broadcast_in_dim3A_218 = vector.broadcast %broadcast_in_dim3A_217 : i32 to vector<16xi32>
      %gather3A_219 = tpu.vector_load_idx %arg4[%add3A_12, %broadcast_in_dim3A_218] : memref<512x128xf32, #tpu.memory_space<vmem>>[vector<16xi32>, vector<16xi32>], vector<16xf32>,
      %mul3A_220 = arith.constant 16 : i32
      %mul3A_221 = arith.muli %scan3A_8, %mul3A_220 : i32
      %swap3A_222 = arith.constant 23 : i32
      %swap3A_223 = arith.index_cast %swap3A_222 : i32 to index
      %swap3A_224 = arith.index_cast %mul3A_221 : i32 to index
      %swap3A_225 = tpu.vector_load %arg5[%swap3A_223, %swap3A_224] {strides = array<i32>} : memref<32x512xf32, #tpu.memory_space<vmem>>, vector<16xf32>,
      tpu.vector_store %arg5[%swap3A_223, %swap3A_224], %gather3A_219 {strides = array<i32>} : memref<32x512xf32, #tpu.memory_space<vmem>>, vector<16xf32>,
      %broadcast_in_dim3A_226 = arith.constant 24 : i32
      %broadcast_in_dim3A_227 = vector.broadcast %broadcast_in_dim3A_226 : i32 to vector<16xi32>
      %gather3A_228 = tpu.vector_load_idx %arg4[%add3A_12, %broadcast_in_dim3A_227] : memref<512x128xf32, #tpu.memory_space<vmem>>[vector<16xi32>, vector<16xi32>], vector<16xf32>,
      %mul3A_229 = arith.constant 16 : i32
      %mul3A_230 = arith.muli %scan3A_8, %mul3A_229 : i32
      %swap3A_231 = arith.constant 24 : i32
      %swap3A_232 = arith.index_cast %swap3A_231 : i32 to index
      %swap3A_233 = arith.index_cast %mul3A_230 : i32 to index
      %swap3A_234 = tpu.vector_load %arg5[%swap3A_232, %swap3A_233] {strides = array<i32>} : memref<32x512xf32, #tpu.memory_space<vmem>>, vector<16xf32>,
      tpu.vector_store %arg5[%swap3A_232, %swap3A_233], %gather3A_228 {strides = array<i32>} : memref<32x512xf32, #tpu.memory_space<vmem>>, vector<16xf32>,
      %broadcast_in_dim3A_235 = arith.constant 25 : i32
      %broadcast_in_dim3A_236 = vector.broadcast %broadcast_in_dim3A_235 : i32 to vector<16xi32>
      %gather3A_237 = tpu.vector_load_idx %arg4[%add3A_12, %broadcast_in_dim3A_236] : memref<512x128xf32, #tpu.memory_space<vmem>>[vector<16xi32>, vector<16xi32>], vector<16xf32>,
      %mul3A_238 = arith.constant 16 : i32
      %mul3A_239 = arith.muli %scan3A_8, %mul3A_238 : i32
      %swap3A_240 = arith.constant 25 : i32
      %swap3A_241 = arith.index_cast %swap3A_240 : i32 to index
      %swap3A_242 = arith.index_cast %mul3A_239 : i32 to index
      %swap3A_243 = tpu.vector_load %arg5[%swap3A_241, %swap3A_242] {strides = array<i32>} : memref<32x512xf32, #tpu.memory_space<vmem>>, vector<16xf32>,
      tpu.vector_store %arg5[%swap3A_241, %swap3A_242], %gather3A_237 {strides = array<i32>} : memref<32x512xf32, #tpu.memory_space<vmem>>, vector<16xf32>,
      %broadcast_in_dim3A_244 = arith.constant 26 : i32
      %broadcast_in_dim3A_245 = vector.broadcast %broadcast_in_dim3A_244 : i32 to vector<16xi32>
      %gather3A_246 = tpu.vector_load_idx %arg4[%add3A_12, %broadcast_in_dim3A_245] : memref<512x128xf32, #tpu.memory_space<vmem>>[vector<16xi32>, vector<16xi32>], vector<16xf32>,
      %mul3A_247 = arith.constant 16 : i32
      %mul3A_248 = arith.muli %scan3A_8, %mul3A_247 : i32
      %swap3A_249 = arith.constant 26 : i32
      %swap3A_250 = arith.index_cast %swap3A_249 : i32 to index
      %swap3A_251 = arith.index_cast %mul3A_248 : i32 to index
      %swap3A_252 = tpu.vector_load %arg5[%swap3A_250, %swap3A_251] {strides = array<i32>} : memref<32x512xf32, #tpu.memory_space<vmem>>, vector<16xf32>,
      tpu.vector_store %arg5[%swap3A_250, %swap3A_251], %gather3A_246 {strides = array<i32>} : memref<32x512xf32, #tpu.memory_space<vmem>>, vector<16xf32>,
      %broadcast_in_dim3A_253 = arith.constant 27 : i32
      %broadcast_in_dim3A_254 = vector.broadcast %broadcast_in_dim3A_253 : i32 to vector<16xi32>
      %gather3A_255 = tpu.vector_load_idx %arg4[%add3A_12, %broadcast_in_dim3A_254] : memref<512x128xf32, #tpu.memory_space<vmem>>[vector<16xi32>, vector<16xi32>], vector<16xf32>,
      %mul3A_256 = arith.constant 16 : i32
      %mul3A_257 = arith.muli %scan3A_8, %mul3A_256 : i32
      %swap3A_258 = arith.constant 27 : i32
      %swap3A_259 = arith.index_cast %swap3A_258 : i32 to index
      %swap3A_260 = arith.index_cast %mul3A_257 : i32 to index
      %swap3A_261 = tpu.vector_load %arg5[%swap3A_259, %swap3A_260] {strides = array<i32>} : memref<32x512xf32, #tpu.memory_space<vmem>>, vector<16xf32>,
      tpu.vector_store %arg5[%swap3A_259, %swap3A_260], %gather3A_255 {strides = array<i32>} : memref<32x512xf32, #tpu.memory_space<vmem>>, vector<16xf32>,
      %broadcast_in_dim3A_262 = arith.constant 28 : i32
      %broadcast_in_dim3A_263 = vector.broadcast %broadcast_in_dim3A_262 : i32 to vector<16xi32>
      %gather3A_264 = tpu.vector_load_idx %arg4[%add3A_12, %broadcast_in_dim3A_263] : memref<512x128xf32, #tpu.memory_space<vmem>>[vector<16xi32>, vector<16xi32>], vector<16xf32>,
      %mul3A_265 = arith.constant 16 : i32
      %mul3A_266 = arith.muli %scan3A_8, %mul3A_265 : i32
      %swap3A_267 = arith.constant 28 : i32
      %swap3A_268 = arith.index_cast %swap3A_267 : i32 to index
      %swap3A_269 = arith.index_cast %mul3A_266 : i32 to index
      %swap3A_270 = tpu.vector_load %arg5[%swap3A_268, %swap3A_269] {strides = array<i32>} : memref<32x512xf32, #tpu.memory_space<vmem>>, vector<16xf32>,
      tpu.vector_store %arg5[%swap3A_268, %swap3A_269], %gather3A_264 {strides = array<i32>} : memref<32x512xf32, #tpu.memory_space<vmem>>, vector<16xf32>,
      %broadcast_in_dim3A_271 = arith.constant 29 : i32
      %broadcast_in_dim3A_272 = vector.broadcast %broadcast_in_dim3A_271 : i32 to vector<16xi32>
      %gather3A_273 = tpu.vector_load_idx %arg4[%add3A_12, %broadcast_in_dim3A_272] : memref<512x128xf32, #tpu.memory_space<vmem>>[vector<16xi32>, vector<16xi32>], vector<16xf32>,
      %mul3A_274 = arith.constant 16 : i32
      %mul3A_275 = arith.muli %scan3A_8, %mul3A_274 : i32
      %swap3A_276 = arith.constant 29 : i32
      %swap3A_277 = arith.index_cast %swap3A_276 : i32 to index
      %swap3A_278 = arith.index_cast %mul3A_275 : i32 to index
      %swap3A_279 = tpu.vector_load %arg5[%swap3A_277, %swap3A_278] {strides = array<i32>} : memref<32x512xf32, #tpu.memory_space<vmem>>, vector<16xf32>,
      tpu.vector_store %arg5[%swap3A_277, %swap3A_278], %gather3A_273 {strides = array<i32>} : memref<32x512xf32, #tpu.memory_space<vmem>>, vector<16xf32>,
      %broadcast_in_dim3A_280 = arith.constant 30 : i32
      %broadcast_in_dim3A_281 = vector.broadcast %broadcast_in_dim3A_280 : i32 to vector<16xi32>
      %gather3A_282 = tpu.vector_load_idx %arg4[%add3A_12, %broadcast_in_dim3A_281] : memref<512x128xf32, #tpu.memory_space<vmem>>[vector<16xi32>, vector<16xi32>], vector<16xf32>,
      %mul3A_283 = arith.constant 16 : i32
      %mul3A_284 = arith.muli %scan3A_8, %mul3A_283 : i32
      %swap3A_285 = arith.constant 30 : i32
      %swap3A_286 = arith.index_cast %swap3A_285 : i32 to index
      %swap3A_287 = arith.index_cast %mul3A_284 : i32 to index
      %swap3A_288 = tpu.vector_load %arg5[%swap3A_286, %swap3A_287] {strides = array<i32>} : memref<32x512xf32, #tpu.memory_space<vmem>>, vector<16xf32>,
      tpu.vector_store %arg5[%swap3A_286, %swap3A_287], %gather3A_282 {strides = array<i32>} : memref<32x512xf32, #tpu.memory_space<vmem>>, vector<16xf32>,
      %broadcast_in_dim3A_289 = arith.constant 31 : i32
      %broadcast_in_dim3A_290 = vector.broadcast %broadcast_in_dim3A_289 : i32 to vector<16xi32>
      %gather3A_291 = tpu.vector_load_idx %arg4[%add3A_12, %broadcast_in_dim3A_290] : memref<512x128xf32, #tpu.memory_space<vmem>>[vector<16xi32>, vector<16xi32>], vector<16xf32>,
      %mul3A_292 = arith.constant 16 : i32
      %mul3A_293 = arith.muli %scan3A_8, %mul3A_292 : i32
      %swap3A_294 = arith.constant 31 : i32
      %swap3A_295 = arith.index_cast %swap3A_294 : i32 to index
      %swap3A_296 = arith.index_cast %mul3A_293 : i32 to index
      %swap3A_297 = tpu.vector_load %arg5[%swap3A_295, %swap3A_296] {strides = array<i32>} : memref<32x512xf32, #tpu.memory_space<vmem>>, vector<16xf32>,
      tpu.vector_store %arg5[%swap3A_295, %swap3A_296], %gather3A_291 {strides = array<i32>} : memref<32x512xf32, #tpu.memory_space<vmem>>, vector<16xf32>,
    }
    %scan3A_7 = arith.constant 32 : i32
    "tpu.region"() ({
      %run_scoped3A = tpu.sem_alloc : memref<!tpu.dma_semaphore, #tpu.memory_space<semaphore_mem>>
      %dma_start3A = arith.constant 0 : i32
      %dma_start3A_8 = tpu.memref_slice %arg3[%dma_start3A, %multiple_of3A] : memref<32x16384xf32, #tpu.memory_space<hbm>> -> memref<32x512xf32, #tpu.memory_space<hbm>>
      %dma_start3A_9 = arith.constant 0 : i32
      %dma_start3A_10 = tpu.memref_slice %arg3[%dma_start3A_9, %multiple_of3A] : memref<32x16384xf32, #tpu.memory_space<hbm>> -> memref<32x512xf32, #tpu.memory_space<hbm>>
      tpu.enqueue_dma source(%arg5 : memref<32x512xf32, #tpu.memory_space<vmem>>) target(%dma_start3A_10 : memref<32x512xf32, #tpu.memory_space<hbm>>) target_semaphore(%run_scoped3A : memref<!tpu.dma_semaphore, #tpu.memory_space<semaphore_mem>>)
      %dma_wait3A = arith.constant 0 : i32
      %dma_wait3A_11 = tpu.memref_slice %arg3[%dma_wait3A, %multiple_of3A] : memref<32x16384xf32, #tpu.memory_space<hbm>> -> memref<32x512xf32, #tpu.memory_space<hbm>>
      %dma_wait3A_12 = arith.constant 0 : i32
      %dma_wait3A_13 = tpu.memref_slice %arg3[%dma_wait3A_12, %multiple_of3A] : memref<32x16384xf32, #tpu.memory_space<hbm>> -> memref<32x512xf32, #tpu.memory_space<hbm>>
      tpu.wait_dma2 semaphore(%run_scoped3A : memref<!tpu.dma_semaphore, #tpu.memory_space<semaphore_mem>>) src(%arg5 : memref<32x512xf32, #tpu.memory_space<vmem>>) dst(%dma_wait3A_13 : memref<32x512xf32, #tpu.memory_space<hbm>>)
      tpu.yield
    }) : () -> ()
    return
  }
}

#map = affine_map<(d0, d1) -> (0, 0)>
#map1 = affine_map<(d0, d1) -> (0)>
module attributes {stable_mosaic.version = 14 : i64} {
  func.func @scan_kernel(%arg0: i32, %arg1: i32, %arg2: memref<32x1000000xf32, #tpu.memory_space<hbm>>, %arg3: memref<16384xi32, #tpu.memory_space<hbm>>, %arg4: memref<16416x128xf32, #tpu.memory_space<hbm>>, %arg5: memref<16384xi32, #tpu.memory_space<vmem>>, %arg6: memref<2048xi32, #tpu.memory_space<vmem>>, %arg7: memref<2048xi32, #tpu.memory_space<vmem>>, %arg8: memref<2x4x8x1024xf32, #tpu.memory_space<vmem>>, %arg9: memref<2x48xi32, #tpu.memory_space<vmem>>, %arg10: memref<2x48xi32, #tpu.memory_space<vmem>>, %arg11: memref<2x48x128xf32, #tpu.memory_space<vmem>>, %arg12: memref<2x!tpu.dma_semaphore, #tpu.memory_space<semaphore_mem>>, %arg13: memref<2x!tpu.dma_semaphore, #tpu.memory_space<semaphore_mem>>) attributes {dimension_semantics = [#tpu.dimension_semantics<core_parallel>, #tpu.dimension_semantics<subcore_parallel>], iteration_bounds = array<i64: 2, 16>, scalar_prefetch = 0 : i64, scratch_operands = 9 : i64, tpu.core_type = #tpu.core_type<sc_vector_subcore>, window_params = [{transform_indices = #map}, {transform_indices = #map1}, {transform_indices = #map}]} {
    %mul3A = arith.constant 2 : i32
    %mul3A_0 = arith.muli %arg1, %mul3A : i32
    %add3A = arith.addi %mul3A_0, %arg0 : i32
    %mul3A_1 = arith.constant 245 : i32
    %mul3A_2 = arith.muli %add3A, %mul3A_1 : i32
    %add3A_3 = arith.constant 245 : i32
    %add3A_4 = arith.addi %mul3A_2, %add3A_3 : i32
    %min3A = arith.constant 7813 : i32
    %min3A_5 = arith.minsi %add3A_4, %min3A : i32
    %iota3A = tpu.iota {dimensions = array<i32: 0>} : vector<16xi32>
    "tpu.region"() ({
      %run_scoped3A = tpu.sem_alloc : memref<!tpu.dma_semaphore, #tpu.memory_space<semaphore_mem>>
      tpu.enqueue_dma source(%arg3 : memref<16384xi32, #tpu.memory_space<hbm>>) target(%arg5 : memref<16384xi32, #tpu.memory_space<vmem>>) target_semaphore(%run_scoped3A : memref<!tpu.dma_semaphore, #tpu.memory_space<semaphore_mem>>)
      tpu.wait_dma2 semaphore(%run_scoped3A : memref<!tpu.dma_semaphore, #tpu.memory_space<semaphore_mem>>) src(%arg3 : memref<16384xi32, #tpu.memory_space<hbm>>) dst(%arg5 : memref<16384xi32, #tpu.memory_space<vmem>>)
      tpu.yield
    }) : () -> ()
    %add3A_6 = arith.constant 0 : i32
    %add3A_7 = arith.addi %mul3A_2, %add3A_6 : i32
    %min3A_8 = arith.constant 7805 : i32
    %min3A_9 = arith.minsi %add3A_7, %min3A_8 : i32
    %mul3A_10 = arith.constant 128 : i32
    %mul3A_11 = arith.muli %min3A_9, %mul3A_10 : i32
    %multiple_of3A = tpu.assume_multiple %mul3A_11, 128 : i32
    %dma_start3A = arith.constant 0 : i32
    %dma_start3A_12 = arith.constant 0 : i32
    %dma_start3A_13 = arith.constant 0 : i32
    %dma_start3A_14 = arith.constant 0 : i32
    %dma_start3A_15 = arith.constant 0 : i32
    %dma_start3A_16 = arith.constant 0 : i32
    %dma_start3A_17 = tpu.memref_slice %arg8[%dma_start3A_12, %dma_start3A_13, %dma_start3A_15, %dma_start3A_16] : memref<2x4x8x1024xf32, #tpu.memory_space<vmem>> -> memref<1x1x8x1024xf32, #tpu.memory_space<vmem>>
    %dma_start3A_18 = tpu.memref_squeeze %dma_start3A_17 : memref<1x1x8x1024xf32, #tpu.memory_space<vmem>> -> memref<8x1024xf32, #tpu.memory_space<vmem>>
    %dma_start3A_19 = tpu.memref_reshape %arg2 : memref<32x1000000xf32, #tpu.memory_space<hbm>> -> memref<4x8x1000000xf32, #tpu.memory_space<hbm>>
    %dma_start3A_20 = arith.constant 0 : i32
    %dma_start3A_21 = tpu.memref_slice %dma_start3A_19[%dma_start3A, %dma_start3A_20, %multiple_of3A] : memref<4x8x1000000xf32, #tpu.memory_space<hbm>> -> memref<1x8x1024xf32, #tpu.memory_space<hbm>>
    %dma_start3A_22 = tpu.memref_squeeze %dma_start3A_21 : memref<1x8x1024xf32, #tpu.memory_space<hbm>> -> memref<8x1024xf32, #tpu.memory_space<hbm>>
    %dma_start3A_23 = tpu.memref_slice %arg12[%dma_start3A_14] : memref<2x!tpu.dma_semaphore, #tpu.memory_space<semaphore_mem>> -> memref<1x!tpu.dma_semaphore, #tpu.memory_space<semaphore_mem>>
    %dma_start3A_24 = tpu.memref_squeeze %dma_start3A_23 : memref<1x!tpu.dma_semaphore, #tpu.memory_space<semaphore_mem>> -> memref<!tpu.dma_semaphore, #tpu.memory_space<semaphore_mem>>
    %dma_start3A_25 = arith.constant 0 : i32
    %dma_start3A_26 = arith.constant 0 : i32
    %dma_start3A_27 = tpu.memref_slice %arg8[%dma_start3A_12, %dma_start3A_13, %dma_start3A_25, %dma_start3A_26] : memref<2x4x8x1024xf32, #tpu.memory_space<vmem>> -> memref<1x1x8x1024xf32, #tpu.memory_space<vmem>>
    %dma_start3A_28 = tpu.memref_squeeze %dma_start3A_27 : memref<1x1x8x1024xf32, #tpu.memory_space<vmem>> -> memref<8x1024xf32, #tpu.memory_space<vmem>>
    %dma_start3A_29 = tpu.memref_reshape %arg2 : memref<32x1000000xf32, #tpu.memory_space<hbm>> -> memref<4x8x1000000xf32, #tpu.memory_space<hbm>>
    %dma_start3A_30 = arith.constant 0 : i32
    %dma_start3A_31 = tpu.memref_slice %dma_start3A_29[%dma_start3A, %dma_start3A_30, %multiple_of3A] : memref<4x8x1000000xf32, #tpu.memory_space<hbm>> -> memref<1x8x1024xf32, #tpu.memory_space<hbm>>
    %dma_start3A_32 = tpu.memref_squeeze %dma_start3A_31 : memref<1x8x1024xf32, #tpu.memory_space<hbm>> -> memref<8x1024xf32, #tpu.memory_space<hbm>>
    tpu.enqueue_dma source(%dma_start3A_32 : memref<8x1024xf32, #tpu.memory_space<hbm>>) target(%dma_start3A_28 : memref<8x1024xf32, #tpu.memory_space<vmem>>) target_semaphore(%dma_start3A_24 : memref<!tpu.dma_semaphore, #tpu.memory_space<semaphore_mem>>)
    %dma_start3A_33 = arith.constant 1 : i32
    %dma_start3A_34 = arith.constant 0 : i32
    %dma_start3A_35 = arith.constant 1 : i32
    %dma_start3A_36 = arith.constant 0 : i32
    %dma_start3A_37 = arith.constant 0 : i32
    %dma_start3A_38 = arith.constant 0 : i32
    %dma_start3A_39 = tpu.memref_slice %arg8[%dma_start3A_34, %dma_start3A_35, %dma_start3A_37, %dma_start3A_38] : memref<2x4x8x1024xf32, #tpu.memory_space<vmem>> -> memref<1x1x8x1024xf32, #tpu.memory_space<vmem>>
    %dma_start3A_40 = tpu.memref_squeeze %dma_start3A_39 : memref<1x1x8x1024xf32, #tpu.memory_space<vmem>> -> memref<8x1024xf32, #tpu.memory_space<vmem>>
    %dma_start3A_41 = tpu.memref_reshape %arg2 : memref<32x1000000xf32, #tpu.memory_space<hbm>> -> memref<4x8x1000000xf32, #tpu.memory_space<hbm>>
    %dma_start3A_42 = arith.constant 0 : i32
    %dma_start3A_43 = tpu.memref_slice %dma_start3A_41[%dma_start3A_33, %dma_start3A_42, %multiple_of3A] : memref<4x8x1000000xf32, #tpu.memory_space<hbm>> -> memref<1x8x1024xf32, #tpu.memory_space<hbm>>
    %dma_start3A_44 = tpu.memref_squeeze %dma_start3A_43 : memref<1x8x1024xf32, #tpu.memory_space<hbm>> -> memref<8x1024xf32, #tpu.memory_space<hbm>>
    %dma_start3A_45 = tpu.memref_slice %arg12[%dma_start3A_36] : memref<2x!tpu.dma_semaphore, #tpu.memory_space<semaphore_mem>> -> memref<1x!tpu.dma_semaphore, #tpu.memory_space<semaphore_mem>>
    %dma_start3A_46 = tpu.memref_squeeze %dma_start3A_45 : memref<1x!tpu.dma_semaphore, #tpu.memory_space<semaphore_mem>> -> memref<!tpu.dma_semaphore, #tpu.memory_space<semaphore_mem>>
    %dma_start3A_47 = arith.constant 0 : i32
    %dma_start3A_48 = arith.constant 0 : i32
    %dma_start3A_49 = tpu.memref_slice %arg8[%dma_start3A_34, %dma_start3A_35, %dma_start3A_47, %dma_start3A_48] : memref<2x4x8x1024xf32, #tpu.memory_space<vmem>> -> memref<1x1x8x1024xf32, #tpu.memory_space<vmem>>
    %dma_start3A_50 = tpu.memref_squeeze %dma_start3A_49 : memref<1x1x8x1024xf32, #tpu.memory_space<vmem>> -> memref<8x1024xf32, #tpu.memory_space<vmem>>
    %dma_start3A_51 = tpu.memref_reshape %arg2 : memref<32x1000000xf32, #tpu.memory_space<hbm>> -> memref<4x8x1000000xf32, #tpu.memory_space<hbm>>
    %dma_start3A_52 = arith.constant 0 : i32
    %dma_start3A_53 = tpu.memref_slice %dma_start3A_51[%dma_start3A_33, %dma_start3A_52, %multiple_of3A] : memref<4x8x1000000xf32, #tpu.memory_space<hbm>> -> memref<1x8x1024xf32, #tpu.memory_space<hbm>>
    %dma_start3A_54 = tpu.memref_squeeze %dma_start3A_53 : memref<1x8x1024xf32, #tpu.memory_space<hbm>> -> memref<8x1024xf32, #tpu.memory_space<hbm>>
    tpu.enqueue_dma source(%dma_start3A_54 : memref<8x1024xf32, #tpu.memory_space<hbm>>) target(%dma_start3A_50 : memref<8x1024xf32, #tpu.memory_space<vmem>>) target_semaphore(%dma_start3A_46 : memref<!tpu.dma_semaphore, #tpu.memory_space<semaphore_mem>>)
    %dma_start3A_55 = arith.constant 2 : i32
    %dma_start3A_56 = arith.constant 0 : i32
    %dma_start3A_57 = arith.constant 2 : i32
    %dma_start3A_58 = arith.constant 0 : i32
    %dma_start3A_59 = arith.constant 0 : i32
    %dma_start3A_60 = arith.constant 0 : i32
    %dma_start3A_61 = tpu.memref_slice %arg8[%dma_start3A_56, %dma_start3A_57, %dma_start3A_59, %dma_start3A_60] : memref<2x4x8x1024xf32, #tpu.memory_space<vmem>> -> memref<1x1x8x1024xf32, #tpu.memory_space<vmem>>
    %dma_start3A_62 = tpu.memref_squeeze %dma_start3A_61 : memref<1x1x8x1024xf32, #tpu.memory_space<vmem>> -> memref<8x1024xf32, #tpu.memory_space<vmem>>
    %dma_start3A_63 = tpu.memref_reshape %arg2 : memref<32x1000000xf32, #tpu.memory_space<hbm>> -> memref<4x8x1000000xf32, #tpu.memory_space<hbm>>
    %dma_start3A_64 = arith.constant 0 : i32
    %dma_start3A_65 = tpu.memref_slice %dma_start3A_63[%dma_start3A_55, %dma_start3A_64, %multiple_of3A] : memref<4x8x1000000xf32, #tpu.memory_space<hbm>> -> memref<1x8x1024xf32, #tpu.memory_space<hbm>>
    %dma_start3A_66 = tpu.memref_squeeze %dma_start3A_65 : memref<1x8x1024xf32, #tpu.memory_space<hbm>> -> memref<8x1024xf32, #tpu.memory_space<hbm>>
    %dma_start3A_67 = tpu.memref_slice %arg12[%dma_start3A_58] : memref<2x!tpu.dma_semaphore, #tpu.memory_space<semaphore_mem>> -> memref<1x!tpu.dma_semaphore, #tpu.memory_space<semaphore_mem>>
    %dma_start3A_68 = tpu.memref_squeeze %dma_start3A_67 : memref<1x!tpu.dma_semaphore, #tpu.memory_space<semaphore_mem>> -> memref<!tpu.dma_semaphore, #tpu.memory_space<semaphore_mem>>
    %dma_start3A_69 = arith.constant 0 : i32
    %dma_start3A_70 = arith.constant 0 : i32
    %dma_start3A_71 = tpu.memref_slice %arg8[%dma_start3A_56, %dma_start3A_57, %dma_start3A_69, %dma_start3A_70] : memref<2x4x8x1024xf32, #tpu.memory_space<vmem>> -> memref<1x1x8x1024xf32, #tpu.memory_space<vmem>>
    %dma_start3A_72 = tpu.memref_squeeze %dma_start3A_71 : memref<1x1x8x1024xf32, #tpu.memory_space<vmem>> -> memref<8x1024xf32, #tpu.memory_space<vmem>>
    %dma_start3A_73 = tpu.memref_reshape %arg2 : memref<32x1000000xf32, #tpu.memory_space<hbm>> -> memref<4x8x1000000xf32, #tpu.memory_space<hbm>>
    %dma_start3A_74 = arith.constant 0 : i32
    %dma_start3A_75 = tpu.memref_slice %dma_start3A_73[%dma_start3A_55, %dma_start3A_74, %multiple_of3A] : memref<4x8x1000000xf32, #tpu.memory_space<hbm>> -> memref<1x8x1024xf32, #tpu.memory_space<hbm>>
    %dma_start3A_76 = tpu.memref_squeeze %dma_start3A_75 : memref<1x8x1024xf32, #tpu.memory_space<hbm>> -> memref<8x1024xf32, #tpu.memory_space<hbm>>
    tpu.enqueue_dma source(%dma_start3A_76 : memref<8x1024xf32, #tpu.memory_space<hbm>>) target(%dma_start3A_72 : memref<8x1024xf32, #tpu.memory_space<vmem>>) target_semaphore(%dma_start3A_68 : memref<!tpu.dma_semaphore, #tpu.memory_space<semaphore_mem>>)
    %dma_start3A_77 = arith.constant 3 : i32
    %dma_start3A_78 = arith.constant 0 : i32
    %dma_start3A_79 = arith.constant 3 : i32
    %dma_start3A_80 = arith.constant 0 : i32
    %dma_start3A_81 = arith.constant 0 : i32
    %dma_start3A_82 = arith.constant 0 : i32
    %dma_start3A_83 = tpu.memref_slice %arg8[%dma_start3A_78, %dma_start3A_79, %dma_start3A_81, %dma_start3A_82] : memref<2x4x8x1024xf32, #tpu.memory_space<vmem>> -> memref<1x1x8x1024xf32, #tpu.memory_space<vmem>>
    %dma_start3A_84 = tpu.memref_squeeze %dma_start3A_83 : memref<1x1x8x1024xf32, #tpu.memory_space<vmem>> -> memref<8x1024xf32, #tpu.memory_space<vmem>>
    %dma_start3A_85 = tpu.memref_reshape %arg2 : memref<32x1000000xf32, #tpu.memory_space<hbm>> -> memref<4x8x1000000xf32, #tpu.memory_space<hbm>>
    %dma_start3A_86 = arith.constant 0 : i32
    %dma_start3A_87 = tpu.memref_slice %dma_start3A_85[%dma_start3A_77, %dma_start3A_86, %multiple_of3A] : memref<4x8x1000000xf32, #tpu.memory_space<hbm>> -> memref<1x8x1024xf32, #tpu.memory_space<hbm>>
    %dma_start3A_88 = tpu.memref_squeeze %dma_start3A_87 : memref<1x8x1024xf32, #tpu.memory_space<hbm>> -> memref<8x1024xf32, #tpu.memory_space<hbm>>
    %dma_start3A_89 = tpu.memref_slice %arg12[%dma_start3A_80] : memref<2x!tpu.dma_semaphore, #tpu.memory_space<semaphore_mem>> -> memref<1x!tpu.dma_semaphore, #tpu.memory_space<semaphore_mem>>
    %dma_start3A_90 = tpu.memref_squeeze %dma_start3A_89 : memref<1x!tpu.dma_semaphore, #tpu.memory_space<semaphore_mem>> -> memref<!tpu.dma_semaphore, #tpu.memory_space<semaphore_mem>>
    %dma_start3A_91 = arith.constant 0 : i32
    %dma_start3A_92 = arith.constant 0 : i32
    %dma_start3A_93 = tpu.memref_slice %arg8[%dma_start3A_78, %dma_start3A_79, %dma_start3A_91, %dma_start3A_92] : memref<2x4x8x1024xf32, #tpu.memory_space<vmem>> -> memref<1x1x8x1024xf32, #tpu.memory_space<vmem>>
    %dma_start3A_94 = tpu.memref_squeeze %dma_start3A_93 : memref<1x1x8x1024xf32, #tpu.memory_space<vmem>> -> memref<8x1024xf32, #tpu.memory_space<vmem>>
    %dma_start3A_95 = tpu.memref_reshape %arg2 : memref<32x1000000xf32, #tpu.memory_space<hbm>> -> memref<4x8x1000000xf32, #tpu.memory_space<hbm>>
    %dma_start3A_96 = arith.constant 0 : i32
    %dma_start3A_97 = tpu.memref_slice %dma_start3A_95[%dma_start3A_77, %dma_start3A_96, %multiple_of3A] : memref<4x8x1000000xf32, #tpu.memory_space<hbm>> -> memref<1x8x1024xf32, #tpu.memory_space<hbm>>
    %dma_start3A_98 = tpu.memref_squeeze %dma_start3A_97 : memref<1x8x1024xf32, #tpu.memory_space<hbm>> -> memref<8x1024xf32, #tpu.memory_space<hbm>>
    tpu.enqueue_dma source(%dma_start3A_98 : memref<8x1024xf32, #tpu.memory_space<hbm>>) target(%dma_start3A_94 : memref<8x1024xf32, #tpu.memory_space<vmem>>) target_semaphore(%dma_start3A_90 : memref<!tpu.dma_semaphore, #tpu.memory_space<semaphore_mem>>)
    %add3A_99 = arith.constant 8 : i32
    %add3A_100 = arith.addi %mul3A_2, %add3A_99 : i32
    %min3A_101 = arith.constant 7805 : i32
    %min3A_102 = arith.minsi %add3A_100, %min3A_101 : i32
    %mul3A_103 = arith.constant 128 : i32
    %mul3A_104 = arith.muli %min3A_102, %mul3A_103 : i32
    %multiple_of3A_105 = tpu.assume_multiple %mul3A_104, 128 : i32
    %dma_start3A_106 = arith.constant 0 : i32
    %dma_start3A_107 = arith.constant 1 : i32
    %dma_start3A_108 = arith.constant 0 : i32
    %dma_start3A_109 = arith.constant 1 : i32
    %dma_start3A_110 = arith.constant 0 : i32
    %dma_start3A_111 = arith.constant 0 : i32
    %dma_start3A_112 = tpu.memref_slice %arg8[%dma_start3A_107, %dma_start3A_108, %dma_start3A_110, %dma_start3A_111] : memref<2x4x8x1024xf32, #tpu.memory_space<vmem>> -> memref<1x1x8x1024xf32, #tpu.memory_space<vmem>>
    %dma_start3A_113 = tpu.memref_squeeze %dma_start3A_112 : memref<1x1x8x1024xf32, #tpu.memory_space<vmem>> -> memref<8x1024xf32, #tpu.memory_space<vmem>>
    %dma_start3A_114 = tpu.memref_reshape %arg2 : memref<32x1000000xf32, #tpu.memory_space<hbm>> -> memref<4x8x1000000xf32, #tpu.memory_space<hbm>>
    %dma_start3A_115 = arith.constant 0 : i32
    %dma_start3A_116 = tpu.memref_slice %dma_start3A_114[%dma_start3A_106, %dma_start3A_115, %multiple_of3A_105] : memref<4x8x1000000xf32, #tpu.memory_space<hbm>> -> memref<1x8x1024xf32, #tpu.memory_space<hbm>>
    %dma_start3A_117 = tpu.memref_squeeze %dma_start3A_116 : memref<1x8x1024xf32, #tpu.memory_space<hbm>> -> memref<8x1024xf32, #tpu.memory_space<hbm>>
    %dma_start3A_118 = tpu.memref_slice %arg12[%dma_start3A_109] : memref<2x!tpu.dma_semaphore, #tpu.memory_space<semaphore_mem>> -> memref<1x!tpu.dma_semaphore, #tpu.memory_space<semaphore_mem>>
    %dma_start3A_119 = tpu.memref_squeeze %dma_start3A_118 : memref<1x!tpu.dma_semaphore, #tpu.memory_space<semaphore_mem>> -> memref<!tpu.dma_semaphore, #tpu.memory_space<semaphore_mem>>
    %dma_start3A_120 = arith.constant 0 : i32
    %dma_start3A_121 = arith.constant 0 : i32
    %dma_start3A_122 = tpu.memref_slice %arg8[%dma_start3A_107, %dma_start3A_108, %dma_start3A_120, %dma_start3A_121] : memref<2x4x8x1024xf32, #tpu.memory_space<vmem>> -> memref<1x1x8x1024xf32, #tpu.memory_space<vmem>>
    %dma_start3A_123 = tpu.memref_squeeze %dma_start3A_122 : memref<1x1x8x1024xf32, #tpu.memory_space<vmem>> -> memref<8x1024xf32, #tpu.memory_space<vmem>>
    %dma_start3A_124 = tpu.memref_reshape %arg2 : memref<32x1000000xf32, #tpu.memory_space<hbm>> -> memref<4x8x1000000xf32, #tpu.memory_space<hbm>>
    %dma_start3A_125 = arith.constant 0 : i32
    %dma_start3A_126 = tpu.memref_slice %dma_start3A_124[%dma_start3A_106, %dma_start3A_125, %multiple_of3A_105] : memref<4x8x1000000xf32, #tpu.memory_space<hbm>> -> memref<1x8x1024xf32, #tpu.memory_space<hbm>>
    %dma_start3A_127 = tpu.memref_squeeze %dma_start3A_126 : memref<1x8x1024xf32, #tpu.memory_space<hbm>> -> memref<8x1024xf32, #tpu.memory_space<hbm>>
    tpu.enqueue_dma source(%dma_start3A_127 : memref<8x1024xf32, #tpu.memory_space<hbm>>) target(%dma_start3A_123 : memref<8x1024xf32, #tpu.memory_space<vmem>>) target_semaphore(%dma_start3A_119 : memref<!tpu.dma_semaphore, #tpu.memory_space<semaphore_mem>>)
    %dma_start3A_128 = arith.constant 1 : i32
    %dma_start3A_129 = arith.constant 1 : i32
    %dma_start3A_130 = arith.constant 1 : i32
    %dma_start3A_131 = arith.constant 1 : i32
    %dma_start3A_132 = arith.constant 0 : i32
    %dma_start3A_133 = arith.constant 0 : i32
    %dma_start3A_134 = tpu.memref_slice %arg8[%dma_start3A_129, %dma_start3A_130, %dma_start3A_132, %dma_start3A_133] : memref<2x4x8x1024xf32, #tpu.memory_space<vmem>> -> memref<1x1x8x1024xf32, #tpu.memory_space<vmem>>
    %dma_start3A_135 = tpu.memref_squeeze %dma_start3A_134 : memref<1x1x8x1024xf32, #tpu.memory_space<vmem>> -> memref<8x1024xf32, #tpu.memory_space<vmem>>
    %dma_start3A_136 = tpu.memref_reshape %arg2 : memref<32x1000000xf32, #tpu.memory_space<hbm>> -> memref<4x8x1000000xf32, #tpu.memory_space<hbm>>
    %dma_start3A_137 = arith.constant 0 : i32
    %dma_start3A_138 = tpu.memref_slice %dma_start3A_136[%dma_start3A_128, %dma_start3A_137, %multiple_of3A_105] : memref<4x8x1000000xf32, #tpu.memory_space<hbm>> -> memref<1x8x1024xf32, #tpu.memory_space<hbm>>
    %dma_start3A_139 = tpu.memref_squeeze %dma_start3A_138 : memref<1x8x1024xf32, #tpu.memory_space<hbm>> -> memref<8x1024xf32, #tpu.memory_space<hbm>>
    %dma_start3A_140 = tpu.memref_slice %arg12[%dma_start3A_131] : memref<2x!tpu.dma_semaphore, #tpu.memory_space<semaphore_mem>> -> memref<1x!tpu.dma_semaphore, #tpu.memory_space<semaphore_mem>>
    %dma_start3A_141 = tpu.memref_squeeze %dma_start3A_140 : memref<1x!tpu.dma_semaphore, #tpu.memory_space<semaphore_mem>> -> memref<!tpu.dma_semaphore, #tpu.memory_space<semaphore_mem>>
    %dma_start3A_142 = arith.constant 0 : i32
    %dma_start3A_143 = arith.constant 0 : i32
    %dma_start3A_144 = tpu.memref_slice %arg8[%dma_start3A_129, %dma_start3A_130, %dma_start3A_142, %dma_start3A_143] : memref<2x4x8x1024xf32, #tpu.memory_space<vmem>> -> memref<1x1x8x1024xf32, #tpu.memory_space<vmem>>
    %dma_start3A_145 = tpu.memref_squeeze %dma_start3A_144 : memref<1x1x8x1024xf32, #tpu.memory_space<vmem>> -> memref<8x1024xf32, #tpu.memory_space<vmem>>
    %dma_start3A_146 = tpu.memref_reshape %arg2 : memref<32x1000000xf32, #tpu.memory_space<hbm>> -> memref<4x8x1000000xf32, #tpu.memory_space<hbm>>
    %dma_start3A_147 = arith.constant 0 : i32
    %dma_start3A_148 = tpu.memref_slice %dma_start3A_146[%dma_start3A_128, %dma_start3A_147, %multiple_of3A_105] : memref<4x8x1000000xf32, #tpu.memory_space<hbm>> -> memref<1x8x1024xf32, #tpu.memory_space<hbm>>
    %dma_start3A_149 = tpu.memref_squeeze %dma_start3A_148 : memref<1x8x1024xf32, #tpu.memory_space<hbm>> -> memref<8x1024xf32, #tpu.memory_space<hbm>>
    tpu.enqueue_dma source(%dma_start3A_149 : memref<8x1024xf32, #tpu.memory_space<hbm>>) target(%dma_start3A_145 : memref<8x1024xf32, #tpu.memory_space<vmem>>) target_semaphore(%dma_start3A_141 : memref<!tpu.dma_semaphore, #tpu.memory_space<semaphore_mem>>)
    %dma_start3A_150 = arith.constant 2 : i32
    %dma_start3A_151 = arith.constant 1 : i32
    %dma_start3A_152 = arith.constant 2 : i32
    %dma_start3A_153 = arith.constant 1 : i32
    %dma_start3A_154 = arith.constant 0 : i32
    %dma_start3A_155 = arith.constant 0 : i32
    %dma_start3A_156 = tpu.memref_slice %arg8[%dma_start3A_151, %dma_start3A_152, %dma_start3A_154, %dma_start3A_155] : memref<2x4x8x1024xf32, #tpu.memory_space<vmem>> -> memref<1x1x8x1024xf32, #tpu.memory_space<vmem>>
    %dma_start3A_157 = tpu.memref_squeeze %dma_start3A_156 : memref<1x1x8x1024xf32, #tpu.memory_space<vmem>> -> memref<8x1024xf32, #tpu.memory_space<vmem>>
    %dma_start3A_158 = tpu.memref_reshape %arg2 : memref<32x1000000xf32, #tpu.memory_space<hbm>> -> memref<4x8x1000000xf32, #tpu.memory_space<hbm>>
    %dma_start3A_159 = arith.constant 0 : i32
    %dma_start3A_160 = tpu.memref_slice %dma_start3A_158[%dma_start3A_150, %dma_start3A_159, %multiple_of3A_105] : memref<4x8x1000000xf32, #tpu.memory_space<hbm>> -> memref<1x8x1024xf32, #tpu.memory_space<hbm>>
    %dma_start3A_161 = tpu.memref_squeeze %dma_start3A_160 : memref<1x8x1024xf32, #tpu.memory_space<hbm>> -> memref<8x1024xf32, #tpu.memory_space<hbm>>
    %dma_start3A_162 = tpu.memref_slice %arg12[%dma_start3A_153] : memref<2x!tpu.dma_semaphore, #tpu.memory_space<semaphore_mem>> -> memref<1x!tpu.dma_semaphore, #tpu.memory_space<semaphore_mem>>
    %dma_start3A_163 = tpu.memref_squeeze %dma_start3A_162 : memref<1x!tpu.dma_semaphore, #tpu.memory_space<semaphore_mem>> -> memref<!tpu.dma_semaphore, #tpu.memory_space<semaphore_mem>>
    %dma_start3A_164 = arith.constant 0 : i32
    %dma_start3A_165 = arith.constant 0 : i32
    %dma_start3A_166 = tpu.memref_slice %arg8[%dma_start3A_151, %dma_start3A_152, %dma_start3A_164, %dma_start3A_165] : memref<2x4x8x1024xf32, #tpu.memory_space<vmem>> -> memref<1x1x8x1024xf32, #tpu.memory_space<vmem>>
    %dma_start3A_167 = tpu.memref_squeeze %dma_start3A_166 : memref<1x1x8x1024xf32, #tpu.memory_space<vmem>> -> memref<8x1024xf32, #tpu.memory_space<vmem>>
    %dma_start3A_168 = tpu.memref_reshape %arg2 : memref<32x1000000xf32, #tpu.memory_space<hbm>> -> memref<4x8x1000000xf32, #tpu.memory_space<hbm>>
    %dma_start3A_169 = arith.constant 0 : i32
    %dma_start3A_170 = tpu.memref_slice %dma_start3A_168[%dma_start3A_150, %dma_start3A_169, %multiple_of3A_105] : memref<4x8x1000000xf32, #tpu.memory_space<hbm>> -> memref<1x8x1024xf32, #tpu.memory_space<hbm>>
    %dma_start3A_171 = tpu.memref_squeeze %dma_start3A_170 : memref<1x8x1024xf32, #tpu.memory_space<hbm>> -> memref<8x1024xf32, #tpu.memory_space<hbm>>
    tpu.enqueue_dma source(%dma_start3A_171 : memref<8x1024xf32, #tpu.memory_space<hbm>>) target(%dma_start3A_167 : memref<8x1024xf32, #tpu.memory_space<vmem>>) target_semaphore(%dma_start3A_163 : memref<!tpu.dma_semaphore, #tpu.memory_space<semaphore_mem>>)
    %dma_start3A_172 = arith.constant 3 : i32
    %dma_start3A_173 = arith.constant 1 : i32
    %dma_start3A_174 = arith.constant 3 : i32
    %dma_start3A_175 = arith.constant 1 : i32
    %dma_start3A_176 = arith.constant 0 : i32
    %dma_start3A_177 = arith.constant 0 : i32
    %dma_start3A_178 = tpu.memref_slice %arg8[%dma_start3A_173, %dma_start3A_174, %dma_start3A_176, %dma_start3A_177] : memref<2x4x8x1024xf32, #tpu.memory_space<vmem>> -> memref<1x1x8x1024xf32, #tpu.memory_space<vmem>>
    %dma_start3A_179 = tpu.memref_squeeze %dma_start3A_178 : memref<1x1x8x1024xf32, #tpu.memory_space<vmem>> -> memref<8x1024xf32, #tpu.memory_space<vmem>>
    %dma_start3A_180 = tpu.memref_reshape %arg2 : memref<32x1000000xf32, #tpu.memory_space<hbm>> -> memref<4x8x1000000xf32, #tpu.memory_space<hbm>>
    %dma_start3A_181 = arith.constant 0 : i32
    %dma_start3A_182 = tpu.memref_slice %dma_start3A_180[%dma_start3A_172, %dma_start3A_181, %multiple_of3A_105] : memref<4x8x1000000xf32, #tpu.memory_space<hbm>> -> memref<1x8x1024xf32, #tpu.memory_space<hbm>>
    %dma_start3A_183 = tpu.memref_squeeze %dma_start3A_182 : memref<1x8x1024xf32, #tpu.memory_space<hbm>> -> memref<8x1024xf32, #tpu.memory_space<hbm>>
    %dma_start3A_184 = tpu.memref_slice %arg12[%dma_start3A_175] : memref<2x!tpu.dma_semaphore, #tpu.memory_space<semaphore_mem>> -> memref<1x!tpu.dma_semaphore, #tpu.memory_space<semaphore_mem>>
    %dma_start3A_185 = tpu.memref_squeeze %dma_start3A_184 : memref<1x!tpu.dma_semaphore, #tpu.memory_space<semaphore_mem>> -> memref<!tpu.dma_semaphore, #tpu.memory_space<semaphore_mem>>
    %dma_start3A_186 = arith.constant 0 : i32
    %dma_start3A_187 = arith.constant 0 : i32
    %dma_start3A_188 = tpu.memref_slice %arg8[%dma_start3A_173, %dma_start3A_174, %dma_start3A_186, %dma_start3A_187] : memref<2x4x8x1024xf32, #tpu.memory_space<vmem>> -> memref<1x1x8x1024xf32, #tpu.memory_space<vmem>>
    %dma_start3A_189 = tpu.memref_squeeze %dma_start3A_188 : memref<1x1x8x1024xf32, #tpu.memory_space<vmem>> -> memref<8x1024xf32, #tpu.memory_space<vmem>>
    %dma_start3A_190 = tpu.memref_reshape %arg2 : memref<32x1000000xf32, #tpu.memory_space<hbm>> -> memref<4x8x1000000xf32, #tpu.memory_space<hbm>>
    %dma_start3A_191 = arith.constant 0 : i32
    %dma_start3A_192 = tpu.memref_slice %dma_start3A_190[%dma_start3A_172, %dma_start3A_191, %multiple_of3A_105] : memref<4x8x1000000xf32, #tpu.memory_space<hbm>> -> memref<1x8x1024xf32, #tpu.memory_space<hbm>>
    %dma_start3A_193 = tpu.memref_squeeze %dma_start3A_192 : memref<1x8x1024xf32, #tpu.memory_space<hbm>> -> memref<8x1024xf32, #tpu.memory_space<hbm>>
    tpu.enqueue_dma source(%dma_start3A_193 : memref<8x1024xf32, #tpu.memory_space<hbm>>) target(%dma_start3A_189 : memref<8x1024xf32, #tpu.memory_space<vmem>>) target_semaphore(%dma_start3A_185 : memref<!tpu.dma_semaphore, #tpu.memory_space<semaphore_mem>>)
    %broadcast_in_dim3A = vector.broadcast %mul3A_2 : i32 to vector<16xi32>
    %broadcast_in_dim3A_194 = vector.broadcast %min3A_5 : i32 to vector<16xi32>
    %scan3A = arith.constant 0 : i32
    %scan3A_195 = arith.constant 0 : i32
    %scan3A_196 = arith.constant 1024 : i32
    %scan3A_197 = arith.addi %scan3A_195, %scan3A_196 : i32
    %scan3A_198 = arith.constant 1 : i32
    %scan3A_199 = scf.for %scan3A_268 = %scan3A_195 to %scan3A_197 step %scan3A_198 iter_args(%scan3A_269 = %scan3A) -> (i32)  : i32 {
      %mul3A_270 = arith.constant 16 : i32
      %mul3A_271 = arith.muli %scan3A_268, %mul3A_270 : i32
      %get3A = arith.index_cast %mul3A_271 : i32 to index
      %get3A_272 = tpu.vector_load %arg5[%get3A] {strides = array<i32>} : memref<16384xi32, #tpu.memory_space<vmem>>, vector<16xi32>,
      %shift_right_arithmetic3A_273 = arith.constant 7 : i32
      %shift_right_arithmetic3A_274 = vector.broadcast %shift_right_arithmetic3A_273 : i32 to vector<16xi32>
      %shift_right_arithmetic3A_275 = arith.shrsi %get3A_272, %shift_right_arithmetic3A_274 : vector<16xi32>
      %ge3A = arith.cmpi sge, %shift_right_arithmetic3A_275, %broadcast_in_dim3A : vector<16xi32>
      %lt3A = arith.cmpi slt, %shift_right_arithmetic3A_275, %broadcast_in_dim3A_194 : vector<16xi32>
      %and3A_276 = arith.andi %ge3A, %lt3A : vector<16xi1>
      %mul3A_277 = arith.constant 16 : i32
      %mul3A_278 = arith.muli %scan3A_268, %mul3A_277 : i32
      %add3A_279 = vector.broadcast %mul3A_278 : i32 to vector<16xi32>
      %add3A_280 = arith.addi %add3A_279, %iota3A : vector<16xi32>
      %swap3A = arith.index_cast %scan3A_269 : i32 to index
      %swap3A_281 = tpu.vector_load %arg6[%swap3A] masked %and3A_276 {strides = array<i32>} : memref<2048xi32, #tpu.memory_space<vmem>>, vector<16xi32>, vector<16xi1>
      tpu.vector_store %arg6[%swap3A], %add3A_280 masked %and3A_276 {strides = array<i32>} : memref<2048xi32, #tpu.memory_space<vmem>>, vector<16xi32>, vector<16xi1>
      %swap3A_282 = arith.index_cast %scan3A_269 : i32 to index
      %swap3A_283 = tpu.vector_load %arg7[%swap3A_282] masked %and3A_276 {strides = array<i32>} : memref<2048xi32, #tpu.memory_space<vmem>>, vector<16xi32>, vector<16xi1>
      tpu.vector_store %arg7[%swap3A_282], %get3A_272 masked %and3A_276 {strides = array<i32>} : memref<2048xi32, #tpu.memory_space<vmem>>, vector<16xi32>, vector<16xi1>
      %all_reduce_population_count3A = tpu.all_reduce %and3A_276 {dim = 0 : i64, kind = #tpu.reduction_kind<sum>} : vector<16xi1> -> vector<16xi32>
      %slice3A = vector.extract_strided_slice %all_reduce_population_count3A {offsets = [0], sizes = [1], strides = [1]} : vector<16xi32> to vector<1xi32>
      %squeeze3A = vector.extract %slice3A[0] : i32 from vector<1xi32>
      %add3A_284 = arith.addi %scan3A_269, %squeeze3A : i32
      scf.yield %add3A_284 : i32
    }
    %scan3A_200 = arith.constant 1024 : i32
    %broadcast_in_dim3A_201 = vector.broadcast %scan3A_199 : i32 to vector<16xi32>
    %add3A_202 = arith.constant 16 : i32
    %add3A_203 = arith.addi %scan3A_199, %add3A_202 : i32
    %sub3A = arith.constant 1 : i32
    %sub3A_204 = arith.subi %add3A_203, %sub3A : i32
    %jit3A = arith.constant 16 : i32
    %div3A = arith.divsi %sub3A_204, %jit3A : i32
    %sign3A = arith.constant 0 : i32
    %sign3A_205 = arith.cmpi sgt, %sub3A_204, %sign3A : i32
    %sign3A_206 = arith.extui %sign3A_205 : i1 to i32
    %sign3A_207 = arith.constant 0 : i32
    %sign3A_208 = arith.cmpi slt, %sub3A_204, %sign3A_207 : i32
    %sign3A_209 = arith.extui %sign3A_208 : i1 to i32
    %sign3A_210 = arith.subi %sign3A_206, %sign3A_209 : i32
    %sign3A_211 = arith.constant 0 : i32
    %sign3A_212 = arith.cmpi sgt, %jit3A, %sign3A_211 : i32
    %sign3A_213 = arith.extui %sign3A_212 : i1 to i32
    %sign3A_214 = arith.constant 0 : i32
    %sign3A_215 = arith.cmpi slt, %jit3A, %sign3A_214 : i32
    %sign3A_216 = arith.extui %sign3A_215 : i1 to i32
    %sign3A_217 = arith.subi %sign3A_213, %sign3A_216 : i32
    %ne3A = arith.cmpi ne, %sign3A_210, %sign3A_217 : i32
    %rem3A = arith.remsi %sub3A_204, %jit3A : i32
    %ne3A_218 = arith.constant 0 : i32
    %ne3A_219 = arith.cmpi ne, %rem3A, %ne3A_218 : i32
    %and3A = arith.andi %ne3A, %ne3A_219 : i1
    %sub3A_220 = arith.constant 1 : i32
    %sub3A_221 = arith.subi %div3A, %sub3A_220 : i32
    %select_n3A = arith.select %and3A, %sub3A_221, %div3A : i32
    %add3A_222 = arith.constant 16384 : i32
    %add3A_223 = arith.addi %add3A_222, %add3A : i32
    %broadcast_in_dim3A_224 = vector.broadcast %add3A_223 : i32 to vector<16xi32>
    %broadcast_in_dim3A_225 = arith.constant 0 : i32
    %broadcast_in_dim3A_226 = vector.broadcast %broadcast_in_dim3A_225 : i32 to vector<16xi32>
    %shift_right_arithmetic3A = arith.constant 3 : i32
    %shift_right_arithmetic3A_227 = vector.broadcast %shift_right_arithmetic3A : i32 to vector<16xi32>
    %shift_right_arithmetic3A_228 = arith.shrsi %iota3A, %shift_right_arithmetic3A_227 : vector<16xi32>
    %and3A_229 = arith.constant 7 : i32
    %and3A_230 = vector.broadcast %and3A_229 : i32 to vector<16xi32>
    %and3A_231 = arith.andi %iota3A, %and3A_230 : vector<16xi32>
    %scan3A_232 = arith.constant 0 : i32
    %scan3A_233 = arith.constant 0 : i32
    %scan3A_234 = arith.constant 31 : i32
    %scan3A_235 = arith.addi %scan3A_233, %scan3A_234 : i32
    %scan3A_236 = arith.constant 1 : i32
    %scan3A_237 = scf.for %scan3A_268 = %scan3A_233 to %scan3A_235 step %scan3A_236 iter_args(%scan3A_269 = %scan3A_232) -> (i32)  : i32 {
      %rem3A_270 = arith.constant 2 : i32
      %rem3A_271 = arith.remsi %scan3A_268, %rem3A_270 : i32
      %ge3A = arith.constant 2 : i32
      %ge3A_272 = arith.cmpi sge, %scan3A_268, %ge3A : i32
      %convert_element_type3A = arith.extui %ge3A_272 : i1 to i32
      %cond3A = arith.constant 0 : i32
      %cond3A_273 = arith.cmpi ne, %convert_element_type3A, %cond3A : i32
      scf.if %cond3A_273 {
        %dma_wait3A_389 = arith.constant 0 : i32
        %dma_wait3A_390 = arith.constant 0 : i32
        %dma_wait3A_391 = tpu.memref_slice %arg11[%rem3A_271, %dma_wait3A_389, %dma_wait3A_390] : memref<2x48x128xf32, #tpu.memory_space<vmem>> -> memref<1x48x128xf32, #tpu.memory_space<vmem>>
        %dma_wait3A_392 = tpu.memref_squeeze %dma_wait3A_391 : memref<1x48x128xf32, #tpu.memory_space<vmem>> -> memref<48x128xf32, #tpu.memory_space<vmem>>
        %dma_wait3A_393 = arith.constant 0 : i32
        %dma_wait3A_394 = tpu.memref_slice %arg9[%rem3A_271, %dma_wait3A_393] : memref<2x48xi32, #tpu.memory_space<vmem>> -> memref<1x48xi32, #tpu.memory_space<vmem>>
        %dma_wait3A_395 = tpu.memref_squeeze %dma_wait3A_394 : memref<1x48xi32, #tpu.memory_space<vmem>> -> memref<48xi32, #tpu.memory_space<vmem>>
        %dma_wait3A_396 = arith.constant 0 : i32
        %dma_wait3A_397 = arith.constant 0 : i32
        %dma_wait3A_398 = tpu.memref_slice %arg4[%dma_wait3A_396, %dma_wait3A_397] : memref<16416x128xf32, #tpu.memory_space<hbm>> -> memref<16416x128xf32, #tpu.memory_space<hbm>>
        %dma_wait3A_399 = tpu.memref_slice %arg13[%rem3A_271] : memref<2x!tpu.dma_semaphore, #tpu.memory_space<semaphore_mem>> -> memref<1x!tpu.dma_semaphore, #tpu.memory_space<semaphore_mem>>
        %dma_wait3A_400 = tpu.memref_squeeze %dma_wait3A_399 : memref<1x!tpu.dma_semaphore, #tpu.memory_space<semaphore_mem>> -> memref<!tpu.dma_semaphore, #tpu.memory_space<semaphore_mem>>
        tpu.wait_indirect_dma semaphore(%dma_wait3A_400 : memref<!tpu.dma_semaphore, #tpu.memory_space<semaphore_mem>>) src(%dma_wait3A_392 : memref<48x128xf32, #tpu.memory_space<vmem>>) dst(%dma_wait3A_398 : memref<16416x128xf32, #tpu.memory_space<hbm>>)
      } else {
      }
      %swap3A = arith.index_cast %rem3A_271 : i32 to index
      %swap3A_274 = arith.constant 0 : index
      %swap3A_275 = tpu.vector_load %arg9[%swap3A, %swap3A_274] {strides = array<i32>} : memref<2x48xi32, #tpu.memory_space<vmem>>, vector<16xi32>,
      tpu.vector_store %arg9[%swap3A, %swap3A_274], %broadcast_in_dim3A_224 {strides = array<i32>} : memref<2x48xi32, #tpu.memory_space<vmem>>, vector<16xi32>,
      %swap3A_276 = arith.index_cast %rem3A_271 : i32 to index
      %swap3A_277 = arith.constant 0 : index
      %swap3A_278 = tpu.vector_load %arg10[%swap3A_276, %swap3A_277] {strides = array<i32>} : memref<2x48xi32, #tpu.memory_space<vmem>>, vector<16xi32>,
      tpu.vector_store %arg10[%swap3A_276, %swap3A_277], %broadcast_in_dim3A_226 {strides = array<i32>} : memref<2x48xi32, #tpu.memory_space<vmem>>, vector<16xi32>,
      %swap3A_279 = arith.index_cast %rem3A_271 : i32 to index
      %swap3A_280 = arith.constant 16 : index
      %swap3A_281 = tpu.vector_load %arg9[%swap3A_279, %swap3A_280] {strides = array<i32>} : memref<2x48xi32, #tpu.memory_space<vmem>>, vector<16xi32>,
      tpu.vector_store %arg9[%swap3A_279, %swap3A_280], %broadcast_in_dim3A_224 {strides = array<i32>} : memref<2x48xi32, #tpu.memory_space<vmem>>, vector<16xi32>,
      %swap3A_282 = arith.index_cast %rem3A_271 : i32 to index
      %swap3A_283 = arith.constant 16 : index
      %swap3A_284 = tpu.vector_load %arg10[%swap3A_282, %swap3A_283] {strides = array<i32>} : memref<2x48xi32, #tpu.memory_space<vmem>>, vector<16xi32>,
      tpu.vector_store %arg10[%swap3A_282, %swap3A_283], %broadcast_in_dim3A_226 {strides = array<i32>} : memref<2x48xi32, #tpu.memory_space<vmem>>, vector<16xi32>,
      %swap3A_285 = arith.index_cast %rem3A_271 : i32 to index
      %swap3A_286 = arith.constant 32 : index
      %swap3A_287 = tpu.vector_load %arg9[%swap3A_285, %swap3A_286] {strides = array<i32>} : memref<2x48xi32, #tpu.memory_space<vmem>>, vector<16xi32>,
      tpu.vector_store %arg9[%swap3A_285, %swap3A_286], %broadcast_in_dim3A_224 {strides = array<i32>} : memref<2x48xi32, #tpu.memory_space<vmem>>, vector<16xi32>,
      %swap3A_288 = arith.index_cast %rem3A_271 : i32 to index
      %swap3A_289 = arith.constant 32 : index
      %swap3A_290 = tpu.vector_load %arg10[%swap3A_288, %swap3A_289] {strides = array<i32>} : memref<2x48xi32, #tpu.memory_space<vmem>>, vector<16xi32>,
      tpu.vector_store %arg10[%swap3A_288, %swap3A_289], %broadcast_in_dim3A_226 {strides = array<i32>} : memref<2x48xi32, #tpu.memory_space<vmem>>, vector<16xi32>,
      %dma_wait3A_291 = arith.constant 0 : i32
      %dma_wait3A_292 = arith.constant 0 : i32
      %dma_wait3A_293 = arith.constant 0 : i32
      %dma_wait3A_294 = tpu.memref_slice %arg8[%rem3A_271, %dma_wait3A_291, %dma_wait3A_292, %dma_wait3A_293] : memref<2x4x8x1024xf32, #tpu.memory_space<vmem>> -> memref<1x4x8x1024xf32, #tpu.memory_space<vmem>>
      %dma_wait3A_295 = tpu.memref_squeeze %dma_wait3A_294 : memref<1x4x8x1024xf32, #tpu.memory_space<vmem>> -> memref<4x8x1024xf32, #tpu.memory_space<vmem>>
      %dma_wait3A_296 = tpu.memref_reshape %arg2 : memref<32x1000000xf32, #tpu.memory_space<hbm>> -> memref<4x8x1000000xf32, #tpu.memory_space<hbm>>
      %dma_wait3A_297 = arith.constant 0 : i32
      %dma_wait3A_298 = arith.constant 0 : i32
      %dma_wait3A_299 = arith.constant 0 : i32
      %dma_wait3A_300 = tpu.memref_slice %dma_wait3A_296[%dma_wait3A_297, %dma_wait3A_298, %dma_wait3A_299] : memref<4x8x1000000xf32, #tpu.memory_space<hbm>> -> memref<4x8x1024xf32, #tpu.memory_space<hbm>>
      %dma_wait3A_301 = tpu.memref_slice %arg12[%rem3A_271] : memref<2x!tpu.dma_semaphore, #tpu.memory_space<semaphore_mem>> -> memref<1x!tpu.dma_semaphore, #tpu.memory_space<semaphore_mem>>
      %dma_wait3A_302 = tpu.memref_squeeze %dma_wait3A_301 : memref<1x!tpu.dma_semaphore, #tpu.memory_space<semaphore_mem>> -> memref<!tpu.dma_semaphore, #tpu.memory_space<semaphore_mem>>
      %dma_wait3A_303 = arith.constant 0 : i32
      %dma_wait3A_304 = arith.constant 0 : i32
      %dma_wait3A_305 = arith.constant 0 : i32
      %dma_wait3A_306 = tpu.memref_slice %arg8[%rem3A_271, %dma_wait3A_303, %dma_wait3A_304, %dma_wait3A_305] : memref<2x4x8x1024xf32, #tpu.memory_space<vmem>> -> memref<1x4x8x1024xf32, #tpu.memory_space<vmem>>
      %dma_wait3A_307 = tpu.memref_squeeze %dma_wait3A_306 : memref<1x4x8x1024xf32, #tpu.memory_space<vmem>> -> memref<4x8x1024xf32, #tpu.memory_space<vmem>>
      %dma_wait3A_308 = tpu.memref_reshape %arg2 : memref<32x1000000xf32, #tpu.memory_space<hbm>> -> memref<4x8x1000000xf32, #tpu.memory_space<hbm>>
      %dma_wait3A_309 = arith.constant 0 : i32
      %dma_wait3A_310 = arith.constant 0 : i32
      %dma_wait3A_311 = arith.constant 0 : i32
      %dma_wait3A_312 = tpu.memref_slice %dma_wait3A_308[%dma_wait3A_309, %dma_wait3A_310, %dma_wait3A_311] : memref<4x8x1000000xf32, #tpu.memory_space<hbm>> -> memref<4x8x1024xf32, #tpu.memory_space<hbm>>
      tpu.wait_dma2 semaphore(%dma_wait3A_302 : memref<!tpu.dma_semaphore, #tpu.memory_space<semaphore_mem>>) src(%dma_wait3A_312 : memref<4x8x1024xf32, #tpu.memory_space<hbm>>) dst(%dma_wait3A_307 : memref<4x8x1024xf32, #tpu.memory_space<vmem>>)
      %mul3A_313 = arith.constant 8 : i32
      %mul3A_314 = arith.muli %scan3A_268, %mul3A_313 : i32
      %add3A_315 = arith.addi %mul3A_2, %mul3A_314 : i32
      %min3A_316 = arith.constant 7805 : i32
      %min3A_317 = arith.minsi %add3A_315, %min3A_316 : i32
      %mul3A_318 = arith.constant 128 : i32
      %mul3A_319 = arith.muli %min3A_317, %mul3A_318 : i32
      %broadcast_in_dim3A_320 = vector.broadcast %mul3A_319 : i32 to vector<16xi32>
      %while3A = arith.constant 0 : i32
      %while3A_321 = arith.constant 0 : i32
      %while3A_322 = arith.subi %select_n3A, %while3A : i32
      %while3A_323 = arith.addi %while3A, %while3A_322 : i32
      %while3A_324 = arith.constant 1 : i32
      %while3A_325 = arith.divsi %while3A_322, %while3A_324 : i32
      %while3A_326 = arith.muli %while3A_325, %while3A_324 : i32
      %while3A_327 = arith.addi %while3A, %while3A_326 : i32
      %while3A_328 = arith.constant 1 : i32
      %while3A_329 = scf.for %while3A_389 = %while3A to %while3A_327 step %while3A_328 iter_args(%while3A_390 = %while3A_321) -> (i32)  : i32 {
        %mul3A_391 = arith.constant 16 : i32
        %mul3A_392 = arith.muli %while3A_389, %mul3A_391 : i32
        %get3A = arith.index_cast %mul3A_392 : i32 to index
        %get3A_393 = tpu.vector_load %arg6[%get3A] {strides = array<i32>} : memref<2048xi32, #tpu.memory_space<vmem>>, vector<16xi32>,
        %mul3A_394 = arith.constant 16 : i32
        %mul3A_395 = arith.muli %while3A_389, %mul3A_394 : i32
        %get3A_396 = arith.index_cast %mul3A_395 : i32 to index
        %get3A_397 = tpu.vector_load %arg7[%get3A_396] {strides = array<i32>} : memref<2048xi32, #tpu.memory_space<vmem>>, vector<16xi32>,
        %sub3A_398 = arith.subi %get3A_397, %broadcast_in_dim3A_320 : vector<16xi32>
        %ge3A_399 = arith.constant 0 : i32
        %ge3A_400 = vector.broadcast %ge3A_399 : i32 to vector<16xi32>
        %ge3A_401 = arith.cmpi sge, %sub3A_398, %ge3A_400 : vector<16xi32>
        %lt3A_402 = arith.constant 1024 : i32
        %lt3A_403 = vector.broadcast %lt3A_402 : i32 to vector<16xi32>
        %lt3A_404 = arith.cmpi slt, %sub3A_398, %lt3A_403 : vector<16xi32>
        %and3A_405 = arith.andi %ge3A_401, %lt3A_404 : vector<16xi1>
        %mul3A_406 = arith.constant 16 : i32
        %mul3A_407 = arith.muli %while3A_389, %mul3A_406 : i32
        %add3A_408 = vector.broadcast %mul3A_407 : i32 to vector<16xi32>
        %add3A_409 = arith.addi %add3A_408, %iota3A : vector<16xi32>
        %lt3A_410 = arith.cmpi slt, %add3A_409, %broadcast_in_dim3A_201 : vector<16xi32>
        %and3A_411 = arith.andi %and3A_405, %lt3A_410 : vector<16xi1>
        %swap3A_412 = arith.constant 0 : i32
        %swap3A_413 = tpu.memref_slice %arg9[%rem3A_271, %swap3A_412] : memref<2x48xi32, #tpu.memory_space<vmem>> -> memref<1x48xi32, #tpu.memory_space<vmem>>
        %swap3A_414 = tpu.memref_squeeze %swap3A_413 : memref<1x48xi32, #tpu.memory_space<vmem>> -> memref<48xi32, #tpu.memory_space<vmem>>
        %swap3A_415 = arith.index_cast %while3A_390 : i32 to index
        %swap3A_416 = tpu.vector_load %swap3A_414[%swap3A_415] masked %and3A_411 {strides = array<i32>} : memref<48xi32, #tpu.memory_space<vmem>>, vector<16xi32>, vector<16xi1>
        tpu.vector_store %swap3A_414[%swap3A_415], %get3A_393 masked %and3A_411 {strides = array<i32>} : memref<48xi32, #tpu.memory_space<vmem>>, vector<16xi32>, vector<16xi1>
        %swap3A_417 = arith.constant 0 : i32
        %swap3A_418 = tpu.memref_slice %arg10[%rem3A_271, %swap3A_417] : memref<2x48xi32, #tpu.memory_space<vmem>> -> memref<1x48xi32, #tpu.memory_space<vmem>>
        %swap3A_419 = tpu.memref_squeeze %swap3A_418 : memref<1x48xi32, #tpu.memory_space<vmem>> -> memref<48xi32, #tpu.memory_space<vmem>>
        %swap3A_420 = arith.index_cast %while3A_390 : i32 to index
        %swap3A_421 = tpu.vector_load %swap3A_419[%swap3A_420] masked %and3A_411 {strides = array<i32>} : memref<48xi32, #tpu.memory_space<vmem>>, vector<16xi32>, vector<16xi1>
        tpu.vector_store %swap3A_419[%swap3A_420], %sub3A_398 masked %and3A_411 {strides = array<i32>} : memref<48xi32, #tpu.memory_space<vmem>>, vector<16xi32>, vector<16xi1>
        %all_reduce_population_count3A = tpu.all_reduce %and3A_411 {dim = 0 : i64, kind = #tpu.reduction_kind<sum>} : vector<16xi1> -> vector<16xi32>
        %slice3A = vector.extract_strided_slice %all_reduce_population_count3A {offsets = [0], sizes = [1], strides = [1]} : vector<16xi32> to vector<1xi32>
        %squeeze3A = vector.extract %slice3A[0] : i32 from vector<1xi32>
        %add3A_422 = arith.addi %while3A_390, %squeeze3A : i32
        scf.yield %add3A_422 : i32
      }
      %while3A_330 = arith.constant 1 : i32
      %while3A_331 = scf.for %while3A_389 = %while3A_327 to %while3A_323 step %while3A_330 iter_args(%while3A_390 = %while3A_329) -> (i32)  : i32 {
        %mul3A_391 = arith.constant 16 : i32
        %mul3A_392 = arith.muli %while3A_389, %mul3A_391 : i32
        %get3A = arith.index_cast %mul3A_392 : i32 to index
        %get3A_393 = tpu.vector_load %arg6[%get3A] {strides = array<i32>} : memref<2048xi32, #tpu.memory_space<vmem>>, vector<16xi32>,
        %mul3A_394 = arith.constant 16 : i32
        %mul3A_395 = arith.muli %while3A_389, %mul3A_394 : i32
        %get3A_396 = arith.index_cast %mul3A_395 : i32 to index
        %get3A_397 = tpu.vector_load %arg7[%get3A_396] {strides = array<i32>} : memref<2048xi32, #tpu.memory_space<vmem>>, vector<16xi32>,
        %sub3A_398 = arith.subi %get3A_397, %broadcast_in_dim3A_320 : vector<16xi32>
        %ge3A_399 = arith.constant 0 : i32
        %ge3A_400 = vector.broadcast %ge3A_399 : i32 to vector<16xi32>
        %ge3A_401 = arith.cmpi sge, %sub3A_398, %ge3A_400 : vector<16xi32>
        %lt3A_402 = arith.constant 1024 : i32
        %lt3A_403 = vector.broadcast %lt3A_402 : i32 to vector<16xi32>
        %lt3A_404 = arith.cmpi slt, %sub3A_398, %lt3A_403 : vector<16xi32>
        %and3A_405 = arith.andi %ge3A_401, %lt3A_404 : vector<16xi1>
        %mul3A_406 = arith.constant 16 : i32
        %mul3A_407 = arith.muli %while3A_389, %mul3A_406 : i32
        %add3A_408 = vector.broadcast %mul3A_407 : i32 to vector<16xi32>
        %add3A_409 = arith.addi %add3A_408, %iota3A : vector<16xi32>
        %lt3A_410 = arith.cmpi slt, %add3A_409, %broadcast_in_dim3A_201 : vector<16xi32>
        %and3A_411 = arith.andi %and3A_405, %lt3A_410 : vector<16xi1>
        %swap3A_412 = arith.constant 0 : i32
        %swap3A_413 = tpu.memref_slice %arg9[%rem3A_271, %swap3A_412] : memref<2x48xi32, #tpu.memory_space<vmem>> -> memref<1x48xi32, #tpu.memory_space<vmem>>
        %swap3A_414 = tpu.memref_squeeze %swap3A_413 : memref<1x48xi32, #tpu.memory_space<vmem>> -> memref<48xi32, #tpu.memory_space<vmem>>
        %swap3A_415 = arith.index_cast %while3A_390 : i32 to index
        %swap3A_416 = tpu.vector_load %swap3A_414[%swap3A_415] masked %and3A_411 {strides = array<i32>} : memref<48xi32, #tpu.memory_space<vmem>>, vector<16xi32>, vector<16xi1>
        tpu.vector_store %swap3A_414[%swap3A_415], %get3A_393 masked %and3A_411 {strides = array<i32>} : memref<48xi32, #tpu.memory_space<vmem>>, vector<16xi32>, vector<16xi1>
        %swap3A_417 = arith.constant 0 : i32
        %swap3A_418 = tpu.memref_slice %arg10[%rem3A_271, %swap3A_417] : memref<2x48xi32, #tpu.memory_space<vmem>> -> memref<1x48xi32, #tpu.memory_space<vmem>>
        %swap3A_419 = tpu.memref_squeeze %swap3A_418 : memref<1x48xi32, #tpu.memory_space<vmem>> -> memref<48xi32, #tpu.memory_space<vmem>>
        %swap3A_420 = arith.index_cast %while3A_390 : i32 to index
        %swap3A_421 = tpu.vector_load %swap3A_419[%swap3A_420] masked %and3A_411 {strides = array<i32>} : memref<48xi32, #tpu.memory_space<vmem>>, vector<16xi32>, vector<16xi1>
        tpu.vector_store %swap3A_419[%swap3A_420], %sub3A_398 masked %and3A_411 {strides = array<i32>} : memref<48xi32, #tpu.memory_space<vmem>>, vector<16xi32>, vector<16xi1>
        %all_reduce_population_count3A = tpu.all_reduce %and3A_411 {dim = 0 : i64, kind = #tpu.reduction_kind<sum>} : vector<16xi1> -> vector<16xi32>
        %slice3A = vector.extract_strided_slice %all_reduce_population_count3A {offsets = [0], sizes = [1], strides = [1]} : vector<16xi32> to vector<1xi32>
        %squeeze3A = vector.extract %slice3A[0] : i32 from vector<1xi32>
        %add3A_422 = arith.addi %while3A_390, %squeeze3A : i32
        scf.yield %add3A_422 : i32
      }
      %add3A_332 = arith.constant 16 : i32
      %add3A_333 = arith.addi %while3A_331, %add3A_332 : i32
      %sub3A_334 = arith.constant 1 : i32
      %sub3A_335 = arith.subi %add3A_333, %sub3A_334 : i32
      %jit3A_336 = arith.constant 16 : i32
      %div3A_337 = arith.divsi %sub3A_335, %jit3A_336 : i32
      %sign3A_338 = arith.constant 0 : i32
      %sign3A_339 = arith.cmpi sgt, %sub3A_335, %sign3A_338 : i32
      %sign3A_340 = arith.extui %sign3A_339 : i1 to i32
      %sign3A_341 = arith.constant 0 : i32
      %sign3A_342 = arith.cmpi slt, %sub3A_335, %sign3A_341 : i32
      %sign3A_343 = arith.extui %sign3A_342 : i1 to i32
      %sign3A_344 = arith.subi %sign3A_340, %sign3A_343 : i32
      %sign3A_345 = arith.constant 0 : i32
      %sign3A_346 = arith.cmpi sgt, %jit3A_336, %sign3A_345 : i32
      %sign3A_347 = arith.extui %sign3A_346 : i1 to i32
      %sign3A_348 = arith.constant 0 : i32
      %sign3A_349 = arith.cmpi slt, %jit3A_336, %sign3A_348 : i32
      %sign3A_350 = arith.extui %sign3A_349 : i1 to i32
      %sign3A_351 = arith.subi %sign3A_347, %sign3A_350 : i32
      %ne3A_352 = arith.cmpi ne, %sign3A_344, %sign3A_351 : i32
      %rem3A_353 = arith.remsi %sub3A_335, %jit3A_336 : i32
      %ne3A_354 = arith.constant 0 : i32
      %ne3A_355 = arith.cmpi ne, %rem3A_353, %ne3A_354 : i32
      %and3A_356 = arith.andi %ne3A_352, %ne3A_355 : i1
      %sub3A_357 = arith.constant 1 : i32
      %sub3A_358 = arith.subi %div3A_337, %sub3A_357 : i32
      %select_n3A_359 = arith.select %and3A_356, %sub3A_358, %div3A_337 : i32
      %while3A_360 = arith.constant 0 : i32
      %while3A_361 = arith.constant 0 : i32
      %while3A_362 = arith.subi %select_n3A_359, %while3A_361 : i32
      %while3A_363 = arith.addi %while3A_361, %while3A_362 : i32
      %while3A_364 = arith.constant 1 : i32
      %while3A_365 = arith.divsi %while3A_362, %while3A_364 : i32
      %while3A_366 = arith.muli %while3A_365, %while3A_364 : i32
      %while3A_367 = arith.addi %while3A_361, %while3A_366 : i32
      %while3A_368 = arith.constant 1 : i32
      scf.for %while3A_389 = %while3A_361 to %while3A_367 step %while3A_368  : i32 {
        %mul3A_390 = arith.constant 16 : i32
        %mul3A_391 = arith.muli %while3A_389, %mul3A_390 : i32
        %get3A = arith.index_cast %rem3A_271 : i32 to index
        %get3A_392 = arith.index_cast %mul3A_391 : i32 to index
        %get3A_393 = tpu.vector_load %arg10[%get3A, %get3A_392] {strides = array<i32>} : memref<2x48xi32, #tpu.memory_space<vmem>>, vector<16xi32>,
        %slice3A = vector.extract_strided_slice %get3A_393 {offsets = [0], sizes = [1], strides = [1]} : vector<16xi32> to vector<1xi32>
        %squeeze3A = vector.extract %slice3A[0] : i32 from vector<1xi32>
        %broadcast_in_dim3A_394 = vector.broadcast %squeeze3A : i32 to vector<16xi32>
        %gather3A = arith.constant 0 : i32
        %gather3A_395 = arith.constant 0 : i32
        %gather3A_396 = arith.constant 0 : i32
        %gather3A_397 = tpu.memref_slice %arg8[%rem3A_271, %gather3A, %gather3A_395, %gather3A_396] : memref<2x4x8x1024xf32, #tpu.memory_space<vmem>> -> memref<1x4x8x1024xf32, #tpu.memory_space<vmem>>
        %gather3A_398 = tpu.memref_squeeze %gather3A_397 : memref<1x4x8x1024xf32, #tpu.memory_space<vmem>> -> memref<4x8x1024xf32, #tpu.memory_space<vmem>>
        %gather3A_399 = tpu.vector_load_idx %gather3A_398[%shift_right_arithmetic3A_228, %and3A_231, %broadcast_in_dim3A_394] : memref<4x8x1024xf32, #tpu.memory_space<vmem>>[vector<16xi32>, vector<16xi32>, vector<16xi32>], vector<16xf32>,
        %add3A_400 = arith.constant 2 : i32
        %add3A_401 = vector.broadcast %add3A_400 : i32 to vector<16xi32>
        %add3A_402 = arith.addi %shift_right_arithmetic3A_228, %add3A_401 : vector<16xi32>
        %gather3A_403 = arith.constant 0 : i32
        %gather3A_404 = arith.constant 0 : i32
        %gather3A_405 = arith.constant 0 : i32
        %gather3A_406 = tpu.memref_slice %arg8[%rem3A_271, %gather3A_403, %gather3A_404, %gather3A_405] : memref<2x4x8x1024xf32, #tpu.memory_space<vmem>> -> memref<1x4x8x1024xf32, #tpu.memory_space<vmem>>
        %gather3A_407 = tpu.memref_squeeze %gather3A_406 : memref<1x4x8x1024xf32, #tpu.memory_space<vmem>> -> memref<4x8x1024xf32, #tpu.memory_space<vmem>>
        %gather3A_408 = tpu.vector_load_idx %gather3A_407[%add3A_402, %and3A_231, %broadcast_in_dim3A_394] : memref<4x8x1024xf32, #tpu.memory_space<vmem>>[vector<16xi32>, vector<16xi32>, vector<16xi32>], vector<16xf32>,
        %mul3A_409 = arith.constant 16 : i32
        %mul3A_410 = arith.muli %while3A_389, %mul3A_409 : i32
        %add3A_411 = arith.constant 0 : i32
        %add3A_412 = arith.addi %mul3A_410, %add3A_411 : i32
        %swap3A_413 = arith.index_cast %rem3A_271 : i32 to index
        %swap3A_414 = arith.index_cast %add3A_412 : i32 to index
        %swap3A_415 = arith.constant 0 : index
        %swap3A_416 = tpu.vector_load %arg11[%swap3A_413, %swap3A_414, %swap3A_415] {strides = array<i32>} : memref<2x48x128xf32, #tpu.memory_space<vmem>>, vector<16xf32>,
        tpu.vector_store %arg11[%swap3A_413, %swap3A_414, %swap3A_415], %gather3A_399 {strides = array<i32>} : memref<2x48x128xf32, #tpu.memory_space<vmem>>, vector<16xf32>,
        %swap3A_417 = arith.index_cast %rem3A_271 : i32 to index
        %swap3A_418 = arith.index_cast %add3A_412 : i32 to index
        %swap3A_419 = arith.constant 16 : index
        %swap3A_420 = tpu.vector_load %arg11[%swap3A_417, %swap3A_418, %swap3A_419] {strides = array<i32>} : memref<2x48x128xf32, #tpu.memory_space<vmem>>, vector<16xf32>,
        tpu.vector_store %arg11[%swap3A_417, %swap3A_418, %swap3A_419], %gather3A_408 {strides = array<i32>} : memref<2x48x128xf32, #tpu.memory_space<vmem>>, vector<16xf32>,
        %slice3A_421 = vector.extract_strided_slice %get3A_393 {offsets = [1], sizes = [1], strides = [1]} : vector<16xi32> to vector<1xi32>
        %squeeze3A_422 = vector.extract %slice3A_421[0] : i32 from vector<1xi32>
        %broadcast_in_dim3A_423 = vector.broadcast %squeeze3A_422 : i32 to vector<16xi32>
        %gather3A_424 = arith.constant 0 : i32
        %gather3A_425 = arith.constant 0 : i32
        %gather3A_426 = arith.constant 0 : i32
        %gather3A_427 = tpu.memref_slice %arg8[%rem3A_271, %gather3A_424, %gather3A_425, %gather3A_426] : memref<2x4x8x1024xf32, #tpu.memory_space<vmem>> -> memref<1x4x8x1024xf32, #tpu.memory_space<vmem>>
        %gather3A_428 = tpu.memref_squeeze %gather3A_427 : memref<1x4x8x1024xf32, #tpu.memory_space<vmem>> -> memref<4x8x1024xf32, #tpu.memory_space<vmem>>
        %gather3A_429 = tpu.vector_load_idx %gather3A_428[%shift_right_arithmetic3A_228, %and3A_231, %broadcast_in_dim3A_423] : memref<4x8x1024xf32, #tpu.memory_space<vmem>>[vector<16xi32>, vector<16xi32>, vector<16xi32>], vector<16xf32>,
        %add3A_430 = arith.constant 2 : i32
        %add3A_431 = vector.broadcast %add3A_430 : i32 to vector<16xi32>
        %add3A_432 = arith.addi %shift_right_arithmetic3A_228, %add3A_431 : vector<16xi32>
        %gather3A_433 = arith.constant 0 : i32
        %gather3A_434 = arith.constant 0 : i32
        %gather3A_435 = arith.constant 0 : i32
        %gather3A_436 = tpu.memref_slice %arg8[%rem3A_271, %gather3A_433, %gather3A_434, %gather3A_435] : memref<2x4x8x1024xf32, #tpu.memory_space<vmem>> -> memref<1x4x8x1024xf32, #tpu.memory_space<vmem>>
        %gather3A_437 = tpu.memref_squeeze %gather3A_436 : memref<1x4x8x1024xf32, #tpu.memory_space<vmem>> -> memref<4x8x1024xf32, #tpu.memory_space<vmem>>
        %gather3A_438 = tpu.vector_load_idx %gather3A_437[%add3A_432, %and3A_231, %broadcast_in_dim3A_423] : memref<4x8x1024xf32, #tpu.memory_space<vmem>>[vector<16xi32>, vector<16xi32>, vector<16xi32>], vector<16xf32>,
        %mul3A_439 = arith.constant 16 : i32
        %mul3A_440 = arith.muli %while3A_389, %mul3A_439 : i32
        %add3A_441 = arith.constant 1 : i32
        %add3A_442 = arith.addi %mul3A_440, %add3A_441 : i32
        %swap3A_443 = arith.index_cast %rem3A_271 : i32 to index
        %swap3A_444 = arith.index_cast %add3A_442 : i32 to index
        %swap3A_445 = arith.constant 0 : index
        %swap3A_446 = tpu.vector_load %arg11[%swap3A_443, %swap3A_444, %swap3A_445] {strides = array<i32>} : memref<2x48x128xf32, #tpu.memory_space<vmem>>, vector<16xf32>,
        tpu.vector_store %arg11[%swap3A_443, %swap3A_444, %swap3A_445], %gather3A_429 {strides = array<i32>} : memref<2x48x128xf32, #tpu.memory_space<vmem>>, vector<16xf32>,
        %swap3A_447 = arith.index_cast %rem3A_271 : i32 to index
        %swap3A_448 = arith.index_cast %add3A_442 : i32 to index
        %swap3A_449 = arith.constant 16 : index
        %swap3A_450 = tpu.vector_load %arg11[%swap3A_447, %swap3A_448, %swap3A_449] {strides = array<i32>} : memref<2x48x128xf32, #tpu.memory_space<vmem>>, vector<16xf32>,
        tpu.vector_store %arg11[%swap3A_447, %swap3A_448, %swap3A_449], %gather3A_438 {strides = array<i32>} : memref<2x48x128xf32, #tpu.memory_space<vmem>>, vector<16xf32>,
        %slice3A_451 = vector.extract_strided_slice %get3A_393 {offsets = [2], sizes = [1], strides = [1]} : vector<16xi32> to vector<1xi32>
        %squeeze3A_452 = vector.extract %slice3A_451[0] : i32 from vector<1xi32>
        %broadcast_in_dim3A_453 = vector.broadcast %squeeze3A_452 : i32 to vector<16xi32>
        %gather3A_454 = arith.constant 0 : i32
        %gather3A_455 = arith.constant 0 : i32
        %gather3A_456 = arith.constant 0 : i32
        %gather3A_457 = tpu.memref_slice %arg8[%rem3A_271, %gather3A_454, %gather3A_455, %gather3A_456] : memref<2x4x8x1024xf32, #tpu.memory_space<vmem>> -> memref<1x4x8x1024xf32, #tpu.memory_space<vmem>>
        %gather3A_458 = tpu.memref_squeeze %gather3A_457 : memref<1x4x8x1024xf32, #tpu.memory_space<vmem>> -> memref<4x8x1024xf32, #tpu.memory_space<vmem>>
        %gather3A_459 = tpu.vector_load_idx %gather3A_458[%shift_right_arithmetic3A_228, %and3A_231, %broadcast_in_dim3A_453] : memref<4x8x1024xf32, #tpu.memory_space<vmem>>[vector<16xi32>, vector<16xi32>, vector<16xi32>], vector<16xf32>,
        %add3A_460 = arith.constant 2 : i32
        %add3A_461 = vector.broadcast %add3A_460 : i32 to vector<16xi32>
        %add3A_462 = arith.addi %shift_right_arithmetic3A_228, %add3A_461 : vector<16xi32>
        %gather3A_463 = arith.constant 0 : i32
        %gather3A_464 = arith.constant 0 : i32
        %gather3A_465 = arith.constant 0 : i32
        %gather3A_466 = tpu.memref_slice %arg8[%rem3A_271, %gather3A_463, %gather3A_464, %gather3A_465] : memref<2x4x8x1024xf32, #tpu.memory_space<vmem>> -> memref<1x4x8x1024xf32, #tpu.memory_space<vmem>>
        %gather3A_467 = tpu.memref_squeeze %gather3A_466 : memref<1x4x8x1024xf32, #tpu.memory_space<vmem>> -> memref<4x8x1024xf32, #tpu.memory_space<vmem>>
        %gather3A_468 = tpu.vector_load_idx %gather3A_467[%add3A_462, %and3A_231, %broadcast_in_dim3A_453] : memref<4x8x1024xf32, #tpu.memory_space<vmem>>[vector<16xi32>, vector<16xi32>, vector<16xi32>], vector<16xf32>,
        %mul3A_469 = arith.constant 16 : i32
        %mul3A_470 = arith.muli %while3A_389, %mul3A_469 : i32
        %add3A_471 = arith.constant 2 : i32
        %add3A_472 = arith.addi %mul3A_470, %add3A_471 : i32
        %swap3A_473 = arith.index_cast %rem3A_271 : i32 to index
        %swap3A_474 = arith.index_cast %add3A_472 : i32 to index
        %swap3A_475 = arith.constant 0 : index
        %swap3A_476 = tpu.vector_load %arg11[%swap3A_473, %swap3A_474, %swap3A_475] {strides = array<i32>} : memref<2x48x128xf32, #tpu.memory_space<vmem>>, vector<16xf32>,
        tpu.vector_store %arg11[%swap3A_473, %swap3A_474, %swap3A_475], %gather3A_459 {strides = array<i32>} : memref<2x48x128xf32, #tpu.memory_space<vmem>>, vector<16xf32>,
        %swap3A_477 = arith.index_cast %rem3A_271 : i32 to index
        %swap3A_478 = arith.index_cast %add3A_472 : i32 to index
        %swap3A_479 = arith.constant 16 : index
        %swap3A_480 = tpu.vector_load %arg11[%swap3A_477, %swap3A_478, %swap3A_479] {strides = array<i32>} : memref<2x48x128xf32, #tpu.memory_space<vmem>>, vector<16xf32>,
        tpu.vector_store %arg11[%swap3A_477, %swap3A_478, %swap3A_479], %gather3A_468 {strides = array<i32>} : memref<2x48x128xf32, #tpu.memory_space<vmem>>, vector<16xf32>,
        %slice3A_481 = vector.extract_strided_slice %get3A_393 {offsets = [3], sizes = [1], strides = [1]} : vector<16xi32> to vector<1xi32>
        %squeeze3A_482 = vector.extract %slice3A_481[0] : i32 from vector<1xi32>
        %broadcast_in_dim3A_483 = vector.broadcast %squeeze3A_482 : i32 to vector<16xi32>
        %gather3A_484 = arith.constant 0 : i32
        %gather3A_485 = arith.constant 0 : i32
        %gather3A_486 = arith.constant 0 : i32
        %gather3A_487 = tpu.memref_slice %arg8[%rem3A_271, %gather3A_484, %gather3A_485, %gather3A_486] : memref<2x4x8x1024xf32, #tpu.memory_space<vmem>> -> memref<1x4x8x1024xf32, #tpu.memory_space<vmem>>
        %gather3A_488 = tpu.memref_squeeze %gather3A_487 : memref<1x4x8x1024xf32, #tpu.memory_space<vmem>> -> memref<4x8x1024xf32, #tpu.memory_space<vmem>>
        %gather3A_489 = tpu.vector_load_idx %gather3A_488[%shift_right_arithmetic3A_228, %and3A_231, %broadcast_in_dim3A_483] : memref<4x8x1024xf32, #tpu.memory_space<vmem>>[vector<16xi32>, vector<16xi32>, vector<16xi32>], vector<16xf32>,
        %add3A_490 = arith.constant 2 : i32
        %add3A_491 = vector.broadcast %add3A_490 : i32 to vector<16xi32>
        %add3A_492 = arith.addi %shift_right_arithmetic3A_228, %add3A_491 : vector<16xi32>
        %gather3A_493 = arith.constant 0 : i32
        %gather3A_494 = arith.constant 0 : i32
        %gather3A_495 = arith.constant 0 : i32
        %gather3A_496 = tpu.memref_slice %arg8[%rem3A_271, %gather3A_493, %gather3A_494, %gather3A_495] : memref<2x4x8x1024xf32, #tpu.memory_space<vmem>> -> memref<1x4x8x1024xf32, #tpu.memory_space<vmem>>
        %gather3A_497 = tpu.memref_squeeze %gather3A_496 : memref<1x4x8x1024xf32, #tpu.memory_space<vmem>> -> memref<4x8x1024xf32, #tpu.memory_space<vmem>>
        %gather3A_498 = tpu.vector_load_idx %gather3A_497[%add3A_492, %and3A_231, %broadcast_in_dim3A_483] : memref<4x8x1024xf32, #tpu.memory_space<vmem>>[vector<16xi32>, vector<16xi32>, vector<16xi32>], vector<16xf32>,
        %mul3A_499 = arith.constant 16 : i32
        %mul3A_500 = arith.muli %while3A_389, %mul3A_499 : i32
        %add3A_501 = arith.constant 3 : i32
        %add3A_502 = arith.addi %mul3A_500, %add3A_501 : i32
        %swap3A_503 = arith.index_cast %rem3A_271 : i32 to index
        %swap3A_504 = arith.index_cast %add3A_502 : i32 to index
        %swap3A_505 = arith.constant 0 : index
        %swap3A_506 = tpu.vector_load %arg11[%swap3A_503, %swap3A_504, %swap3A_505] {strides = array<i32>} : memref<2x48x128xf32, #tpu.memory_space<vmem>>, vector<16xf32>,
        tpu.vector_store %arg11[%swap3A_503, %swap3A_504, %swap3A_505], %gather3A_489 {strides = array<i32>} : memref<2x48x128xf32, #tpu.memory_space<vmem>>, vector<16xf32>,
        %swap3A_507 = arith.index_cast %rem3A_271 : i32 to index
        %swap3A_508 = arith.index_cast %add3A_502 : i32 to index
        %swap3A_509 = arith.constant 16 : index
        %swap3A_510 = tpu.vector_load %arg11[%swap3A_507, %swap3A_508, %swap3A_509] {strides = array<i32>} : memref<2x48x128xf32, #tpu.memory_space<vmem>>, vector<16xf32>,
        tpu.vector_store %arg11[%swap3A_507, %swap3A_508, %swap3A_509], %gather3A_498 {strides = array<i32>} : memref<2x48x128xf32, #tpu.memory_space<vmem>>, vector<16xf32>,
        %slice3A_511 = vector.extract_strided_slice %get3A_393 {offsets = [4], sizes = [1], strides = [1]} : vector<16xi32> to vector<1xi32>
        %squeeze3A_512 = vector.extract %slice3A_511[0] : i32 from vector<1xi32>
        %broadcast_in_dim3A_513 = vector.broadcast %squeeze3A_512 : i32 to vector<16xi32>
        %gather3A_514 = arith.constant 0 : i32
        %gather3A_515 = arith.constant 0 : i32
        %gather3A_516 = arith.constant 0 : i32
        %gather3A_517 = tpu.memref_slice %arg8[%rem3A_271, %gather3A_514, %gather3A_515, %gather3A_516] : memref<2x4x8x1024xf32, #tpu.memory_space<vmem>> -> memref<1x4x8x1024xf32, #tpu.memory_space<vmem>>
        %gather3A_518 = tpu.memref_squeeze %gather3A_517 : memref<1x4x8x1024xf32, #tpu.memory_space<vmem>> -> memref<4x8x1024xf32, #tpu.memory_space<vmem>>
        %gather3A_519 = tpu.vector_load_idx %gather3A_518[%shift_right_arithmetic3A_228, %and3A_231, %broadcast_in_dim3A_513] : memref<4x8x1024xf32, #tpu.memory_space<vmem>>[vector<16xi32>, vector<16xi32>, vector<16xi32>], vector<16xf32>,
        %add3A_520 = arith.constant 2 : i32
        %add3A_521 = vector.broadcast %add3A_520 : i32 to vector<16xi32>
        %add3A_522 = arith.addi %shift_right_arithmetic3A_228, %add3A_521 : vector<16xi32>
        %gather3A_523 = arith.constant 0 : i32
        %gather3A_524 = arith.constant 0 : i32
        %gather3A_525 = arith.constant 0 : i32
        %gather3A_526 = tpu.memref_slice %arg8[%rem3A_271, %gather3A_523, %gather3A_524, %gather3A_525] : memref<2x4x8x1024xf32, #tpu.memory_space<vmem>> -> memref<1x4x8x1024xf32, #tpu.memory_space<vmem>>
        %gather3A_527 = tpu.memref_squeeze %gather3A_526 : memref<1x4x8x1024xf32, #tpu.memory_space<vmem>> -> memref<4x8x1024xf32, #tpu.memory_space<vmem>>
        %gather3A_528 = tpu.vector_load_idx %gather3A_527[%add3A_522, %and3A_231, %broadcast_in_dim3A_513] : memref<4x8x1024xf32, #tpu.memory_space<vmem>>[vector<16xi32>, vector<16xi32>, vector<16xi32>], vector<16xf32>,
        %mul3A_529 = arith.constant 16 : i32
        %mul3A_530 = arith.muli %while3A_389, %mul3A_529 : i32
        %add3A_531 = arith.constant 4 : i32
        %add3A_532 = arith.addi %mul3A_530, %add3A_531 : i32
        %swap3A_533 = arith.index_cast %rem3A_271 : i32 to index
        %swap3A_534 = arith.index_cast %add3A_532 : i32 to index
        %swap3A_535 = arith.constant 0 : index
        %swap3A_536 = tpu.vector_load %arg11[%swap3A_533, %swap3A_534, %swap3A_535] {strides = array<i32>} : memref<2x48x128xf32, #tpu.memory_space<vmem>>, vector<16xf32>,
        tpu.vector_store %arg11[%swap3A_533, %swap3A_534, %swap3A_535], %gather3A_519 {strides = array<i32>} : memref<2x48x128xf32, #tpu.memory_space<vmem>>, vector<16xf32>,
        %swap3A_537 = arith.index_cast %rem3A_271 : i32 to index
        %swap3A_538 = arith.index_cast %add3A_532 : i32 to index
        %swap3A_539 = arith.constant 16 : index
        %swap3A_540 = tpu.vector_load %arg11[%swap3A_537, %swap3A_538, %swap3A_539] {strides = array<i32>} : memref<2x48x128xf32, #tpu.memory_space<vmem>>, vector<16xf32>,
        tpu.vector_store %arg11[%swap3A_537, %swap3A_538, %swap3A_539], %gather3A_528 {strides = array<i32>} : memref<2x48x128xf32, #tpu.memory_space<vmem>>, vector<16xf32>,
        %slice3A_541 = vector.extract_strided_slice %get3A_393 {offsets = [5], sizes = [1], strides = [1]} : vector<16xi32> to vector<1xi32>
        %squeeze3A_542 = vector.extract %slice3A_541[0] : i32 from vector<1xi32>
        %broadcast_in_dim3A_543 = vector.broadcast %squeeze3A_542 : i32 to vector<16xi32>
        %gather3A_544 = arith.constant 0 : i32
        %gather3A_545 = arith.constant 0 : i32
        %gather3A_546 = arith.constant 0 : i32
        %gather3A_547 = tpu.memref_slice %arg8[%rem3A_271, %gather3A_544, %gather3A_545, %gather3A_546] : memref<2x4x8x1024xf32, #tpu.memory_space<vmem>> -> memref<1x4x8x1024xf32, #tpu.memory_space<vmem>>
        %gather3A_548 = tpu.memref_squeeze %gather3A_547 : memref<1x4x8x1024xf32, #tpu.memory_space<vmem>> -> memref<4x8x1024xf32, #tpu.memory_space<vmem>>
        %gather3A_549 = tpu.vector_load_idx %gather3A_548[%shift_right_arithmetic3A_228, %and3A_231, %broadcast_in_dim3A_543] : memref<4x8x1024xf32, #tpu.memory_space<vmem>>[vector<16xi32>, vector<16xi32>, vector<16xi32>], vector<16xf32>,
        %add3A_550 = arith.constant 2 : i32
        %add3A_551 = vector.broadcast %add3A_550 : i32 to vector<16xi32>
        %add3A_552 = arith.addi %shift_right_arithmetic3A_228, %add3A_551 : vector<16xi32>
        %gather3A_553 = arith.constant 0 : i32
        %gather3A_554 = arith.constant 0 : i32
        %gather3A_555 = arith.constant 0 : i32
        %gather3A_556 = tpu.memref_slice %arg8[%rem3A_271, %gather3A_553, %gather3A_554, %gather3A_555] : memref<2x4x8x1024xf32, #tpu.memory_space<vmem>> -> memref<1x4x8x1024xf32, #tpu.memory_space<vmem>>
        %gather3A_557 = tpu.memref_squeeze %gather3A_556 : memref<1x4x8x1024xf32, #tpu.memory_space<vmem>> -> memref<4x8x1024xf32, #tpu.memory_space<vmem>>
        %gather3A_558 = tpu.vector_load_idx %gather3A_557[%add3A_552, %and3A_231, %broadcast_in_dim3A_543] : memref<4x8x1024xf32, #tpu.memory_space<vmem>>[vector<16xi32>, vector<16xi32>, vector<16xi32>], vector<16xf32>,
        %mul3A_559 = arith.constant 16 : i32
        %mul3A_560 = arith.muli %while3A_389, %mul3A_559 : i32
        %add3A_561 = arith.constant 5 : i32
        %add3A_562 = arith.addi %mul3A_560, %add3A_561 : i32
        %swap3A_563 = arith.index_cast %rem3A_271 : i32 to index
        %swap3A_564 = arith.index_cast %add3A_562 : i32 to index
        %swap3A_565 = arith.constant 0 : index
        %swap3A_566 = tpu.vector_load %arg11[%swap3A_563, %swap3A_564, %swap3A_565] {strides = array<i32>} : memref<2x48x128xf32, #tpu.memory_space<vmem>>, vector<16xf32>,
        tpu.vector_store %arg11[%swap3A_563, %swap3A_564, %swap3A_565], %gather3A_549 {strides = array<i32>} : memref<2x48x128xf32, #tpu.memory_space<vmem>>, vector<16xf32>,
        %swap3A_567 = arith.index_cast %rem3A_271 : i32 to index
        %swap3A_568 = arith.index_cast %add3A_562 : i32 to index
        %swap3A_569 = arith.constant 16 : index
        %swap3A_570 = tpu.vector_load %arg11[%swap3A_567, %swap3A_568, %swap3A_569] {strides = array<i32>} : memref<2x48x128xf32, #tpu.memory_space<vmem>>, vector<16xf32>,
        tpu.vector_store %arg11[%swap3A_567, %swap3A_568, %swap3A_569], %gather3A_558 {strides = array<i32>} : memref<2x48x128xf32, #tpu.memory_space<vmem>>, vector<16xf32>,
        %slice3A_571 = vector.extract_strided_slice %get3A_393 {offsets = [6], sizes = [1], strides = [1]} : vector<16xi32> to vector<1xi32>
        %squeeze3A_572 = vector.extract %slice3A_571[0] : i32 from vector<1xi32>
        %broadcast_in_dim3A_573 = vector.broadcast %squeeze3A_572 : i32 to vector<16xi32>
        %gather3A_574 = arith.constant 0 : i32
        %gather3A_575 = arith.constant 0 : i32
        %gather3A_576 = arith.constant 0 : i32
        %gather3A_577 = tpu.memref_slice %arg8[%rem3A_271, %gather3A_574, %gather3A_575, %gather3A_576] : memref<2x4x8x1024xf32, #tpu.memory_space<vmem>> -> memref<1x4x8x1024xf32, #tpu.memory_space<vmem>>
        %gather3A_578 = tpu.memref_squeeze %gather3A_577 : memref<1x4x8x1024xf32, #tpu.memory_space<vmem>> -> memref<4x8x1024xf32, #tpu.memory_space<vmem>>
        %gather3A_579 = tpu.vector_load_idx %gather3A_578[%shift_right_arithmetic3A_228, %and3A_231, %broadcast_in_dim3A_573] : memref<4x8x1024xf32, #tpu.memory_space<vmem>>[vector<16xi32>, vector<16xi32>, vector<16xi32>], vector<16xf32>,
        %add3A_580 = arith.constant 2 : i32
        %add3A_581 = vector.broadcast %add3A_580 : i32 to vector<16xi32>
        %add3A_582 = arith.addi %shift_right_arithmetic3A_228, %add3A_581 : vector<16xi32>
        %gather3A_583 = arith.constant 0 : i32
        %gather3A_584 = arith.constant 0 : i32
        %gather3A_585 = arith.constant 0 : i32
        %gather3A_586 = tpu.memref_slice %arg8[%rem3A_271, %gather3A_583, %gather3A_584, %gather3A_585] : memref<2x4x8x1024xf32, #tpu.memory_space<vmem>> -> memref<1x4x8x1024xf32, #tpu.memory_space<vmem>>
        %gather3A_587 = tpu.memref_squeeze %gather3A_586 : memref<1x4x8x1024xf32, #tpu.memory_space<vmem>> -> memref<4x8x1024xf32, #tpu.memory_space<vmem>>
        %gather3A_588 = tpu.vector_load_idx %gather3A_587[%add3A_582, %and3A_231, %broadcast_in_dim3A_573] : memref<4x8x1024xf32, #tpu.memory_space<vmem>>[vector<16xi32>, vector<16xi32>, vector<16xi32>], vector<16xf32>,
        %mul3A_589 = arith.constant 16 : i32
        %mul3A_590 = arith.muli %while3A_389, %mul3A_589 : i32
        %add3A_591 = arith.constant 6 : i32
        %add3A_592 = arith.addi %mul3A_590, %add3A_591 : i32
        %swap3A_593 = arith.index_cast %rem3A_271 : i32 to index
        %swap3A_594 = arith.index_cast %add3A_592 : i32 to index
        %swap3A_595 = arith.constant 0 : index
        %swap3A_596 = tpu.vector_load %arg11[%swap3A_593, %swap3A_594, %swap3A_595] {strides = array<i32>} : memref<2x48x128xf32, #tpu.memory_space<vmem>>, vector<16xf32>,
        tpu.vector_store %arg11[%swap3A_593, %swap3A_594, %swap3A_595], %gather3A_579 {strides = array<i32>} : memref<2x48x128xf32, #tpu.memory_space<vmem>>, vector<16xf32>,
        %swap3A_597 = arith.index_cast %rem3A_271 : i32 to index
        %swap3A_598 = arith.index_cast %add3A_592 : i32 to index
        %swap3A_599 = arith.constant 16 : index
        %swap3A_600 = tpu.vector_load %arg11[%swap3A_597, %swap3A_598, %swap3A_599] {strides = array<i32>} : memref<2x48x128xf32, #tpu.memory_space<vmem>>, vector<16xf32>,
        tpu.vector_store %arg11[%swap3A_597, %swap3A_598, %swap3A_599], %gather3A_588 {strides = array<i32>} : memref<2x48x128xf32, #tpu.memory_space<vmem>>, vector<16xf32>,
        %slice3A_601 = vector.extract_strided_slice %get3A_393 {offsets = [7], sizes = [1], strides = [1]} : vector<16xi32> to vector<1xi32>
        %squeeze3A_602 = vector.extract %slice3A_601[0] : i32 from vector<1xi32>
        %broadcast_in_dim3A_603 = vector.broadcast %squeeze3A_602 : i32 to vector<16xi32>
        %gather3A_604 = arith.constant 0 : i32
        %gather3A_605 = arith.constant 0 : i32
        %gather3A_606 = arith.constant 0 : i32
        %gather3A_607 = tpu.memref_slice %arg8[%rem3A_271, %gather3A_604, %gather3A_605, %gather3A_606] : memref<2x4x8x1024xf32, #tpu.memory_space<vmem>> -> memref<1x4x8x1024xf32, #tpu.memory_space<vmem>>
        %gather3A_608 = tpu.memref_squeeze %gather3A_607 : memref<1x4x8x1024xf32, #tpu.memory_space<vmem>> -> memref<4x8x1024xf32, #tpu.memory_space<vmem>>
        %gather3A_609 = tpu.vector_load_idx %gather3A_608[%shift_right_arithmetic3A_228, %and3A_231, %broadcast_in_dim3A_603] : memref<4x8x1024xf32, #tpu.memory_space<vmem>>[vector<16xi32>, vector<16xi32>, vector<16xi32>], vector<16xf32>,
        %add3A_610 = arith.constant 2 : i32
        %add3A_611 = vector.broadcast %add3A_610 : i32 to vector<16xi32>
        %add3A_612 = arith.addi %shift_right_arithmetic3A_228, %add3A_611 : vector<16xi32>
        %gather3A_613 = arith.constant 0 : i32
        %gather3A_614 = arith.constant 0 : i32
        %gather3A_615 = arith.constant 0 : i32
        %gather3A_616 = tpu.memref_slice %arg8[%rem3A_271, %gather3A_613, %gather3A_614, %gather3A_615] : memref<2x4x8x1024xf32, #tpu.memory_space<vmem>> -> memref<1x4x8x1024xf32, #tpu.memory_space<vmem>>
        %gather3A_617 = tpu.memref_squeeze %gather3A_616 : memref<1x4x8x1024xf32, #tpu.memory_space<vmem>> -> memref<4x8x1024xf32, #tpu.memory_space<vmem>>
        %gather3A_618 = tpu.vector_load_idx %gather3A_617[%add3A_612, %and3A_231, %broadcast_in_dim3A_603] : memref<4x8x1024xf32, #tpu.memory_space<vmem>>[vector<16xi32>, vector<16xi32>, vector<16xi32>], vector<16xf32>,
        %mul3A_619 = arith.constant 16 : i32
        %mul3A_620 = arith.muli %while3A_389, %mul3A_619 : i32
        %add3A_621 = arith.constant 7 : i32
        %add3A_622 = arith.addi %mul3A_620, %add3A_621 : i32
        %swap3A_623 = arith.index_cast %rem3A_271 : i32 to index
        %swap3A_624 = arith.index_cast %add3A_622 : i32 to index
        %swap3A_625 = arith.constant 0 : index
        %swap3A_626 = tpu.vector_load %arg11[%swap3A_623, %swap3A_624, %swap3A_625] {strides = array<i32>} : memref<2x48x128xf32, #tpu.memory_space<vmem>>, vector<16xf32>,
        tpu.vector_store %arg11[%swap3A_623, %swap3A_624, %swap3A_625], %gather3A_609 {strides = array<i32>} : memref<2x48x128xf32, #tpu.memory_space<vmem>>, vector<16xf32>,
        %swap3A_627 = arith.index_cast %rem3A_271 : i32 to index
        %swap3A_628 = arith.index_cast %add3A_622 : i32 to index
        %swap3A_629 = arith.constant 16 : index
        %swap3A_630 = tpu.vector_load %arg11[%swap3A_627, %swap3A_628, %swap3A_629] {strides = array<i32>} : memref<2x48x128xf32, #tpu.memory_space<vmem>>, vector<16xf32>,
        tpu.vector_store %arg11[%swap3A_627, %swap3A_628, %swap3A_629], %gather3A_618 {strides = array<i32>} : memref<2x48x128xf32, #tpu.memory_space<vmem>>, vector<16xf32>,
        %slice3A_631 = vector.extract_strided_slice %get3A_393 {offsets = [8], sizes = [1], strides = [1]} : vector<16xi32> to vector<1xi32>
        %squeeze3A_632 = vector.extract %slice3A_631[0] : i32 from vector<1xi32>
        %broadcast_in_dim3A_633 = vector.broadcast %squeeze3A_632 : i32 to vector<16xi32>
        %gather3A_634 = arith.constant 0 : i32
        %gather3A_635 = arith.constant 0 : i32
        %gather3A_636 = arith.constant 0 : i32
        %gather3A_637 = tpu.memref_slice %arg8[%rem3A_271, %gather3A_634, %gather3A_635, %gather3A_636] : memref<2x4x8x1024xf32, #tpu.memory_space<vmem>> -> memref<1x4x8x1024xf32, #tpu.memory_space<vmem>>
        %gather3A_638 = tpu.memref_squeeze %gather3A_637 : memref<1x4x8x1024xf32, #tpu.memory_space<vmem>> -> memref<4x8x1024xf32, #tpu.memory_space<vmem>>
        %gather3A_639 = tpu.vector_load_idx %gather3A_638[%shift_right_arithmetic3A_228, %and3A_231, %broadcast_in_dim3A_633] : memref<4x8x1024xf32, #tpu.memory_space<vmem>>[vector<16xi32>, vector<16xi32>, vector<16xi32>], vector<16xf32>,
        %add3A_640 = arith.constant 2 : i32
        %add3A_641 = vector.broadcast %add3A_640 : i32 to vector<16xi32>
        %add3A_642 = arith.addi %shift_right_arithmetic3A_228, %add3A_641 : vector<16xi32>
        %gather3A_643 = arith.constant 0 : i32
        %gather3A_644 = arith.constant 0 : i32
        %gather3A_645 = arith.constant 0 : i32
        %gather3A_646 = tpu.memref_slice %arg8[%rem3A_271, %gather3A_643, %gather3A_644, %gather3A_645] : memref<2x4x8x1024xf32, #tpu.memory_space<vmem>> -> memref<1x4x8x1024xf32, #tpu.memory_space<vmem>>
        %gather3A_647 = tpu.memref_squeeze %gather3A_646 : memref<1x4x8x1024xf32, #tpu.memory_space<vmem>> -> memref<4x8x1024xf32, #tpu.memory_space<vmem>>
        %gather3A_648 = tpu.vector_load_idx %gather3A_647[%add3A_642, %and3A_231, %broadcast_in_dim3A_633] : memref<4x8x1024xf32, #tpu.memory_space<vmem>>[vector<16xi32>, vector<16xi32>, vector<16xi32>], vector<16xf32>,
        %mul3A_649 = arith.constant 16 : i32
        %mul3A_650 = arith.muli %while3A_389, %mul3A_649 : i32
        %add3A_651 = arith.constant 8 : i32
        %add3A_652 = arith.addi %mul3A_650, %add3A_651 : i32
        %swap3A_653 = arith.index_cast %rem3A_271 : i32 to index
        %swap3A_654 = arith.index_cast %add3A_652 : i32 to index
        %swap3A_655 = arith.constant 0 : index
        %swap3A_656 = tpu.vector_load %arg11[%swap3A_653, %swap3A_654, %swap3A_655] {strides = array<i32>} : memref<2x48x128xf32, #tpu.memory_space<vmem>>, vector<16xf32>,
        tpu.vector_store %arg11[%swap3A_653, %swap3A_654, %swap3A_655], %gather3A_639 {strides = array<i32>} : memref<2x48x128xf32, #tpu.memory_space<vmem>>, vector<16xf32>,
        %swap3A_657 = arith.index_cast %rem3A_271 : i32 to index
        %swap3A_658 = arith.index_cast %add3A_652 : i32 to index
        %swap3A_659 = arith.constant 16 : index
        %swap3A_660 = tpu.vector_load %arg11[%swap3A_657, %swap3A_658, %swap3A_659] {strides = array<i32>} : memref<2x48x128xf32, #tpu.memory_space<vmem>>, vector<16xf32>,
        tpu.vector_store %arg11[%swap3A_657, %swap3A_658, %swap3A_659], %gather3A_648 {strides = array<i32>} : memref<2x48x128xf32, #tpu.memory_space<vmem>>, vector<16xf32>,
        %slice3A_661 = vector.extract_strided_slice %get3A_393 {offsets = [9], sizes = [1], strides = [1]} : vector<16xi32> to vector<1xi32>
        %squeeze3A_662 = vector.extract %slice3A_661[0] : i32 from vector<1xi32>
        %broadcast_in_dim3A_663 = vector.broadcast %squeeze3A_662 : i32 to vector<16xi32>
        %gather3A_664 = arith.constant 0 : i32
        %gather3A_665 = arith.constant 0 : i32
        %gather3A_666 = arith.constant 0 : i32
        %gather3A_667 = tpu.memref_slice %arg8[%rem3A_271, %gather3A_664, %gather3A_665, %gather3A_666] : memref<2x4x8x1024xf32, #tpu.memory_space<vmem>> -> memref<1x4x8x1024xf32, #tpu.memory_space<vmem>>
        %gather3A_668 = tpu.memref_squeeze %gather3A_667 : memref<1x4x8x1024xf32, #tpu.memory_space<vmem>> -> memref<4x8x1024xf32, #tpu.memory_space<vmem>>
        %gather3A_669 = tpu.vector_load_idx %gather3A_668[%shift_right_arithmetic3A_228, %and3A_231, %broadcast_in_dim3A_663] : memref<4x8x1024xf32, #tpu.memory_space<vmem>>[vector<16xi32>, vector<16xi32>, vector<16xi32>], vector<16xf32>,
        %add3A_670 = arith.constant 2 : i32
        %add3A_671 = vector.broadcast %add3A_670 : i32 to vector<16xi32>
        %add3A_672 = arith.addi %shift_right_arithmetic3A_228, %add3A_671 : vector<16xi32>
        %gather3A_673 = arith.constant 0 : i32
        %gather3A_674 = arith.constant 0 : i32
        %gather3A_675 = arith.constant 0 : i32
        %gather3A_676 = tpu.memref_slice %arg8[%rem3A_271, %gather3A_673, %gather3A_674, %gather3A_675] : memref<2x4x8x1024xf32, #tpu.memory_space<vmem>> -> memref<1x4x8x1024xf32, #tpu.memory_space<vmem>>
        %gather3A_677 = tpu.memref_squeeze %gather3A_676 : memref<1x4x8x1024xf32, #tpu.memory_space<vmem>> -> memref<4x8x1024xf32, #tpu.memory_space<vmem>>
        %gather3A_678 = tpu.vector_load_idx %gather3A_677[%add3A_672, %and3A_231, %broadcast_in_dim3A_663] : memref<4x8x1024xf32, #tpu.memory_space<vmem>>[vector<16xi32>, vector<16xi32>, vector<16xi32>], vector<16xf32>,
        %mul3A_679 = arith.constant 16 : i32
        %mul3A_680 = arith.muli %while3A_389, %mul3A_679 : i32
        %add3A_681 = arith.constant 9 : i32
        %add3A_682 = arith.addi %mul3A_680, %add3A_681 : i32
        %swap3A_683 = arith.index_cast %rem3A_271 : i32 to index
        %swap3A_684 = arith.index_cast %add3A_682 : i32 to index
        %swap3A_685 = arith.constant 0 : index
        %swap3A_686 = tpu.vector_load %arg11[%swap3A_683, %swap3A_684, %swap3A_685] {strides = array<i32>} : memref<2x48x128xf32, #tpu.memory_space<vmem>>, vector<16xf32>,
        tpu.vector_store %arg11[%swap3A_683, %swap3A_684, %swap3A_685], %gather3A_669 {strides = array<i32>} : memref<2x48x128xf32, #tpu.memory_space<vmem>>, vector<16xf32>,
        %swap3A_687 = arith.index_cast %rem3A_271 : i32 to index
        %swap3A_688 = arith.index_cast %add3A_682 : i32 to index
        %swap3A_689 = arith.constant 16 : index
        %swap3A_690 = tpu.vector_load %arg11[%swap3A_687, %swap3A_688, %swap3A_689] {strides = array<i32>} : memref<2x48x128xf32, #tpu.memory_space<vmem>>, vector<16xf32>,
        tpu.vector_store %arg11[%swap3A_687, %swap3A_688, %swap3A_689], %gather3A_678 {strides = array<i32>} : memref<2x48x128xf32, #tpu.memory_space<vmem>>, vector<16xf32>,
        %slice3A_691 = vector.extract_strided_slice %get3A_393 {offsets = [10], sizes = [1], strides = [1]} : vector<16xi32> to vector<1xi32>
        %squeeze3A_692 = vector.extract %slice3A_691[0] : i32 from vector<1xi32>
        %broadcast_in_dim3A_693 = vector.broadcast %squeeze3A_692 : i32 to vector<16xi32>
        %gather3A_694 = arith.constant 0 : i32
        %gather3A_695 = arith.constant 0 : i32
        %gather3A_696 = arith.constant 0 : i32
        %gather3A_697 = tpu.memref_slice %arg8[%rem3A_271, %gather3A_694, %gather3A_695, %gather3A_696] : memref<2x4x8x1024xf32, #tpu.memory_space<vmem>> -> memref<1x4x8x1024xf32, #tpu.memory_space<vmem>>
        %gather3A_698 = tpu.memref_squeeze %gather3A_697 : memref<1x4x8x1024xf32, #tpu.memory_space<vmem>> -> memref<4x8x1024xf32, #tpu.memory_space<vmem>>
        %gather3A_699 = tpu.vector_load_idx %gather3A_698[%shift_right_arithmetic3A_228, %and3A_231, %broadcast_in_dim3A_693] : memref<4x8x1024xf32, #tpu.memory_space<vmem>>[vector<16xi32>, vector<16xi32>, vector<16xi32>], vector<16xf32>,
        %add3A_700 = arith.constant 2 : i32
        %add3A_701 = vector.broadcast %add3A_700 : i32 to vector<16xi32>
        %add3A_702 = arith.addi %shift_right_arithmetic3A_228, %add3A_701 : vector<16xi32>
        %gather3A_703 = arith.constant 0 : i32
        %gather3A_704 = arith.constant 0 : i32
        %gather3A_705 = arith.constant 0 : i32
        %gather3A_706 = tpu.memref_slice %arg8[%rem3A_271, %gather3A_703, %gather3A_704, %gather3A_705] : memref<2x4x8x1024xf32, #tpu.memory_space<vmem>> -> memref<1x4x8x1024xf32, #tpu.memory_space<vmem>>
        %gather3A_707 = tpu.memref_squeeze %gather3A_706 : memref<1x4x8x1024xf32, #tpu.memory_space<vmem>> -> memref<4x8x1024xf32, #tpu.memory_space<vmem>>
        %gather3A_708 = tpu.vector_load_idx %gather3A_707[%add3A_702, %and3A_231, %broadcast_in_dim3A_693] : memref<4x8x1024xf32, #tpu.memory_space<vmem>>[vector<16xi32>, vector<16xi32>, vector<16xi32>], vector<16xf32>,
        %mul3A_709 = arith.constant 16 : i32
        %mul3A_710 = arith.muli %while3A_389, %mul3A_709 : i32
        %add3A_711 = arith.constant 10 : i32
        %add3A_712 = arith.addi %mul3A_710, %add3A_711 : i32
        %swap3A_713 = arith.index_cast %rem3A_271 : i32 to index
        %swap3A_714 = arith.index_cast %add3A_712 : i32 to index
        %swap3A_715 = arith.constant 0 : index
        %swap3A_716 = tpu.vector_load %arg11[%swap3A_713, %swap3A_714, %swap3A_715] {strides = array<i32>} : memref<2x48x128xf32, #tpu.memory_space<vmem>>, vector<16xf32>,
        tpu.vector_store %arg11[%swap3A_713, %swap3A_714, %swap3A_715], %gather3A_699 {strides = array<i32>} : memref<2x48x128xf32, #tpu.memory_space<vmem>>, vector<16xf32>,
        %swap3A_717 = arith.index_cast %rem3A_271 : i32 to index
        %swap3A_718 = arith.index_cast %add3A_712 : i32 to index
        %swap3A_719 = arith.constant 16 : index
        %swap3A_720 = tpu.vector_load %arg11[%swap3A_717, %swap3A_718, %swap3A_719] {strides = array<i32>} : memref<2x48x128xf32, #tpu.memory_space<vmem>>, vector<16xf32>,
        tpu.vector_store %arg11[%swap3A_717, %swap3A_718, %swap3A_719], %gather3A_708 {strides = array<i32>} : memref<2x48x128xf32, #tpu.memory_space<vmem>>, vector<16xf32>,
        %slice3A_721 = vector.extract_strided_slice %get3A_393 {offsets = [11], sizes = [1], strides = [1]} : vector<16xi32> to vector<1xi32>
        %squeeze3A_722 = vector.extract %slice3A_721[0] : i32 from vector<1xi32>
        %broadcast_in_dim3A_723 = vector.broadcast %squeeze3A_722 : i32 to vector<16xi32>
        %gather3A_724 = arith.constant 0 : i32
        %gather3A_725 = arith.constant 0 : i32
        %gather3A_726 = arith.constant 0 : i32
        %gather3A_727 = tpu.memref_slice %arg8[%rem3A_271, %gather3A_724, %gather3A_725, %gather3A_726] : memref<2x4x8x1024xf32, #tpu.memory_space<vmem>> -> memref<1x4x8x1024xf32, #tpu.memory_space<vmem>>
        %gather3A_728 = tpu.memref_squeeze %gather3A_727 : memref<1x4x8x1024xf32, #tpu.memory_space<vmem>> -> memref<4x8x1024xf32, #tpu.memory_space<vmem>>
        %gather3A_729 = tpu.vector_load_idx %gather3A_728[%shift_right_arithmetic3A_228, %and3A_231, %broadcast_in_dim3A_723] : memref<4x8x1024xf32, #tpu.memory_space<vmem>>[vector<16xi32>, vector<16xi32>, vector<16xi32>], vector<16xf32>,
        %add3A_730 = arith.constant 2 : i32
        %add3A_731 = vector.broadcast %add3A_730 : i32 to vector<16xi32>
        %add3A_732 = arith.addi %shift_right_arithmetic3A_228, %add3A_731 : vector<16xi32>
        %gather3A_733 = arith.constant 0 : i32
        %gather3A_734 = arith.constant 0 : i32
        %gather3A_735 = arith.constant 0 : i32
        %gather3A_736 = tpu.memref_slice %arg8[%rem3A_271, %gather3A_733, %gather3A_734, %gather3A_735] : memref<2x4x8x1024xf32, #tpu.memory_space<vmem>> -> memref<1x4x8x1024xf32, #tpu.memory_space<vmem>>
        %gather3A_737 = tpu.memref_squeeze %gather3A_736 : memref<1x4x8x1024xf32, #tpu.memory_space<vmem>> -> memref<4x8x1024xf32, #tpu.memory_space<vmem>>
        %gather3A_738 = tpu.vector_load_idx %gather3A_737[%add3A_732, %and3A_231, %broadcast_in_dim3A_723] : memref<4x8x1024xf32, #tpu.memory_space<vmem>>[vector<16xi32>, vector<16xi32>, vector<16xi32>], vector<16xf32>,
        %mul3A_739 = arith.constant 16 : i32
        %mul3A_740 = arith.muli %while3A_389, %mul3A_739 : i32
        %add3A_741 = arith.constant 11 : i32
        %add3A_742 = arith.addi %mul3A_740, %add3A_741 : i32
        %swap3A_743 = arith.index_cast %rem3A_271 : i32 to index
        %swap3A_744 = arith.index_cast %add3A_742 : i32 to index
        %swap3A_745 = arith.constant 0 : index
        %swap3A_746 = tpu.vector_load %arg11[%swap3A_743, %swap3A_744, %swap3A_745] {strides = array<i32>} : memref<2x48x128xf32, #tpu.memory_space<vmem>>, vector<16xf32>,
        tpu.vector_store %arg11[%swap3A_743, %swap3A_744, %swap3A_745], %gather3A_729 {strides = array<i32>} : memref<2x48x128xf32, #tpu.memory_space<vmem>>, vector<16xf32>,
        %swap3A_747 = arith.index_cast %rem3A_271 : i32 to index
        %swap3A_748 = arith.index_cast %add3A_742 : i32 to index
        %swap3A_749 = arith.constant 16 : index
        %swap3A_750 = tpu.vector_load %arg11[%swap3A_747, %swap3A_748, %swap3A_749] {strides = array<i32>} : memref<2x48x128xf32, #tpu.memory_space<vmem>>, vector<16xf32>,
        tpu.vector_store %arg11[%swap3A_747, %swap3A_748, %swap3A_749], %gather3A_738 {strides = array<i32>} : memref<2x48x128xf32, #tpu.memory_space<vmem>>, vector<16xf32>,
        %slice3A_751 = vector.extract_strided_slice %get3A_393 {offsets = [12], sizes = [1], strides = [1]} : vector<16xi32> to vector<1xi32>
        %squeeze3A_752 = vector.extract %slice3A_751[0] : i32 from vector<1xi32>
        %broadcast_in_dim3A_753 = vector.broadcast %squeeze3A_752 : i32 to vector<16xi32>
        %gather3A_754 = arith.constant 0 : i32
        %gather3A_755 = arith.constant 0 : i32
        %gather3A_756 = arith.constant 0 : i32
        %gather3A_757 = tpu.memref_slice %arg8[%rem3A_271, %gather3A_754, %gather3A_755, %gather3A_756] : memref<2x4x8x1024xf32, #tpu.memory_space<vmem>> -> memref<1x4x8x1024xf32, #tpu.memory_space<vmem>>
        %gather3A_758 = tpu.memref_squeeze %gather3A_757 : memref<1x4x8x1024xf32, #tpu.memory_space<vmem>> -> memref<4x8x1024xf32, #tpu.memory_space<vmem>>
        %gather3A_759 = tpu.vector_load_idx %gather3A_758[%shift_right_arithmetic3A_228, %and3A_231, %broadcast_in_dim3A_753] : memref<4x8x1024xf32, #tpu.memory_space<vmem>>[vector<16xi32>, vector<16xi32>, vector<16xi32>], vector<16xf32>,
        %add3A_760 = arith.constant 2 : i32
        %add3A_761 = vector.broadcast %add3A_760 : i32 to vector<16xi32>
        %add3A_762 = arith.addi %shift_right_arithmetic3A_228, %add3A_761 : vector<16xi32>
        %gather3A_763 = arith.constant 0 : i32
        %gather3A_764 = arith.constant 0 : i32
        %gather3A_765 = arith.constant 0 : i32
        %gather3A_766 = tpu.memref_slice %arg8[%rem3A_271, %gather3A_763, %gather3A_764, %gather3A_765] : memref<2x4x8x1024xf32, #tpu.memory_space<vmem>> -> memref<1x4x8x1024xf32, #tpu.memory_space<vmem>>
        %gather3A_767 = tpu.memref_squeeze %gather3A_766 : memref<1x4x8x1024xf32, #tpu.memory_space<vmem>> -> memref<4x8x1024xf32, #tpu.memory_space<vmem>>
        %gather3A_768 = tpu.vector_load_idx %gather3A_767[%add3A_762, %and3A_231, %broadcast_in_dim3A_753] : memref<4x8x1024xf32, #tpu.memory_space<vmem>>[vector<16xi32>, vector<16xi32>, vector<16xi32>], vector<16xf32>,
        %mul3A_769 = arith.constant 16 : i32
        %mul3A_770 = arith.muli %while3A_389, %mul3A_769 : i32
        %add3A_771 = arith.constant 12 : i32
        %add3A_772 = arith.addi %mul3A_770, %add3A_771 : i32
        %swap3A_773 = arith.index_cast %rem3A_271 : i32 to index
        %swap3A_774 = arith.index_cast %add3A_772 : i32 to index
        %swap3A_775 = arith.constant 0 : index
        %swap3A_776 = tpu.vector_load %arg11[%swap3A_773, %swap3A_774, %swap3A_775] {strides = array<i32>} : memref<2x48x128xf32, #tpu.memory_space<vmem>>, vector<16xf32>,
        tpu.vector_store %arg11[%swap3A_773, %swap3A_774, %swap3A_775], %gather3A_759 {strides = array<i32>} : memref<2x48x128xf32, #tpu.memory_space<vmem>>, vector<16xf32>,
        %swap3A_777 = arith.index_cast %rem3A_271 : i32 to index
        %swap3A_778 = arith.index_cast %add3A_772 : i32 to index
        %swap3A_779 = arith.constant 16 : index
        %swap3A_780 = tpu.vector_load %arg11[%swap3A_777, %swap3A_778, %swap3A_779] {strides = array<i32>} : memref<2x48x128xf32, #tpu.memory_space<vmem>>, vector<16xf32>,
        tpu.vector_store %arg11[%swap3A_777, %swap3A_778, %swap3A_779], %gather3A_768 {strides = array<i32>} : memref<2x48x128xf32, #tpu.memory_space<vmem>>, vector<16xf32>,
        %slice3A_781 = vector.extract_strided_slice %get3A_393 {offsets = [13], sizes = [1], strides = [1]} : vector<16xi32> to vector<1xi32>
        %squeeze3A_782 = vector.extract %slice3A_781[0] : i32 from vector<1xi32>
        %broadcast_in_dim3A_783 = vector.broadcast %squeeze3A_782 : i32 to vector<16xi32>
        %gather3A_784 = arith.constant 0 : i32
        %gather3A_785 = arith.constant 0 : i32
        %gather3A_786 = arith.constant 0 : i32
        %gather3A_787 = tpu.memref_slice %arg8[%rem3A_271, %gather3A_784, %gather3A_785, %gather3A_786] : memref<2x4x8x1024xf32, #tpu.memory_space<vmem>> -> memref<1x4x8x1024xf32, #tpu.memory_space<vmem>>
        %gather3A_788 = tpu.memref_squeeze %gather3A_787 : memref<1x4x8x1024xf32, #tpu.memory_space<vmem>> -> memref<4x8x1024xf32, #tpu.memory_space<vmem>>
        %gather3A_789 = tpu.vector_load_idx %gather3A_788[%shift_right_arithmetic3A_228, %and3A_231, %broadcast_in_dim3A_783] : memref<4x8x1024xf32, #tpu.memory_space<vmem>>[vector<16xi32>, vector<16xi32>, vector<16xi32>], vector<16xf32>,
        %add3A_790 = arith.constant 2 : i32
        %add3A_791 = vector.broadcast %add3A_790 : i32 to vector<16xi32>
        %add3A_792 = arith.addi %shift_right_arithmetic3A_228, %add3A_791 : vector<16xi32>
        %gather3A_793 = arith.constant 0 : i32
        %gather3A_794 = arith.constant 0 : i32
        %gather3A_795 = arith.constant 0 : i32
        %gather3A_796 = tpu.memref_slice %arg8[%rem3A_271, %gather3A_793, %gather3A_794, %gather3A_795] : memref<2x4x8x1024xf32, #tpu.memory_space<vmem>> -> memref<1x4x8x1024xf32, #tpu.memory_space<vmem>>
        %gather3A_797 = tpu.memref_squeeze %gather3A_796 : memref<1x4x8x1024xf32, #tpu.memory_space<vmem>> -> memref<4x8x1024xf32, #tpu.memory_space<vmem>>
        %gather3A_798 = tpu.vector_load_idx %gather3A_797[%add3A_792, %and3A_231, %broadcast_in_dim3A_783] : memref<4x8x1024xf32, #tpu.memory_space<vmem>>[vector<16xi32>, vector<16xi32>, vector<16xi32>], vector<16xf32>,
        %mul3A_799 = arith.constant 16 : i32
        %mul3A_800 = arith.muli %while3A_389, %mul3A_799 : i32
        %add3A_801 = arith.constant 13 : i32
        %add3A_802 = arith.addi %mul3A_800, %add3A_801 : i32
        %swap3A_803 = arith.index_cast %rem3A_271 : i32 to index
        %swap3A_804 = arith.index_cast %add3A_802 : i32 to index
        %swap3A_805 = arith.constant 0 : index
        %swap3A_806 = tpu.vector_load %arg11[%swap3A_803, %swap3A_804, %swap3A_805] {strides = array<i32>} : memref<2x48x128xf32, #tpu.memory_space<vmem>>, vector<16xf32>,
        tpu.vector_store %arg11[%swap3A_803, %swap3A_804, %swap3A_805], %gather3A_789 {strides = array<i32>} : memref<2x48x128xf32, #tpu.memory_space<vmem>>, vector<16xf32>,
        %swap3A_807 = arith.index_cast %rem3A_271 : i32 to index
        %swap3A_808 = arith.index_cast %add3A_802 : i32 to index
        %swap3A_809 = arith.constant 16 : index
        %swap3A_810 = tpu.vector_load %arg11[%swap3A_807, %swap3A_808, %swap3A_809] {strides = array<i32>} : memref<2x48x128xf32, #tpu.memory_space<vmem>>, vector<16xf32>,
        tpu.vector_store %arg11[%swap3A_807, %swap3A_808, %swap3A_809], %gather3A_798 {strides = array<i32>} : memref<2x48x128xf32, #tpu.memory_space<vmem>>, vector<16xf32>,
        %slice3A_811 = vector.extract_strided_slice %get3A_393 {offsets = [14], sizes = [1], strides = [1]} : vector<16xi32> to vector<1xi32>
        %squeeze3A_812 = vector.extract %slice3A_811[0] : i32 from vector<1xi32>
        %broadcast_in_dim3A_813 = vector.broadcast %squeeze3A_812 : i32 to vector<16xi32>
        %gather3A_814 = arith.constant 0 : i32
        %gather3A_815 = arith.constant 0 : i32
        %gather3A_816 = arith.constant 0 : i32
        %gather3A_817 = tpu.memref_slice %arg8[%rem3A_271, %gather3A_814, %gather3A_815, %gather3A_816] : memref<2x4x8x1024xf32, #tpu.memory_space<vmem>> -> memref<1x4x8x1024xf32, #tpu.memory_space<vmem>>
        %gather3A_818 = tpu.memref_squeeze %gather3A_817 : memref<1x4x8x1024xf32, #tpu.memory_space<vmem>> -> memref<4x8x1024xf32, #tpu.memory_space<vmem>>
        %gather3A_819 = tpu.vector_load_idx %gather3A_818[%shift_right_arithmetic3A_228, %and3A_231, %broadcast_in_dim3A_813] : memref<4x8x1024xf32, #tpu.memory_space<vmem>>[vector<16xi32>, vector<16xi32>, vector<16xi32>], vector<16xf32>,
        %add3A_820 = arith.constant 2 : i32
        %add3A_821 = vector.broadcast %add3A_820 : i32 to vector<16xi32>
        %add3A_822 = arith.addi %shift_right_arithmetic3A_228, %add3A_821 : vector<16xi32>
        %gather3A_823 = arith.constant 0 : i32
        %gather3A_824 = arith.constant 0 : i32
        %gather3A_825 = arith.constant 0 : i32
        %gather3A_826 = tpu.memref_slice %arg8[%rem3A_271, %gather3A_823, %gather3A_824, %gather3A_825] : memref<2x4x8x1024xf32, #tpu.memory_space<vmem>> -> memref<1x4x8x1024xf32, #tpu.memory_space<vmem>>
        %gather3A_827 = tpu.memref_squeeze %gather3A_826 : memref<1x4x8x1024xf32, #tpu.memory_space<vmem>> -> memref<4x8x1024xf32, #tpu.memory_space<vmem>>
        %gather3A_828 = tpu.vector_load_idx %gather3A_827[%add3A_822, %and3A_231, %broadcast_in_dim3A_813] : memref<4x8x1024xf32, #tpu.memory_space<vmem>>[vector<16xi32>, vector<16xi32>, vector<16xi32>], vector<16xf32>,
        %mul3A_829 = arith.constant 16 : i32
        %mul3A_830 = arith.muli %while3A_389, %mul3A_829 : i32
        %add3A_831 = arith.constant 14 : i32
        %add3A_832 = arith.addi %mul3A_830, %add3A_831 : i32
        %swap3A_833 = arith.index_cast %rem3A_271 : i32 to index
        %swap3A_834 = arith.index_cast %add3A_832 : i32 to index
        %swap3A_835 = arith.constant 0 : index
        %swap3A_836 = tpu.vector_load %arg11[%swap3A_833, %swap3A_834, %swap3A_835] {strides = array<i32>} : memref<2x48x128xf32, #tpu.memory_space<vmem>>, vector<16xf32>,
        tpu.vector_store %arg11[%swap3A_833, %swap3A_834, %swap3A_835], %gather3A_819 {strides = array<i32>} : memref<2x48x128xf32, #tpu.memory_space<vmem>>, vector<16xf32>,
        %swap3A_837 = arith.index_cast %rem3A_271 : i32 to index
        %swap3A_838 = arith.index_cast %add3A_832 : i32 to index
        %swap3A_839 = arith.constant 16 : index
        %swap3A_840 = tpu.vector_load %arg11[%swap3A_837, %swap3A_838, %swap3A_839] {strides = array<i32>} : memref<2x48x128xf32, #tpu.memory_space<vmem>>, vector<16xf32>,
        tpu.vector_store %arg11[%swap3A_837, %swap3A_838, %swap3A_839], %gather3A_828 {strides = array<i32>} : memref<2x48x128xf32, #tpu.memory_space<vmem>>, vector<16xf32>,
        %slice3A_841 = vector.extract_strided_slice %get3A_393 {offsets = [15], sizes = [1], strides = [1]} : vector<16xi32> to vector<1xi32>
        %squeeze3A_842 = vector.extract %slice3A_841[0] : i32 from vector<1xi32>
        %broadcast_in_dim3A_843 = vector.broadcast %squeeze3A_842 : i32 to vector<16xi32>
        %gather3A_844 = arith.constant 0 : i32
        %gather3A_845 = arith.constant 0 : i32
        %gather3A_846 = arith.constant 0 : i32
        %gather3A_847 = tpu.memref_slice %arg8[%rem3A_271, %gather3A_844, %gather3A_845, %gather3A_846] : memref<2x4x8x1024xf32, #tpu.memory_space<vmem>> -> memref<1x4x8x1024xf32, #tpu.memory_space<vmem>>
        %gather3A_848 = tpu.memref_squeeze %gather3A_847 : memref<1x4x8x1024xf32, #tpu.memory_space<vmem>> -> memref<4x8x1024xf32, #tpu.memory_space<vmem>>
        %gather3A_849 = tpu.vector_load_idx %gather3A_848[%shift_right_arithmetic3A_228, %and3A_231, %broadcast_in_dim3A_843] : memref<4x8x1024xf32, #tpu.memory_space<vmem>>[vector<16xi32>, vector<16xi32>, vector<16xi32>], vector<16xf32>,
        %add3A_850 = arith.constant 2 : i32
        %add3A_851 = vector.broadcast %add3A_850 : i32 to vector<16xi32>
        %add3A_852 = arith.addi %shift_right_arithmetic3A_228, %add3A_851 : vector<16xi32>
        %gather3A_853 = arith.constant 0 : i32
        %gather3A_854 = arith.constant 0 : i32
        %gather3A_855 = arith.constant 0 : i32
        %gather3A_856 = tpu.memref_slice %arg8[%rem3A_271, %gather3A_853, %gather3A_854, %gather3A_855] : memref<2x4x8x1024xf32, #tpu.memory_space<vmem>> -> memref<1x4x8x1024xf32, #tpu.memory_space<vmem>>
        %gather3A_857 = tpu.memref_squeeze %gather3A_856 : memref<1x4x8x1024xf32, #tpu.memory_space<vmem>> -> memref<4x8x1024xf32, #tpu.memory_space<vmem>>
        %gather3A_858 = tpu.vector_load_idx %gather3A_857[%add3A_852, %and3A_231, %broadcast_in_dim3A_843] : memref<4x8x1024xf32, #tpu.memory_space<vmem>>[vector<16xi32>, vector<16xi32>, vector<16xi32>], vector<16xf32>,
        %mul3A_859 = arith.constant 16 : i32
        %mul3A_860 = arith.muli %while3A_389, %mul3A_859 : i32
        %add3A_861 = arith.constant 15 : i32
        %add3A_862 = arith.addi %mul3A_860, %add3A_861 : i32
        %swap3A_863 = arith.index_cast %rem3A_271 : i32 to index
        %swap3A_864 = arith.index_cast %add3A_862 : i32 to index
        %swap3A_865 = arith.constant 0 : index
        %swap3A_866 = tpu.vector_load %arg11[%swap3A_863, %swap3A_864, %swap3A_865] {strides = array<i32>} : memref<2x48x128xf32, #tpu.memory_space<vmem>>, vector<16xf32>,
        tpu.vector_store %arg11[%swap3A_863, %swap3A_864, %swap3A_865], %gather3A_849 {strides = array<i32>} : memref<2x48x128xf32, #tpu.memory_space<vmem>>, vector<16xf32>,
        %swap3A_867 = arith.index_cast %rem3A_271 : i32 to index
        %swap3A_868 = arith.index_cast %add3A_862 : i32 to index
        %swap3A_869 = arith.constant 16 : index
        %swap3A_870 = tpu.vector_load %arg11[%swap3A_867, %swap3A_868, %swap3A_869] {strides = array<i32>} : memref<2x48x128xf32, #tpu.memory_space<vmem>>, vector<16xf32>,
        tpu.vector_store %arg11[%swap3A_867, %swap3A_868, %swap3A_869], %gather3A_858 {strides = array<i32>} : memref<2x48x128xf32, #tpu.memory_space<vmem>>, vector<16xf32>,
      }
      %while3A_369 = arith.constant 1 : i32
      scf.for %while3A_389 = %while3A_367 to %while3A_363 step %while3A_369  : i32 {
        %mul3A_390 = arith.constant 16 : i32
        %mul3A_391 = arith.muli %while3A_389, %mul3A_390 : i32
        %get3A = arith.index_cast %rem3A_271 : i32 to index
        %get3A_392 = arith.index_cast %mul3A_391 : i32 to index
        %get3A_393 = tpu.vector_load %arg10[%get3A, %get3A_392] {strides = array<i32>} : memref<2x48xi32, #tpu.memory_space<vmem>>, vector<16xi32>,
        %slice3A = vector.extract_strided_slice %get3A_393 {offsets = [0], sizes = [1], strides = [1]} : vector<16xi32> to vector<1xi32>
        %squeeze3A = vector.extract %slice3A[0] : i32 from vector<1xi32>
        %broadcast_in_dim3A_394 = vector.broadcast %squeeze3A : i32 to vector<16xi32>
        %gather3A = arith.constant 0 : i32
        %gather3A_395 = arith.constant 0 : i32
        %gather3A_396 = arith.constant 0 : i32
        %gather3A_397 = tpu.memref_slice %arg8[%rem3A_271, %gather3A, %gather3A_395, %gather3A_396] : memref<2x4x8x1024xf32, #tpu.memory_space<vmem>> -> memref<1x4x8x1024xf32, #tpu.memory_space<vmem>>
        %gather3A_398 = tpu.memref_squeeze %gather3A_397 : memref<1x4x8x1024xf32, #tpu.memory_space<vmem>> -> memref<4x8x1024xf32, #tpu.memory_space<vmem>>
        %gather3A_399 = tpu.vector_load_idx %gather3A_398[%shift_right_arithmetic3A_228, %and3A_231, %broadcast_in_dim3A_394] : memref<4x8x1024xf32, #tpu.memory_space<vmem>>[vector<16xi32>, vector<16xi32>, vector<16xi32>], vector<16xf32>,
        %add3A_400 = arith.constant 2 : i32
        %add3A_401 = vector.broadcast %add3A_400 : i32 to vector<16xi32>
        %add3A_402 = arith.addi %shift_right_arithmetic3A_228, %add3A_401 : vector<16xi32>
        %gather3A_403 = arith.constant 0 : i32
        %gather3A_404 = arith.constant 0 : i32
        %gather3A_405 = arith.constant 0 : i32
        %gather3A_406 = tpu.memref_slice %arg8[%rem3A_271, %gather3A_403, %gather3A_404, %gather3A_405] : memref<2x4x8x1024xf32, #tpu.memory_space<vmem>> -> memref<1x4x8x1024xf32, #tpu.memory_space<vmem>>
        %gather3A_407 = tpu.memref_squeeze %gather3A_406 : memref<1x4x8x1024xf32, #tpu.memory_space<vmem>> -> memref<4x8x1024xf32, #tpu.memory_space<vmem>>
        %gather3A_408 = tpu.vector_load_idx %gather3A_407[%add3A_402, %and3A_231, %broadcast_in_dim3A_394] : memref<4x8x1024xf32, #tpu.memory_space<vmem>>[vector<16xi32>, vector<16xi32>, vector<16xi32>], vector<16xf32>,
        %mul3A_409 = arith.constant 16 : i32
        %mul3A_410 = arith.muli %while3A_389, %mul3A_409 : i32
        %add3A_411 = arith.constant 0 : i32
        %add3A_412 = arith.addi %mul3A_410, %add3A_411 : i32
        %swap3A_413 = arith.index_cast %rem3A_271 : i32 to index
        %swap3A_414 = arith.index_cast %add3A_412 : i32 to index
        %swap3A_415 = arith.constant 0 : index
        %swap3A_416 = tpu.vector_load %arg11[%swap3A_413, %swap3A_414, %swap3A_415] {strides = array<i32>} : memref<2x48x128xf32, #tpu.memory_space<vmem>>, vector<16xf32>,
        tpu.vector_store %arg11[%swap3A_413, %swap3A_414, %swap3A_415], %gather3A_399 {strides = array<i32>} : memref<2x48x128xf32, #tpu.memory_space<vmem>>, vector<16xf32>,
        %swap3A_417 = arith.index_cast %rem3A_271 : i32 to index
        %swap3A_418 = arith.index_cast %add3A_412 : i32 to index
        %swap3A_419 = arith.constant 16 : index
        %swap3A_420 = tpu.vector_load %arg11[%swap3A_417, %swap3A_418, %swap3A_419] {strides = array<i32>} : memref<2x48x128xf32, #tpu.memory_space<vmem>>, vector<16xf32>,
        tpu.vector_store %arg11[%swap3A_417, %swap3A_418, %swap3A_419], %gather3A_408 {strides = array<i32>} : memref<2x48x128xf32, #tpu.memory_space<vmem>>, vector<16xf32>,
        %slice3A_421 = vector.extract_strided_slice %get3A_393 {offsets = [1], sizes = [1], strides = [1]} : vector<16xi32> to vector<1xi32>
        %squeeze3A_422 = vector.extract %slice3A_421[0] : i32 from vector<1xi32>
        %broadcast_in_dim3A_423 = vector.broadcast %squeeze3A_422 : i32 to vector<16xi32>
        %gather3A_424 = arith.constant 0 : i32
        %gather3A_425 = arith.constant 0 : i32
        %gather3A_426 = arith.constant 0 : i32
        %gather3A_427 = tpu.memref_slice %arg8[%rem3A_271, %gather3A_424, %gather3A_425, %gather3A_426] : memref<2x4x8x1024xf32, #tpu.memory_space<vmem>> -> memref<1x4x8x1024xf32, #tpu.memory_space<vmem>>
        %gather3A_428 = tpu.memref_squeeze %gather3A_427 : memref<1x4x8x1024xf32, #tpu.memory_space<vmem>> -> memref<4x8x1024xf32, #tpu.memory_space<vmem>>
        %gather3A_429 = tpu.vector_load_idx %gather3A_428[%shift_right_arithmetic3A_228, %and3A_231, %broadcast_in_dim3A_423] : memref<4x8x1024xf32, #tpu.memory_space<vmem>>[vector<16xi32>, vector<16xi32>, vector<16xi32>], vector<16xf32>,
        %add3A_430 = arith.constant 2 : i32
        %add3A_431 = vector.broadcast %add3A_430 : i32 to vector<16xi32>
        %add3A_432 = arith.addi %shift_right_arithmetic3A_228, %add3A_431 : vector<16xi32>
        %gather3A_433 = arith.constant 0 : i32
        %gather3A_434 = arith.constant 0 : i32
        %gather3A_435 = arith.constant 0 : i32
        %gather3A_436 = tpu.memref_slice %arg8[%rem3A_271, %gather3A_433, %gather3A_434, %gather3A_435] : memref<2x4x8x1024xf32, #tpu.memory_space<vmem>> -> memref<1x4x8x1024xf32, #tpu.memory_space<vmem>>
        %gather3A_437 = tpu.memref_squeeze %gather3A_436 : memref<1x4x8x1024xf32, #tpu.memory_space<vmem>> -> memref<4x8x1024xf32, #tpu.memory_space<vmem>>
        %gather3A_438 = tpu.vector_load_idx %gather3A_437[%add3A_432, %and3A_231, %broadcast_in_dim3A_423] : memref<4x8x1024xf32, #tpu.memory_space<vmem>>[vector<16xi32>, vector<16xi32>, vector<16xi32>], vector<16xf32>,
        %mul3A_439 = arith.constant 16 : i32
        %mul3A_440 = arith.muli %while3A_389, %mul3A_439 : i32
        %add3A_441 = arith.constant 1 : i32
        %add3A_442 = arith.addi %mul3A_440, %add3A_441 : i32
        %swap3A_443 = arith.index_cast %rem3A_271 : i32 to index
        %swap3A_444 = arith.index_cast %add3A_442 : i32 to index
        %swap3A_445 = arith.constant 0 : index
        %swap3A_446 = tpu.vector_load %arg11[%swap3A_443, %swap3A_444, %swap3A_445] {strides = array<i32>} : memref<2x48x128xf32, #tpu.memory_space<vmem>>, vector<16xf32>,
        tpu.vector_store %arg11[%swap3A_443, %swap3A_444, %swap3A_445], %gather3A_429 {strides = array<i32>} : memref<2x48x128xf32, #tpu.memory_space<vmem>>, vector<16xf32>,
        %swap3A_447 = arith.index_cast %rem3A_271 : i32 to index
        %swap3A_448 = arith.index_cast %add3A_442 : i32 to index
        %swap3A_449 = arith.constant 16 : index
        %swap3A_450 = tpu.vector_load %arg11[%swap3A_447, %swap3A_448, %swap3A_449] {strides = array<i32>} : memref<2x48x128xf32, #tpu.memory_space<vmem>>, vector<16xf32>,
        tpu.vector_store %arg11[%swap3A_447, %swap3A_448, %swap3A_449], %gather3A_438 {strides = array<i32>} : memref<2x48x128xf32, #tpu.memory_space<vmem>>, vector<16xf32>,
        %slice3A_451 = vector.extract_strided_slice %get3A_393 {offsets = [2], sizes = [1], strides = [1]} : vector<16xi32> to vector<1xi32>
        %squeeze3A_452 = vector.extract %slice3A_451[0] : i32 from vector<1xi32>
        %broadcast_in_dim3A_453 = vector.broadcast %squeeze3A_452 : i32 to vector<16xi32>
        %gather3A_454 = arith.constant 0 : i32
        %gather3A_455 = arith.constant 0 : i32
        %gather3A_456 = arith.constant 0 : i32
        %gather3A_457 = tpu.memref_slice %arg8[%rem3A_271, %gather3A_454, %gather3A_455, %gather3A_456] : memref<2x4x8x1024xf32, #tpu.memory_space<vmem>> -> memref<1x4x8x1024xf32, #tpu.memory_space<vmem>>
        %gather3A_458 = tpu.memref_squeeze %gather3A_457 : memref<1x4x8x1024xf32, #tpu.memory_space<vmem>> -> memref<4x8x1024xf32, #tpu.memory_space<vmem>>
        %gather3A_459 = tpu.vector_load_idx %gather3A_458[%shift_right_arithmetic3A_228, %and3A_231, %broadcast_in_dim3A_453] : memref<4x8x1024xf32, #tpu.memory_space<vmem>>[vector<16xi32>, vector<16xi32>, vector<16xi32>], vector<16xf32>,
        %add3A_460 = arith.constant 2 : i32
        %add3A_461 = vector.broadcast %add3A_460 : i32 to vector<16xi32>
        %add3A_462 = arith.addi %shift_right_arithmetic3A_228, %add3A_461 : vector<16xi32>
        %gather3A_463 = arith.constant 0 : i32
        %gather3A_464 = arith.constant 0 : i32
        %gather3A_465 = arith.constant 0 : i32
        %gather3A_466 = tpu.memref_slice %arg8[%rem3A_271, %gather3A_463, %gather3A_464, %gather3A_465] : memref<2x4x8x1024xf32, #tpu.memory_space<vmem>> -> memref<1x4x8x1024xf32, #tpu.memory_space<vmem>>
        %gather3A_467 = tpu.memref_squeeze %gather3A_466 : memref<1x4x8x1024xf32, #tpu.memory_space<vmem>> -> memref<4x8x1024xf32, #tpu.memory_space<vmem>>
        %gather3A_468 = tpu.vector_load_idx %gather3A_467[%add3A_462, %and3A_231, %broadcast_in_dim3A_453] : memref<4x8x1024xf32, #tpu.memory_space<vmem>>[vector<16xi32>, vector<16xi32>, vector<16xi32>], vector<16xf32>,
        %mul3A_469 = arith.constant 16 : i32
        %mul3A_470 = arith.muli %while3A_389, %mul3A_469 : i32
        %add3A_471 = arith.constant 2 : i32
        %add3A_472 = arith.addi %mul3A_470, %add3A_471 : i32
        %swap3A_473 = arith.index_cast %rem3A_271 : i32 to index
        %swap3A_474 = arith.index_cast %add3A_472 : i32 to index
        %swap3A_475 = arith.constant 0 : index
        %swap3A_476 = tpu.vector_load %arg11[%swap3A_473, %swap3A_474, %swap3A_475] {strides = array<i32>} : memref<2x48x128xf32, #tpu.memory_space<vmem>>, vector<16xf32>,
        tpu.vector_store %arg11[%swap3A_473, %swap3A_474, %swap3A_475], %gather3A_459 {strides = array<i32>} : memref<2x48x128xf32, #tpu.memory_space<vmem>>, vector<16xf32>,
        %swap3A_477 = arith.index_cast %rem3A_271 : i32 to index
        %swap3A_478 = arith.index_cast %add3A_472 : i32 to index
        %swap3A_479 = arith.constant 16 : index
        %swap3A_480 = tpu.vector_load %arg11[%swap3A_477, %swap3A_478, %swap3A_479] {strides = array<i32>} : memref<2x48x128xf32, #tpu.memory_space<vmem>>, vector<16xf32>,
        tpu.vector_store %arg11[%swap3A_477, %swap3A_478, %swap3A_479], %gather3A_468 {strides = array<i32>} : memref<2x48x128xf32, #tpu.memory_space<vmem>>, vector<16xf32>,
        %slice3A_481 = vector.extract_strided_slice %get3A_393 {offsets = [3], sizes = [1], strides = [1]} : vector<16xi32> to vector<1xi32>
        %squeeze3A_482 = vector.extract %slice3A_481[0] : i32 from vector<1xi32>
        %broadcast_in_dim3A_483 = vector.broadcast %squeeze3A_482 : i32 to vector<16xi32>
        %gather3A_484 = arith.constant 0 : i32
        %gather3A_485 = arith.constant 0 : i32
        %gather3A_486 = arith.constant 0 : i32
        %gather3A_487 = tpu.memref_slice %arg8[%rem3A_271, %gather3A_484, %gather3A_485, %gather3A_486] : memref<2x4x8x1024xf32, #tpu.memory_space<vmem>> -> memref<1x4x8x1024xf32, #tpu.memory_space<vmem>>
        %gather3A_488 = tpu.memref_squeeze %gather3A_487 : memref<1x4x8x1024xf32, #tpu.memory_space<vmem>> -> memref<4x8x1024xf32, #tpu.memory_space<vmem>>
        %gather3A_489 = tpu.vector_load_idx %gather3A_488[%shift_right_arithmetic3A_228, %and3A_231, %broadcast_in_dim3A_483] : memref<4x8x1024xf32, #tpu.memory_space<vmem>>[vector<16xi32>, vector<16xi32>, vector<16xi32>], vector<16xf32>,
        %add3A_490 = arith.constant 2 : i32
        %add3A_491 = vector.broadcast %add3A_490 : i32 to vector<16xi32>
        %add3A_492 = arith.addi %shift_right_arithmetic3A_228, %add3A_491 : vector<16xi32>
        %gather3A_493 = arith.constant 0 : i32
        %gather3A_494 = arith.constant 0 : i32
        %gather3A_495 = arith.constant 0 : i32
        %gather3A_496 = tpu.memref_slice %arg8[%rem3A_271, %gather3A_493, %gather3A_494, %gather3A_495] : memref<2x4x8x1024xf32, #tpu.memory_space<vmem>> -> memref<1x4x8x1024xf32, #tpu.memory_space<vmem>>
        %gather3A_497 = tpu.memref_squeeze %gather3A_496 : memref<1x4x8x1024xf32, #tpu.memory_space<vmem>> -> memref<4x8x1024xf32, #tpu.memory_space<vmem>>
        %gather3A_498 = tpu.vector_load_idx %gather3A_497[%add3A_492, %and3A_231, %broadcast_in_dim3A_483] : memref<4x8x1024xf32, #tpu.memory_space<vmem>>[vector<16xi32>, vector<16xi32>, vector<16xi32>], vector<16xf32>,
        %mul3A_499 = arith.constant 16 : i32
        %mul3A_500 = arith.muli %while3A_389, %mul3A_499 : i32
        %add3A_501 = arith.constant 3 : i32
        %add3A_502 = arith.addi %mul3A_500, %add3A_501 : i32
        %swap3A_503 = arith.index_cast %rem3A_271 : i32 to index
        %swap3A_504 = arith.index_cast %add3A_502 : i32 to index
        %swap3A_505 = arith.constant 0 : index
        %swap3A_506 = tpu.vector_load %arg11[%swap3A_503, %swap3A_504, %swap3A_505] {strides = array<i32>} : memref<2x48x128xf32, #tpu.memory_space<vmem>>, vector<16xf32>,
        tpu.vector_store %arg11[%swap3A_503, %swap3A_504, %swap3A_505], %gather3A_489 {strides = array<i32>} : memref<2x48x128xf32, #tpu.memory_space<vmem>>, vector<16xf32>,
        %swap3A_507 = arith.index_cast %rem3A_271 : i32 to index
        %swap3A_508 = arith.index_cast %add3A_502 : i32 to index
        %swap3A_509 = arith.constant 16 : index
        %swap3A_510 = tpu.vector_load %arg11[%swap3A_507, %swap3A_508, %swap3A_509] {strides = array<i32>} : memref<2x48x128xf32, #tpu.memory_space<vmem>>, vector<16xf32>,
        tpu.vector_store %arg11[%swap3A_507, %swap3A_508, %swap3A_509], %gather3A_498 {strides = array<i32>} : memref<2x48x128xf32, #tpu.memory_space<vmem>>, vector<16xf32>,
        %slice3A_511 = vector.extract_strided_slice %get3A_393 {offsets = [4], sizes = [1], strides = [1]} : vector<16xi32> to vector<1xi32>
        %squeeze3A_512 = vector.extract %slice3A_511[0] : i32 from vector<1xi32>
        %broadcast_in_dim3A_513 = vector.broadcast %squeeze3A_512 : i32 to vector<16xi32>
        %gather3A_514 = arith.constant 0 : i32
        %gather3A_515 = arith.constant 0 : i32
        %gather3A_516 = arith.constant 0 : i32
        %gather3A_517 = tpu.memref_slice %arg8[%rem3A_271, %gather3A_514, %gather3A_515, %gather3A_516] : memref<2x4x8x1024xf32, #tpu.memory_space<vmem>> -> memref<1x4x8x1024xf32, #tpu.memory_space<vmem>>
        %gather3A_518 = tpu.memref_squeeze %gather3A_517 : memref<1x4x8x1024xf32, #tpu.memory_space<vmem>> -> memref<4x8x1024xf32, #tpu.memory_space<vmem>>
        %gather3A_519 = tpu.vector_load_idx %gather3A_518[%shift_right_arithmetic3A_228, %and3A_231, %broadcast_in_dim3A_513] : memref<4x8x1024xf32, #tpu.memory_space<vmem>>[vector<16xi32>, vector<16xi32>, vector<16xi32>], vector<16xf32>,
        %add3A_520 = arith.constant 2 : i32
        %add3A_521 = vector.broadcast %add3A_520 : i32 to vector<16xi32>
        %add3A_522 = arith.addi %shift_right_arithmetic3A_228, %add3A_521 : vector<16xi32>
        %gather3A_523 = arith.constant 0 : i32
        %gather3A_524 = arith.constant 0 : i32
        %gather3A_525 = arith.constant 0 : i32
        %gather3A_526 = tpu.memref_slice %arg8[%rem3A_271, %gather3A_523, %gather3A_524, %gather3A_525] : memref<2x4x8x1024xf32, #tpu.memory_space<vmem>> -> memref<1x4x8x1024xf32, #tpu.memory_space<vmem>>
        %gather3A_527 = tpu.memref_squeeze %gather3A_526 : memref<1x4x8x1024xf32, #tpu.memory_space<vmem>> -> memref<4x8x1024xf32, #tpu.memory_space<vmem>>
        %gather3A_528 = tpu.vector_load_idx %gather3A_527[%add3A_522, %and3A_231, %broadcast_in_dim3A_513] : memref<4x8x1024xf32, #tpu.memory_space<vmem>>[vector<16xi32>, vector<16xi32>, vector<16xi32>], vector<16xf32>,
        %mul3A_529 = arith.constant 16 : i32
        %mul3A_530 = arith.muli %while3A_389, %mul3A_529 : i32
        %add3A_531 = arith.constant 4 : i32
        %add3A_532 = arith.addi %mul3A_530, %add3A_531 : i32
        %swap3A_533 = arith.index_cast %rem3A_271 : i32 to index
        %swap3A_534 = arith.index_cast %add3A_532 : i32 to index
        %swap3A_535 = arith.constant 0 : index
        %swap3A_536 = tpu.vector_load %arg11[%swap3A_533, %swap3A_534, %swap3A_535] {strides = array<i32>} : memref<2x48x128xf32, #tpu.memory_space<vmem>>, vector<16xf32>,
        tpu.vector_store %arg11[%swap3A_533, %swap3A_534, %swap3A_535], %gather3A_519 {strides = array<i32>} : memref<2x48x128xf32, #tpu.memory_space<vmem>>, vector<16xf32>,
        %swap3A_537 = arith.index_cast %rem3A_271 : i32 to index
        %swap3A_538 = arith.index_cast %add3A_532 : i32 to index
        %swap3A_539 = arith.constant 16 : index
        %swap3A_540 = tpu.vector_load %arg11[%swap3A_537, %swap3A_538, %swap3A_539] {strides = array<i32>} : memref<2x48x128xf32, #tpu.memory_space<vmem>>, vector<16xf32>,
        tpu.vector_store %arg11[%swap3A_537, %swap3A_538, %swap3A_539], %gather3A_528 {strides = array<i32>} : memref<2x48x128xf32, #tpu.memory_space<vmem>>, vector<16xf32>,
        %slice3A_541 = vector.extract_strided_slice %get3A_393 {offsets = [5], sizes = [1], strides = [1]} : vector<16xi32> to vector<1xi32>
        %squeeze3A_542 = vector.extract %slice3A_541[0] : i32 from vector<1xi32>
        %broadcast_in_dim3A_543 = vector.broadcast %squeeze3A_542 : i32 to vector<16xi32>
        %gather3A_544 = arith.constant 0 : i32
        %gather3A_545 = arith.constant 0 : i32
        %gather3A_546 = arith.constant 0 : i32
        %gather3A_547 = tpu.memref_slice %arg8[%rem3A_271, %gather3A_544, %gather3A_545, %gather3A_546] : memref<2x4x8x1024xf32, #tpu.memory_space<vmem>> -> memref<1x4x8x1024xf32, #tpu.memory_space<vmem>>
        %gather3A_548 = tpu.memref_squeeze %gather3A_547 : memref<1x4x8x1024xf32, #tpu.memory_space<vmem>> -> memref<4x8x1024xf32, #tpu.memory_space<vmem>>
        %gather3A_549 = tpu.vector_load_idx %gather3A_548[%shift_right_arithmetic3A_228, %and3A_231, %broadcast_in_dim3A_543] : memref<4x8x1024xf32, #tpu.memory_space<vmem>>[vector<16xi32>, vector<16xi32>, vector<16xi32>], vector<16xf32>,
        %add3A_550 = arith.constant 2 : i32
        %add3A_551 = vector.broadcast %add3A_550 : i32 to vector<16xi32>
        %add3A_552 = arith.addi %shift_right_arithmetic3A_228, %add3A_551 : vector<16xi32>
        %gather3A_553 = arith.constant 0 : i32
        %gather3A_554 = arith.constant 0 : i32
        %gather3A_555 = arith.constant 0 : i32
        %gather3A_556 = tpu.memref_slice %arg8[%rem3A_271, %gather3A_553, %gather3A_554, %gather3A_555] : memref<2x4x8x1024xf32, #tpu.memory_space<vmem>> -> memref<1x4x8x1024xf32, #tpu.memory_space<vmem>>
        %gather3A_557 = tpu.memref_squeeze %gather3A_556 : memref<1x4x8x1024xf32, #tpu.memory_space<vmem>> -> memref<4x8x1024xf32, #tpu.memory_space<vmem>>
        %gather3A_558 = tpu.vector_load_idx %gather3A_557[%add3A_552, %and3A_231, %broadcast_in_dim3A_543] : memref<4x8x1024xf32, #tpu.memory_space<vmem>>[vector<16xi32>, vector<16xi32>, vector<16xi32>], vector<16xf32>,
        %mul3A_559 = arith.constant 16 : i32
        %mul3A_560 = arith.muli %while3A_389, %mul3A_559 : i32
        %add3A_561 = arith.constant 5 : i32
        %add3A_562 = arith.addi %mul3A_560, %add3A_561 : i32
        %swap3A_563 = arith.index_cast %rem3A_271 : i32 to index
        %swap3A_564 = arith.index_cast %add3A_562 : i32 to index
        %swap3A_565 = arith.constant 0 : index
        %swap3A_566 = tpu.vector_load %arg11[%swap3A_563, %swap3A_564, %swap3A_565] {strides = array<i32>} : memref<2x48x128xf32, #tpu.memory_space<vmem>>, vector<16xf32>,
        tpu.vector_store %arg11[%swap3A_563, %swap3A_564, %swap3A_565], %gather3A_549 {strides = array<i32>} : memref<2x48x128xf32, #tpu.memory_space<vmem>>, vector<16xf32>,
        %swap3A_567 = arith.index_cast %rem3A_271 : i32 to index
        %swap3A_568 = arith.index_cast %add3A_562 : i32 to index
        %swap3A_569 = arith.constant 16 : index
        %swap3A_570 = tpu.vector_load %arg11[%swap3A_567, %swap3A_568, %swap3A_569] {strides = array<i32>} : memref<2x48x128xf32, #tpu.memory_space<vmem>>, vector<16xf32>,
        tpu.vector_store %arg11[%swap3A_567, %swap3A_568, %swap3A_569], %gather3A_558 {strides = array<i32>} : memref<2x48x128xf32, #tpu.memory_space<vmem>>, vector<16xf32>,
        %slice3A_571 = vector.extract_strided_slice %get3A_393 {offsets = [6], sizes = [1], strides = [1]} : vector<16xi32> to vector<1xi32>
        %squeeze3A_572 = vector.extract %slice3A_571[0] : i32 from vector<1xi32>
        %broadcast_in_dim3A_573 = vector.broadcast %squeeze3A_572 : i32 to vector<16xi32>
        %gather3A_574 = arith.constant 0 : i32
        %gather3A_575 = arith.constant 0 : i32
        %gather3A_576 = arith.constant 0 : i32
        %gather3A_577 = tpu.memref_slice %arg8[%rem3A_271, %gather3A_574, %gather3A_575, %gather3A_576] : memref<2x4x8x1024xf32, #tpu.memory_space<vmem>> -> memref<1x4x8x1024xf32, #tpu.memory_space<vmem>>
        %gather3A_578 = tpu.memref_squeeze %gather3A_577 : memref<1x4x8x1024xf32, #tpu.memory_space<vmem>> -> memref<4x8x1024xf32, #tpu.memory_space<vmem>>
        %gather3A_579 = tpu.vector_load_idx %gather3A_578[%shift_right_arithmetic3A_228, %and3A_231, %broadcast_in_dim3A_573] : memref<4x8x1024xf32, #tpu.memory_space<vmem>>[vector<16xi32>, vector<16xi32>, vector<16xi32>], vector<16xf32>,
        %add3A_580 = arith.constant 2 : i32
        %add3A_581 = vector.broadcast %add3A_580 : i32 to vector<16xi32>
        %add3A_582 = arith.addi %shift_right_arithmetic3A_228, %add3A_581 : vector<16xi32>
        %gather3A_583 = arith.constant 0 : i32
        %gather3A_584 = arith.constant 0 : i32
        %gather3A_585 = arith.constant 0 : i32
        %gather3A_586 = tpu.memref_slice %arg8[%rem3A_271, %gather3A_583, %gather3A_584, %gather3A_585] : memref<2x4x8x1024xf32, #tpu.memory_space<vmem>> -> memref<1x4x8x1024xf32, #tpu.memory_space<vmem>>
        %gather3A_587 = tpu.memref_squeeze %gather3A_586 : memref<1x4x8x1024xf32, #tpu.memory_space<vmem>> -> memref<4x8x1024xf32, #tpu.memory_space<vmem>>
        %gather3A_588 = tpu.vector_load_idx %gather3A_587[%add3A_582, %and3A_231, %broadcast_in_dim3A_573] : memref<4x8x1024xf32, #tpu.memory_space<vmem>>[vector<16xi32>, vector<16xi32>, vector<16xi32>], vector<16xf32>,
        %mul3A_589 = arith.constant 16 : i32
        %mul3A_590 = arith.muli %while3A_389, %mul3A_589 : i32
        %add3A_591 = arith.constant 6 : i32
        %add3A_592 = arith.addi %mul3A_590, %add3A_591 : i32
        %swap3A_593 = arith.index_cast %rem3A_271 : i32 to index
        %swap3A_594 = arith.index_cast %add3A_592 : i32 to index
        %swap3A_595 = arith.constant 0 : index
        %swap3A_596 = tpu.vector_load %arg11[%swap3A_593, %swap3A_594, %swap3A_595] {strides = array<i32>} : memref<2x48x128xf32, #tpu.memory_space<vmem>>, vector<16xf32>,
        tpu.vector_store %arg11[%swap3A_593, %swap3A_594, %swap3A_595], %gather3A_579 {strides = array<i32>} : memref<2x48x128xf32, #tpu.memory_space<vmem>>, vector<16xf32>,
        %swap3A_597 = arith.index_cast %rem3A_271 : i32 to index
        %swap3A_598 = arith.index_cast %add3A_592 : i32 to index
        %swap3A_599 = arith.constant 16 : index
        %swap3A_600 = tpu.vector_load %arg11[%swap3A_597, %swap3A_598, %swap3A_599] {strides = array<i32>} : memref<2x48x128xf32, #tpu.memory_space<vmem>>, vector<16xf32>,
        tpu.vector_store %arg11[%swap3A_597, %swap3A_598, %swap3A_599], %gather3A_588 {strides = array<i32>} : memref<2x48x128xf32, #tpu.memory_space<vmem>>, vector<16xf32>,
        %slice3A_601 = vector.extract_strided_slice %get3A_393 {offsets = [7], sizes = [1], strides = [1]} : vector<16xi32> to vector<1xi32>
        %squeeze3A_602 = vector.extract %slice3A_601[0] : i32 from vector<1xi32>
        %broadcast_in_dim3A_603 = vector.broadcast %squeeze3A_602 : i32 to vector<16xi32>
        %gather3A_604 = arith.constant 0 : i32
        %gather3A_605 = arith.constant 0 : i32
        %gather3A_606 = arith.constant 0 : i32
        %gather3A_607 = tpu.memref_slice %arg8[%rem3A_271, %gather3A_604, %gather3A_605, %gather3A_606] : memref<2x4x8x1024xf32, #tpu.memory_space<vmem>> -> memref<1x4x8x1024xf32, #tpu.memory_space<vmem>>
        %gather3A_608 = tpu.memref_squeeze %gather3A_607 : memref<1x4x8x1024xf32, #tpu.memory_space<vmem>> -> memref<4x8x1024xf32, #tpu.memory_space<vmem>>
        %gather3A_609 = tpu.vector_load_idx %gather3A_608[%shift_right_arithmetic3A_228, %and3A_231, %broadcast_in_dim3A_603] : memref<4x8x1024xf32, #tpu.memory_space<vmem>>[vector<16xi32>, vector<16xi32>, vector<16xi32>], vector<16xf32>,
        %add3A_610 = arith.constant 2 : i32
        %add3A_611 = vector.broadcast %add3A_610 : i32 to vector<16xi32>
        %add3A_612 = arith.addi %shift_right_arithmetic3A_228, %add3A_611 : vector<16xi32>
        %gather3A_613 = arith.constant 0 : i32
        %gather3A_614 = arith.constant 0 : i32
        %gather3A_615 = arith.constant 0 : i32
        %gather3A_616 = tpu.memref_slice %arg8[%rem3A_271, %gather3A_613, %gather3A_614, %gather3A_615] : memref<2x4x8x1024xf32, #tpu.memory_space<vmem>> -> memref<1x4x8x1024xf32, #tpu.memory_space<vmem>>
        %gather3A_617 = tpu.memref_squeeze %gather3A_616 : memref<1x4x8x1024xf32, #tpu.memory_space<vmem>> -> memref<4x8x1024xf32, #tpu.memory_space<vmem>>
        %gather3A_618 = tpu.vector_load_idx %gather3A_617[%add3A_612, %and3A_231, %broadcast_in_dim3A_603] : memref<4x8x1024xf32, #tpu.memory_space<vmem>>[vector<16xi32>, vector<16xi32>, vector<16xi32>], vector<16xf32>,
        %mul3A_619 = arith.constant 16 : i32
        %mul3A_620 = arith.muli %while3A_389, %mul3A_619 : i32
        %add3A_621 = arith.constant 7 : i32
        %add3A_622 = arith.addi %mul3A_620, %add3A_621 : i32
        %swap3A_623 = arith.index_cast %rem3A_271 : i32 to index
        %swap3A_624 = arith.index_cast %add3A_622 : i32 to index
        %swap3A_625 = arith.constant 0 : index
        %swap3A_626 = tpu.vector_load %arg11[%swap3A_623, %swap3A_624, %swap3A_625] {strides = array<i32>} : memref<2x48x128xf32, #tpu.memory_space<vmem>>, vector<16xf32>,
        tpu.vector_store %arg11[%swap3A_623, %swap3A_624, %swap3A_625], %gather3A_609 {strides = array<i32>} : memref<2x48x128xf32, #tpu.memory_space<vmem>>, vector<16xf32>,
        %swap3A_627 = arith.index_cast %rem3A_271 : i32 to index
        %swap3A_628 = arith.index_cast %add3A_622 : i32 to index
        %swap3A_629 = arith.constant 16 : index
        %swap3A_630 = tpu.vector_load %arg11[%swap3A_627, %swap3A_628, %swap3A_629] {strides = array<i32>} : memref<2x48x128xf32, #tpu.memory_space<vmem>>, vector<16xf32>,
        tpu.vector_store %arg11[%swap3A_627, %swap3A_628, %swap3A_629], %gather3A_618 {strides = array<i32>} : memref<2x48x128xf32, #tpu.memory_space<vmem>>, vector<16xf32>,
        %slice3A_631 = vector.extract_strided_slice %get3A_393 {offsets = [8], sizes = [1], strides = [1]} : vector<16xi32> to vector<1xi32>
        %squeeze3A_632 = vector.extract %slice3A_631[0] : i32 from vector<1xi32>
        %broadcast_in_dim3A_633 = vector.broadcast %squeeze3A_632 : i32 to vector<16xi32>
        %gather3A_634 = arith.constant 0 : i32
        %gather3A_635 = arith.constant 0 : i32
        %gather3A_636 = arith.constant 0 : i32
        %gather3A_637 = tpu.memref_slice %arg8[%rem3A_271, %gather3A_634, %gather3A_635, %gather3A_636] : memref<2x4x8x1024xf32, #tpu.memory_space<vmem>> -> memref<1x4x8x1024xf32, #tpu.memory_space<vmem>>
        %gather3A_638 = tpu.memref_squeeze %gather3A_637 : memref<1x4x8x1024xf32, #tpu.memory_space<vmem>> -> memref<4x8x1024xf32, #tpu.memory_space<vmem>>
        %gather3A_639 = tpu.vector_load_idx %gather3A_638[%shift_right_arithmetic3A_228, %and3A_231, %broadcast_in_dim3A_633] : memref<4x8x1024xf32, #tpu.memory_space<vmem>>[vector<16xi32>, vector<16xi32>, vector<16xi32>], vector<16xf32>,
        %add3A_640 = arith.constant 2 : i32
        %add3A_641 = vector.broadcast %add3A_640 : i32 to vector<16xi32>
        %add3A_642 = arith.addi %shift_right_arithmetic3A_228, %add3A_641 : vector<16xi32>
        %gather3A_643 = arith.constant 0 : i32
        %gather3A_644 = arith.constant 0 : i32
        %gather3A_645 = arith.constant 0 : i32
        %gather3A_646 = tpu.memref_slice %arg8[%rem3A_271, %gather3A_643, %gather3A_644, %gather3A_645] : memref<2x4x8x1024xf32, #tpu.memory_space<vmem>> -> memref<1x4x8x1024xf32, #tpu.memory_space<vmem>>
        %gather3A_647 = tpu.memref_squeeze %gather3A_646 : memref<1x4x8x1024xf32, #tpu.memory_space<vmem>> -> memref<4x8x1024xf32, #tpu.memory_space<vmem>>
        %gather3A_648 = tpu.vector_load_idx %gather3A_647[%add3A_642, %and3A_231, %broadcast_in_dim3A_633] : memref<4x8x1024xf32, #tpu.memory_space<vmem>>[vector<16xi32>, vector<16xi32>, vector<16xi32>], vector<16xf32>,
        %mul3A_649 = arith.constant 16 : i32
        %mul3A_650 = arith.muli %while3A_389, %mul3A_649 : i32
        %add3A_651 = arith.constant 8 : i32
        %add3A_652 = arith.addi %mul3A_650, %add3A_651 : i32
        %swap3A_653 = arith.index_cast %rem3A_271 : i32 to index
        %swap3A_654 = arith.index_cast %add3A_652 : i32 to index
        %swap3A_655 = arith.constant 0 : index
        %swap3A_656 = tpu.vector_load %arg11[%swap3A_653, %swap3A_654, %swap3A_655] {strides = array<i32>} : memref<2x48x128xf32, #tpu.memory_space<vmem>>, vector<16xf32>,
        tpu.vector_store %arg11[%swap3A_653, %swap3A_654, %swap3A_655], %gather3A_639 {strides = array<i32>} : memref<2x48x128xf32, #tpu.memory_space<vmem>>, vector<16xf32>,
        %swap3A_657 = arith.index_cast %rem3A_271 : i32 to index
        %swap3A_658 = arith.index_cast %add3A_652 : i32 to index
        %swap3A_659 = arith.constant 16 : index
        %swap3A_660 = tpu.vector_load %arg11[%swap3A_657, %swap3A_658, %swap3A_659] {strides = array<i32>} : memref<2x48x128xf32, #tpu.memory_space<vmem>>, vector<16xf32>,
        tpu.vector_store %arg11[%swap3A_657, %swap3A_658, %swap3A_659], %gather3A_648 {strides = array<i32>} : memref<2x48x128xf32, #tpu.memory_space<vmem>>, vector<16xf32>,
        %slice3A_661 = vector.extract_strided_slice %get3A_393 {offsets = [9], sizes = [1], strides = [1]} : vector<16xi32> to vector<1xi32>
        %squeeze3A_662 = vector.extract %slice3A_661[0] : i32 from vector<1xi32>
        %broadcast_in_dim3A_663 = vector.broadcast %squeeze3A_662 : i32 to vector<16xi32>
        %gather3A_664 = arith.constant 0 : i32
        %gather3A_665 = arith.constant 0 : i32
        %gather3A_666 = arith.constant 0 : i32
        %gather3A_667 = tpu.memref_slice %arg8[%rem3A_271, %gather3A_664, %gather3A_665, %gather3A_666] : memref<2x4x8x1024xf32, #tpu.memory_space<vmem>> -> memref<1x4x8x1024xf32, #tpu.memory_space<vmem>>
        %gather3A_668 = tpu.memref_squeeze %gather3A_667 : memref<1x4x8x1024xf32, #tpu.memory_space<vmem>> -> memref<4x8x1024xf32, #tpu.memory_space<vmem>>
        %gather3A_669 = tpu.vector_load_idx %gather3A_668[%shift_right_arithmetic3A_228, %and3A_231, %broadcast_in_dim3A_663] : memref<4x8x1024xf32, #tpu.memory_space<vmem>>[vector<16xi32>, vector<16xi32>, vector<16xi32>], vector<16xf32>,
        %add3A_670 = arith.constant 2 : i32
        %add3A_671 = vector.broadcast %add3A_670 : i32 to vector<16xi32>
        %add3A_672 = arith.addi %shift_right_arithmetic3A_228, %add3A_671 : vector<16xi32>
        %gather3A_673 = arith.constant 0 : i32
        %gather3A_674 = arith.constant 0 : i32
        %gather3A_675 = arith.constant 0 : i32
        %gather3A_676 = tpu.memref_slice %arg8[%rem3A_271, %gather3A_673, %gather3A_674, %gather3A_675] : memref<2x4x8x1024xf32, #tpu.memory_space<vmem>> -> memref<1x4x8x1024xf32, #tpu.memory_space<vmem>>
        %gather3A_677 = tpu.memref_squeeze %gather3A_676 : memref<1x4x8x1024xf32, #tpu.memory_space<vmem>> -> memref<4x8x1024xf32, #tpu.memory_space<vmem>>
        %gather3A_678 = tpu.vector_load_idx %gather3A_677[%add3A_672, %and3A_231, %broadcast_in_dim3A_663] : memref<4x8x1024xf32, #tpu.memory_space<vmem>>[vector<16xi32>, vector<16xi32>, vector<16xi32>], vector<16xf32>,
        %mul3A_679 = arith.constant 16 : i32
        %mul3A_680 = arith.muli %while3A_389, %mul3A_679 : i32
        %add3A_681 = arith.constant 9 : i32
        %add3A_682 = arith.addi %mul3A_680, %add3A_681 : i32
        %swap3A_683 = arith.index_cast %rem3A_271 : i32 to index
        %swap3A_684 = arith.index_cast %add3A_682 : i32 to index
        %swap3A_685 = arith.constant 0 : index
        %swap3A_686 = tpu.vector_load %arg11[%swap3A_683, %swap3A_684, %swap3A_685] {strides = array<i32>} : memref<2x48x128xf32, #tpu.memory_space<vmem>>, vector<16xf32>,
        tpu.vector_store %arg11[%swap3A_683, %swap3A_684, %swap3A_685], %gather3A_669 {strides = array<i32>} : memref<2x48x128xf32, #tpu.memory_space<vmem>>, vector<16xf32>,
        %swap3A_687 = arith.index_cast %rem3A_271 : i32 to index
        %swap3A_688 = arith.index_cast %add3A_682 : i32 to index
        %swap3A_689 = arith.constant 16 : index
        %swap3A_690 = tpu.vector_load %arg11[%swap3A_687, %swap3A_688, %swap3A_689] {strides = array<i32>} : memref<2x48x128xf32, #tpu.memory_space<vmem>>, vector<16xf32>,
        tpu.vector_store %arg11[%swap3A_687, %swap3A_688, %swap3A_689], %gather3A_678 {strides = array<i32>} : memref<2x48x128xf32, #tpu.memory_space<vmem>>, vector<16xf32>,
        %slice3A_691 = vector.extract_strided_slice %get3A_393 {offsets = [10], sizes = [1], strides = [1]} : vector<16xi32> to vector<1xi32>
        %squeeze3A_692 = vector.extract %slice3A_691[0] : i32 from vector<1xi32>
        %broadcast_in_dim3A_693 = vector.broadcast %squeeze3A_692 : i32 to vector<16xi32>
        %gather3A_694 = arith.constant 0 : i32
        %gather3A_695 = arith.constant 0 : i32
        %gather3A_696 = arith.constant 0 : i32
        %gather3A_697 = tpu.memref_slice %arg8[%rem3A_271, %gather3A_694, %gather3A_695, %gather3A_696] : memref<2x4x8x1024xf32, #tpu.memory_space<vmem>> -> memref<1x4x8x1024xf32, #tpu.memory_space<vmem>>
        %gather3A_698 = tpu.memref_squeeze %gather3A_697 : memref<1x4x8x1024xf32, #tpu.memory_space<vmem>> -> memref<4x8x1024xf32, #tpu.memory_space<vmem>>
        %gather3A_699 = tpu.vector_load_idx %gather3A_698[%shift_right_arithmetic3A_228, %and3A_231, %broadcast_in_dim3A_693] : memref<4x8x1024xf32, #tpu.memory_space<vmem>>[vector<16xi32>, vector<16xi32>, vector<16xi32>], vector<16xf32>,
        %add3A_700 = arith.constant 2 : i32
        %add3A_701 = vector.broadcast %add3A_700 : i32 to vector<16xi32>
        %add3A_702 = arith.addi %shift_right_arithmetic3A_228, %add3A_701 : vector<16xi32>
        %gather3A_703 = arith.constant 0 : i32
        %gather3A_704 = arith.constant 0 : i32
        %gather3A_705 = arith.constant 0 : i32
        %gather3A_706 = tpu.memref_slice %arg8[%rem3A_271, %gather3A_703, %gather3A_704, %gather3A_705] : memref<2x4x8x1024xf32, #tpu.memory_space<vmem>> -> memref<1x4x8x1024xf32, #tpu.memory_space<vmem>>
        %gather3A_707 = tpu.memref_squeeze %gather3A_706 : memref<1x4x8x1024xf32, #tpu.memory_space<vmem>> -> memref<4x8x1024xf32, #tpu.memory_space<vmem>>
        %gather3A_708 = tpu.vector_load_idx %gather3A_707[%add3A_702, %and3A_231, %broadcast_in_dim3A_693] : memref<4x8x1024xf32, #tpu.memory_space<vmem>>[vector<16xi32>, vector<16xi32>, vector<16xi32>], vector<16xf32>,
        %mul3A_709 = arith.constant 16 : i32
        %mul3A_710 = arith.muli %while3A_389, %mul3A_709 : i32
        %add3A_711 = arith.constant 10 : i32
        %add3A_712 = arith.addi %mul3A_710, %add3A_711 : i32
        %swap3A_713 = arith.index_cast %rem3A_271 : i32 to index
        %swap3A_714 = arith.index_cast %add3A_712 : i32 to index
        %swap3A_715 = arith.constant 0 : index
        %swap3A_716 = tpu.vector_load %arg11[%swap3A_713, %swap3A_714, %swap3A_715] {strides = array<i32>} : memref<2x48x128xf32, #tpu.memory_space<vmem>>, vector<16xf32>,
        tpu.vector_store %arg11[%swap3A_713, %swap3A_714, %swap3A_715], %gather3A_699 {strides = array<i32>} : memref<2x48x128xf32, #tpu.memory_space<vmem>>, vector<16xf32>,
        %swap3A_717 = arith.index_cast %rem3A_271 : i32 to index
        %swap3A_718 = arith.index_cast %add3A_712 : i32 to index
        %swap3A_719 = arith.constant 16 : index
        %swap3A_720 = tpu.vector_load %arg11[%swap3A_717, %swap3A_718, %swap3A_719] {strides = array<i32>} : memref<2x48x128xf32, #tpu.memory_space<vmem>>, vector<16xf32>,
        tpu.vector_store %arg11[%swap3A_717, %swap3A_718, %swap3A_719], %gather3A_708 {strides = array<i32>} : memref<2x48x128xf32, #tpu.memory_space<vmem>>, vector<16xf32>,
        %slice3A_721 = vector.extract_strided_slice %get3A_393 {offsets = [11], sizes = [1], strides = [1]} : vector<16xi32> to vector<1xi32>
        %squeeze3A_722 = vector.extract %slice3A_721[0] : i32 from vector<1xi32>
        %broadcast_in_dim3A_723 = vector.broadcast %squeeze3A_722 : i32 to vector<16xi32>
        %gather3A_724 = arith.constant 0 : i32
        %gather3A_725 = arith.constant 0 : i32
        %gather3A_726 = arith.constant 0 : i32
        %gather3A_727 = tpu.memref_slice %arg8[%rem3A_271, %gather3A_724, %gather3A_725, %gather3A_726] : memref<2x4x8x1024xf32, #tpu.memory_space<vmem>> -> memref<1x4x8x1024xf32, #tpu.memory_space<vmem>>
        %gather3A_728 = tpu.memref_squeeze %gather3A_727 : memref<1x4x8x1024xf32, #tpu.memory_space<vmem>> -> memref<4x8x1024xf32, #tpu.memory_space<vmem>>
        %gather3A_729 = tpu.vector_load_idx %gather3A_728[%shift_right_arithmetic3A_228, %and3A_231, %broadcast_in_dim3A_723] : memref<4x8x1024xf32, #tpu.memory_space<vmem>>[vector<16xi32>, vector<16xi32>, vector<16xi32>], vector<16xf32>,
        %add3A_730 = arith.constant 2 : i32
        %add3A_731 = vector.broadcast %add3A_730 : i32 to vector<16xi32>
        %add3A_732 = arith.addi %shift_right_arithmetic3A_228, %add3A_731 : vector<16xi32>
        %gather3A_733 = arith.constant 0 : i32
        %gather3A_734 = arith.constant 0 : i32
        %gather3A_735 = arith.constant 0 : i32
        %gather3A_736 = tpu.memref_slice %arg8[%rem3A_271, %gather3A_733, %gather3A_734, %gather3A_735] : memref<2x4x8x1024xf32, #tpu.memory_space<vmem>> -> memref<1x4x8x1024xf32, #tpu.memory_space<vmem>>
        %gather3A_737 = tpu.memref_squeeze %gather3A_736 : memref<1x4x8x1024xf32, #tpu.memory_space<vmem>> -> memref<4x8x1024xf32, #tpu.memory_space<vmem>>
        %gather3A_738 = tpu.vector_load_idx %gather3A_737[%add3A_732, %and3A_231, %broadcast_in_dim3A_723] : memref<4x8x1024xf32, #tpu.memory_space<vmem>>[vector<16xi32>, vector<16xi32>, vector<16xi32>], vector<16xf32>,
        %mul3A_739 = arith.constant 16 : i32
        %mul3A_740 = arith.muli %while3A_389, %mul3A_739 : i32
        %add3A_741 = arith.constant 11 : i32
        %add3A_742 = arith.addi %mul3A_740, %add3A_741 : i32
        %swap3A_743 = arith.index_cast %rem3A_271 : i32 to index
        %swap3A_744 = arith.index_cast %add3A_742 : i32 to index
        %swap3A_745 = arith.constant 0 : index
        %swap3A_746 = tpu.vector_load %arg11[%swap3A_743, %swap3A_744, %swap3A_745] {strides = array<i32>} : memref<2x48x128xf32, #tpu.memory_space<vmem>>, vector<16xf32>,
        tpu.vector_store %arg11[%swap3A_743, %swap3A_744, %swap3A_745], %gather3A_729 {strides = array<i32>} : memref<2x48x128xf32, #tpu.memory_space<vmem>>, vector<16xf32>,
        %swap3A_747 = arith.index_cast %rem3A_271 : i32 to index
        %swap3A_748 = arith.index_cast %add3A_742 : i32 to index
        %swap3A_749 = arith.constant 16 : index
        %swap3A_750 = tpu.vector_load %arg11[%swap3A_747, %swap3A_748, %swap3A_749] {strides = array<i32>} : memref<2x48x128xf32, #tpu.memory_space<vmem>>, vector<16xf32>,
        tpu.vector_store %arg11[%swap3A_747, %swap3A_748, %swap3A_749], %gather3A_738 {strides = array<i32>} : memref<2x48x128xf32, #tpu.memory_space<vmem>>, vector<16xf32>,
        %slice3A_751 = vector.extract_strided_slice %get3A_393 {offsets = [12], sizes = [1], strides = [1]} : vector<16xi32> to vector<1xi32>
        %squeeze3A_752 = vector.extract %slice3A_751[0] : i32 from vector<1xi32>
        %broadcast_in_dim3A_753 = vector.broadcast %squeeze3A_752 : i32 to vector<16xi32>
        %gather3A_754 = arith.constant 0 : i32
        %gather3A_755 = arith.constant 0 : i32
        %gather3A_756 = arith.constant 0 : i32
        %gather3A_757 = tpu.memref_slice %arg8[%rem3A_271, %gather3A_754, %gather3A_755, %gather3A_756] : memref<2x4x8x1024xf32, #tpu.memory_space<vmem>> -> memref<1x4x8x1024xf32, #tpu.memory_space<vmem>>
        %gather3A_758 = tpu.memref_squeeze %gather3A_757 : memref<1x4x8x1024xf32, #tpu.memory_space<vmem>> -> memref<4x8x1024xf32, #tpu.memory_space<vmem>>
        %gather3A_759 = tpu.vector_load_idx %gather3A_758[%shift_right_arithmetic3A_228, %and3A_231, %broadcast_in_dim3A_753] : memref<4x8x1024xf32, #tpu.memory_space<vmem>>[vector<16xi32>, vector<16xi32>, vector<16xi32>], vector<16xf32>,
        %add3A_760 = arith.constant 2 : i32
        %add3A_761 = vector.broadcast %add3A_760 : i32 to vector<16xi32>
        %add3A_762 = arith.addi %shift_right_arithmetic3A_228, %add3A_761 : vector<16xi32>
        %gather3A_763 = arith.constant 0 : i32
        %gather3A_764 = arith.constant 0 : i32
        %gather3A_765 = arith.constant 0 : i32
        %gather3A_766 = tpu.memref_slice %arg8[%rem3A_271, %gather3A_763, %gather3A_764, %gather3A_765] : memref<2x4x8x1024xf32, #tpu.memory_space<vmem>> -> memref<1x4x8x1024xf32, #tpu.memory_space<vmem>>
        %gather3A_767 = tpu.memref_squeeze %gather3A_766 : memref<1x4x8x1024xf32, #tpu.memory_space<vmem>> -> memref<4x8x1024xf32, #tpu.memory_space<vmem>>
        %gather3A_768 = tpu.vector_load_idx %gather3A_767[%add3A_762, %and3A_231, %broadcast_in_dim3A_753] : memref<4x8x1024xf32, #tpu.memory_space<vmem>>[vector<16xi32>, vector<16xi32>, vector<16xi32>], vector<16xf32>,
        %mul3A_769 = arith.constant 16 : i32
        %mul3A_770 = arith.muli %while3A_389, %mul3A_769 : i32
        %add3A_771 = arith.constant 12 : i32
        %add3A_772 = arith.addi %mul3A_770, %add3A_771 : i32
        %swap3A_773 = arith.index_cast %rem3A_271 : i32 to index
        %swap3A_774 = arith.index_cast %add3A_772 : i32 to index
        %swap3A_775 = arith.constant 0 : index
        %swap3A_776 = tpu.vector_load %arg11[%swap3A_773, %swap3A_774, %swap3A_775] {strides = array<i32>} : memref<2x48x128xf32, #tpu.memory_space<vmem>>, vector<16xf32>,
        tpu.vector_store %arg11[%swap3A_773, %swap3A_774, %swap3A_775], %gather3A_759 {strides = array<i32>} : memref<2x48x128xf32, #tpu.memory_space<vmem>>, vector<16xf32>,
        %swap3A_777 = arith.index_cast %rem3A_271 : i32 to index
        %swap3A_778 = arith.index_cast %add3A_772 : i32 to index
        %swap3A_779 = arith.constant 16 : index
        %swap3A_780 = tpu.vector_load %arg11[%swap3A_777, %swap3A_778, %swap3A_779] {strides = array<i32>} : memref<2x48x128xf32, #tpu.memory_space<vmem>>, vector<16xf32>,
        tpu.vector_store %arg11[%swap3A_777, %swap3A_778, %swap3A_779], %gather3A_768 {strides = array<i32>} : memref<2x48x128xf32, #tpu.memory_space<vmem>>, vector<16xf32>,
        %slice3A_781 = vector.extract_strided_slice %get3A_393 {offsets = [13], sizes = [1], strides = [1]} : vector<16xi32> to vector<1xi32>
        %squeeze3A_782 = vector.extract %slice3A_781[0] : i32 from vector<1xi32>
        %broadcast_in_dim3A_783 = vector.broadcast %squeeze3A_782 : i32 to vector<16xi32>
        %gather3A_784 = arith.constant 0 : i32
        %gather3A_785 = arith.constant 0 : i32
        %gather3A_786 = arith.constant 0 : i32
        %gather3A_787 = tpu.memref_slice %arg8[%rem3A_271, %gather3A_784, %gather3A_785, %gather3A_786] : memref<2x4x8x1024xf32, #tpu.memory_space<vmem>> -> memref<1x4x8x1024xf32, #tpu.memory_space<vmem>>
        %gather3A_788 = tpu.memref_squeeze %gather3A_787 : memref<1x4x8x1024xf32, #tpu.memory_space<vmem>> -> memref<4x8x1024xf32, #tpu.memory_space<vmem>>
        %gather3A_789 = tpu.vector_load_idx %gather3A_788[%shift_right_arithmetic3A_228, %and3A_231, %broadcast_in_dim3A_783] : memref<4x8x1024xf32, #tpu.memory_space<vmem>>[vector<16xi32>, vector<16xi32>, vector<16xi32>], vector<16xf32>,
        %add3A_790 = arith.constant 2 : i32
        %add3A_791 = vector.broadcast %add3A_790 : i32 to vector<16xi32>
        %add3A_792 = arith.addi %shift_right_arithmetic3A_228, %add3A_791 : vector<16xi32>
        %gather3A_793 = arith.constant 0 : i32
        %gather3A_794 = arith.constant 0 : i32
        %gather3A_795 = arith.constant 0 : i32
        %gather3A_796 = tpu.memref_slice %arg8[%rem3A_271, %gather3A_793, %gather3A_794, %gather3A_795] : memref<2x4x8x1024xf32, #tpu.memory_space<vmem>> -> memref<1x4x8x1024xf32, #tpu.memory_space<vmem>>
        %gather3A_797 = tpu.memref_squeeze %gather3A_796 : memref<1x4x8x1024xf32, #tpu.memory_space<vmem>> -> memref<4x8x1024xf32, #tpu.memory_space<vmem>>
        %gather3A_798 = tpu.vector_load_idx %gather3A_797[%add3A_792, %and3A_231, %broadcast_in_dim3A_783] : memref<4x8x1024xf32, #tpu.memory_space<vmem>>[vector<16xi32>, vector<16xi32>, vector<16xi32>], vector<16xf32>,
        %mul3A_799 = arith.constant 16 : i32
        %mul3A_800 = arith.muli %while3A_389, %mul3A_799 : i32
        %add3A_801 = arith.constant 13 : i32
        %add3A_802 = arith.addi %mul3A_800, %add3A_801 : i32
        %swap3A_803 = arith.index_cast %rem3A_271 : i32 to index
        %swap3A_804 = arith.index_cast %add3A_802 : i32 to index
        %swap3A_805 = arith.constant 0 : index
        %swap3A_806 = tpu.vector_load %arg11[%swap3A_803, %swap3A_804, %swap3A_805] {strides = array<i32>} : memref<2x48x128xf32, #tpu.memory_space<vmem>>, vector<16xf32>,
        tpu.vector_store %arg11[%swap3A_803, %swap3A_804, %swap3A_805], %gather3A_789 {strides = array<i32>} : memref<2x48x128xf32, #tpu.memory_space<vmem>>, vector<16xf32>,
        %swap3A_807 = arith.index_cast %rem3A_271 : i32 to index
        %swap3A_808 = arith.index_cast %add3A_802 : i32 to index
        %swap3A_809 = arith.constant 16 : index
        %swap3A_810 = tpu.vector_load %arg11[%swap3A_807, %swap3A_808, %swap3A_809] {strides = array<i32>} : memref<2x48x128xf32, #tpu.memory_space<vmem>>, vector<16xf32>,
        tpu.vector_store %arg11[%swap3A_807, %swap3A_808, %swap3A_809], %gather3A_798 {strides = array<i32>} : memref<2x48x128xf32, #tpu.memory_space<vmem>>, vector<16xf32>,
        %slice3A_811 = vector.extract_strided_slice %get3A_393 {offsets = [14], sizes = [1], strides = [1]} : vector<16xi32> to vector<1xi32>
        %squeeze3A_812 = vector.extract %slice3A_811[0] : i32 from vector<1xi32>
        %broadcast_in_dim3A_813 = vector.broadcast %squeeze3A_812 : i32 to vector<16xi32>
        %gather3A_814 = arith.constant 0 : i32
        %gather3A_815 = arith.constant 0 : i32
        %gather3A_816 = arith.constant 0 : i32
        %gather3A_817 = tpu.memref_slice %arg8[%rem3A_271, %gather3A_814, %gather3A_815, %gather3A_816] : memref<2x4x8x1024xf32, #tpu.memory_space<vmem>> -> memref<1x4x8x1024xf32, #tpu.memory_space<vmem>>
        %gather3A_818 = tpu.memref_squeeze %gather3A_817 : memref<1x4x8x1024xf32, #tpu.memory_space<vmem>> -> memref<4x8x1024xf32, #tpu.memory_space<vmem>>
        %gather3A_819 = tpu.vector_load_idx %gather3A_818[%shift_right_arithmetic3A_228, %and3A_231, %broadcast_in_dim3A_813] : memref<4x8x1024xf32, #tpu.memory_space<vmem>>[vector<16xi32>, vector<16xi32>, vector<16xi32>], vector<16xf32>,
        %add3A_820 = arith.constant 2 : i32
        %add3A_821 = vector.broadcast %add3A_820 : i32 to vector<16xi32>
        %add3A_822 = arith.addi %shift_right_arithmetic3A_228, %add3A_821 : vector<16xi32>
        %gather3A_823 = arith.constant 0 : i32
        %gather3A_824 = arith.constant 0 : i32
        %gather3A_825 = arith.constant 0 : i32
        %gather3A_826 = tpu.memref_slice %arg8[%rem3A_271, %gather3A_823, %gather3A_824, %gather3A_825] : memref<2x4x8x1024xf32, #tpu.memory_space<vmem>> -> memref<1x4x8x1024xf32, #tpu.memory_space<vmem>>
        %gather3A_827 = tpu.memref_squeeze %gather3A_826 : memref<1x4x8x1024xf32, #tpu.memory_space<vmem>> -> memref<4x8x1024xf32, #tpu.memory_space<vmem>>
        %gather3A_828 = tpu.vector_load_idx %gather3A_827[%add3A_822, %and3A_231, %broadcast_in_dim3A_813] : memref<4x8x1024xf32, #tpu.memory_space<vmem>>[vector<16xi32>, vector<16xi32>, vector<16xi32>], vector<16xf32>,
        %mul3A_829 = arith.constant 16 : i32
        %mul3A_830 = arith.muli %while3A_389, %mul3A_829 : i32
        %add3A_831 = arith.constant 14 : i32
        %add3A_832 = arith.addi %mul3A_830, %add3A_831 : i32
        %swap3A_833 = arith.index_cast %rem3A_271 : i32 to index
        %swap3A_834 = arith.index_cast %add3A_832 : i32 to index
        %swap3A_835 = arith.constant 0 : index
        %swap3A_836 = tpu.vector_load %arg11[%swap3A_833, %swap3A_834, %swap3A_835] {strides = array<i32>} : memref<2x48x128xf32, #tpu.memory_space<vmem>>, vector<16xf32>,
        tpu.vector_store %arg11[%swap3A_833, %swap3A_834, %swap3A_835], %gather3A_819 {strides = array<i32>} : memref<2x48x128xf32, #tpu.memory_space<vmem>>, vector<16xf32>,
        %swap3A_837 = arith.index_cast %rem3A_271 : i32 to index
        %swap3A_838 = arith.index_cast %add3A_832 : i32 to index
        %swap3A_839 = arith.constant 16 : index
        %swap3A_840 = tpu.vector_load %arg11[%swap3A_837, %swap3A_838, %swap3A_839] {strides = array<i32>} : memref<2x48x128xf32, #tpu.memory_space<vmem>>, vector<16xf32>,
        tpu.vector_store %arg11[%swap3A_837, %swap3A_838, %swap3A_839], %gather3A_828 {strides = array<i32>} : memref<2x48x128xf32, #tpu.memory_space<vmem>>, vector<16xf32>,
        %slice3A_841 = vector.extract_strided_slice %get3A_393 {offsets = [15], sizes = [1], strides = [1]} : vector<16xi32> to vector<1xi32>
        %squeeze3A_842 = vector.extract %slice3A_841[0] : i32 from vector<1xi32>
        %broadcast_in_dim3A_843 = vector.broadcast %squeeze3A_842 : i32 to vector<16xi32>
        %gather3A_844 = arith.constant 0 : i32
        %gather3A_845 = arith.constant 0 : i32
        %gather3A_846 = arith.constant 0 : i32
        %gather3A_847 = tpu.memref_slice %arg8[%rem3A_271, %gather3A_844, %gather3A_845, %gather3A_846] : memref<2x4x8x1024xf32, #tpu.memory_space<vmem>> -> memref<1x4x8x1024xf32, #tpu.memory_space<vmem>>
        %gather3A_848 = tpu.memref_squeeze %gather3A_847 : memref<1x4x8x1024xf32, #tpu.memory_space<vmem>> -> memref<4x8x1024xf32, #tpu.memory_space<vmem>>
        %gather3A_849 = tpu.vector_load_idx %gather3A_848[%shift_right_arithmetic3A_228, %and3A_231, %broadcast_in_dim3A_843] : memref<4x8x1024xf32, #tpu.memory_space<vmem>>[vector<16xi32>, vector<16xi32>, vector<16xi32>], vector<16xf32>,
        %add3A_850 = arith.constant 2 : i32
        %add3A_851 = vector.broadcast %add3A_850 : i32 to vector<16xi32>
        %add3A_852 = arith.addi %shift_right_arithmetic3A_228, %add3A_851 : vector<16xi32>
        %gather3A_853 = arith.constant 0 : i32
        %gather3A_854 = arith.constant 0 : i32
        %gather3A_855 = arith.constant 0 : i32
        %gather3A_856 = tpu.memref_slice %arg8[%rem3A_271, %gather3A_853, %gather3A_854, %gather3A_855] : memref<2x4x8x1024xf32, #tpu.memory_space<vmem>> -> memref<1x4x8x1024xf32, #tpu.memory_space<vmem>>
        %gather3A_857 = tpu.memref_squeeze %gather3A_856 : memref<1x4x8x1024xf32, #tpu.memory_space<vmem>> -> memref<4x8x1024xf32, #tpu.memory_space<vmem>>
        %gather3A_858 = tpu.vector_load_idx %gather3A_857[%add3A_852, %and3A_231, %broadcast_in_dim3A_843] : memref<4x8x1024xf32, #tpu.memory_space<vmem>>[vector<16xi32>, vector<16xi32>, vector<16xi32>], vector<16xf32>,
        %mul3A_859 = arith.constant 16 : i32
        %mul3A_860 = arith.muli %while3A_389, %mul3A_859 : i32
        %add3A_861 = arith.constant 15 : i32
        %add3A_862 = arith.addi %mul3A_860, %add3A_861 : i32
        %swap3A_863 = arith.index_cast %rem3A_271 : i32 to index
        %swap3A_864 = arith.index_cast %add3A_862 : i32 to index
        %swap3A_865 = arith.constant 0 : index
        %swap3A_866 = tpu.vector_load %arg11[%swap3A_863, %swap3A_864, %swap3A_865] {strides = array<i32>} : memref<2x48x128xf32, #tpu.memory_space<vmem>>, vector<16xf32>,
        tpu.vector_store %arg11[%swap3A_863, %swap3A_864, %swap3A_865], %gather3A_849 {strides = array<i32>} : memref<2x48x128xf32, #tpu.memory_space<vmem>>, vector<16xf32>,
        %swap3A_867 = arith.index_cast %rem3A_271 : i32 to index
        %swap3A_868 = arith.index_cast %add3A_862 : i32 to index
        %swap3A_869 = arith.constant 16 : index
        %swap3A_870 = tpu.vector_load %arg11[%swap3A_867, %swap3A_868, %swap3A_869] {strides = array<i32>} : memref<2x48x128xf32, #tpu.memory_space<vmem>>, vector<16xf32>,
        tpu.vector_store %arg11[%swap3A_867, %swap3A_868, %swap3A_869], %gather3A_858 {strides = array<i32>} : memref<2x48x128xf32, #tpu.memory_space<vmem>>, vector<16xf32>,
      }
      %add3A_370 = arith.constant 2 : i32
      %add3A_371 = arith.addi %scan3A_268, %add3A_370 : i32
      %lt3A = arith.constant 31 : i32
      %lt3A_372 = arith.cmpi slt, %add3A_371, %lt3A : i32
      %convert_element_type3A_373 = arith.extui %lt3A_372 : i1 to i32
      %cond3A_374 = arith.constant 0 : i32
      %cond3A_375 = arith.cmpi ne, %convert_element_type3A_373, %cond3A_374 : i32
      scf.if %cond3A_375 {
        %add3A_389 = arith.constant 2 : i32
        %add3A_390 = arith.addi %scan3A_268, %add3A_389 : i32
        %mul3A_391 = arith.constant 8 : i32
        %mul3A_392 = arith.muli %add3A_390, %mul3A_391 : i32
        %add3A_393 = arith.addi %mul3A_2, %mul3A_392 : i32
        %min3A_394 = arith.constant 7805 : i32
        %min3A_395 = arith.minsi %add3A_393, %min3A_394 : i32
        %mul3A_396 = arith.constant 128 : i32
        %mul3A_397 = arith.muli %min3A_395, %mul3A_396 : i32
        %multiple_of3A_398 = tpu.assume_multiple %mul3A_397, 128 : i32
        %dma_start3A_399 = arith.constant 0 : i32
        %dma_start3A_400 = arith.constant 0 : i32
        %dma_start3A_401 = arith.constant 0 : i32
        %dma_start3A_402 = arith.constant 0 : i32
        %dma_start3A_403 = tpu.memref_slice %arg8[%rem3A_271, %dma_start3A_400, %dma_start3A_401, %dma_start3A_402] : memref<2x4x8x1024xf32, #tpu.memory_space<vmem>> -> memref<1x1x8x1024xf32, #tpu.memory_space<vmem>>
        %dma_start3A_404 = tpu.memref_squeeze %dma_start3A_403 : memref<1x1x8x1024xf32, #tpu.memory_space<vmem>> -> memref<8x1024xf32, #tpu.memory_space<vmem>>
        %dma_start3A_405 = tpu.memref_reshape %arg2 : memref<32x1000000xf32, #tpu.memory_space<hbm>> -> memref<4x8x1000000xf32, #tpu.memory_space<hbm>>
        %dma_start3A_406 = arith.constant 0 : i32
        %dma_start3A_407 = tpu.memref_slice %dma_start3A_405[%dma_start3A_399, %dma_start3A_406, %multiple_of3A_398] : memref<4x8x1000000xf32, #tpu.memory_space<hbm>> -> memref<1x8x1024xf32, #tpu.memory_space<hbm>>
        %dma_start3A_408 = tpu.memref_squeeze %dma_start3A_407 : memref<1x8x1024xf32, #tpu.memory_space<hbm>> -> memref<8x1024xf32, #tpu.memory_space<hbm>>
        %dma_start3A_409 = tpu.memref_slice %arg12[%rem3A_271] : memref<2x!tpu.dma_semaphore, #tpu.memory_space<semaphore_mem>> -> memref<1x!tpu.dma_semaphore, #tpu.memory_space<semaphore_mem>>
        %dma_start3A_410 = tpu.memref_squeeze %dma_start3A_409 : memref<1x!tpu.dma_semaphore, #tpu.memory_space<semaphore_mem>> -> memref<!tpu.dma_semaphore, #tpu.memory_space<semaphore_mem>>
        %dma_start3A_411 = arith.constant 0 : i32
        %dma_start3A_412 = arith.constant 0 : i32
        %dma_start3A_413 = tpu.memref_slice %arg8[%rem3A_271, %dma_start3A_400, %dma_start3A_411, %dma_start3A_412] : memref<2x4x8x1024xf32, #tpu.memory_space<vmem>> -> memref<1x1x8x1024xf32, #tpu.memory_space<vmem>>
        %dma_start3A_414 = tpu.memref_squeeze %dma_start3A_413 : memref<1x1x8x1024xf32, #tpu.memory_space<vmem>> -> memref<8x1024xf32, #tpu.memory_space<vmem>>
        %dma_start3A_415 = tpu.memref_reshape %arg2 : memref<32x1000000xf32, #tpu.memory_space<hbm>> -> memref<4x8x1000000xf32, #tpu.memory_space<hbm>>
        %dma_start3A_416 = arith.constant 0 : i32
        %dma_start3A_417 = tpu.memref_slice %dma_start3A_415[%dma_start3A_399, %dma_start3A_416, %multiple_of3A_398] : memref<4x8x1000000xf32, #tpu.memory_space<hbm>> -> memref<1x8x1024xf32, #tpu.memory_space<hbm>>
        %dma_start3A_418 = tpu.memref_squeeze %dma_start3A_417 : memref<1x8x1024xf32, #tpu.memory_space<hbm>> -> memref<8x1024xf32, #tpu.memory_space<hbm>>
        tpu.enqueue_dma source(%dma_start3A_418 : memref<8x1024xf32, #tpu.memory_space<hbm>>) target(%dma_start3A_414 : memref<8x1024xf32, #tpu.memory_space<vmem>>) target_semaphore(%dma_start3A_410 : memref<!tpu.dma_semaphore, #tpu.memory_space<semaphore_mem>>)
        %dma_start3A_419 = arith.constant 1 : i32
        %dma_start3A_420 = arith.constant 1 : i32
        %dma_start3A_421 = arith.constant 0 : i32
        %dma_start3A_422 = arith.constant 0 : i32
        %dma_start3A_423 = tpu.memref_slice %arg8[%rem3A_271, %dma_start3A_420, %dma_start3A_421, %dma_start3A_422] : memref<2x4x8x1024xf32, #tpu.memory_space<vmem>> -> memref<1x1x8x1024xf32, #tpu.memory_space<vmem>>
        %dma_start3A_424 = tpu.memref_squeeze %dma_start3A_423 : memref<1x1x8x1024xf32, #tpu.memory_space<vmem>> -> memref<8x1024xf32, #tpu.memory_space<vmem>>
        %dma_start3A_425 = tpu.memref_reshape %arg2 : memref<32x1000000xf32, #tpu.memory_space<hbm>> -> memref<4x8x1000000xf32, #tpu.memory_space<hbm>>
        %dma_start3A_426 = arith.constant 0 : i32
        %dma_start3A_427 = tpu.memref_slice %dma_start3A_425[%dma_start3A_419, %dma_start3A_426, %multiple_of3A_398] : memref<4x8x1000000xf32, #tpu.memory_space<hbm>> -> memref<1x8x1024xf32, #tpu.memory_space<hbm>>
        %dma_start3A_428 = tpu.memref_squeeze %dma_start3A_427 : memref<1x8x1024xf32, #tpu.memory_space<hbm>> -> memref<8x1024xf32, #tpu.memory_space<hbm>>
        %dma_start3A_429 = tpu.memref_slice %arg12[%rem3A_271] : memref<2x!tpu.dma_semaphore, #tpu.memory_space<semaphore_mem>> -> memref<1x!tpu.dma_semaphore, #tpu.memory_space<semaphore_mem>>
        %dma_start3A_430 = tpu.memref_squeeze %dma_start3A_429 : memref<1x!tpu.dma_semaphore, #tpu.memory_space<semaphore_mem>> -> memref<!tpu.dma_semaphore, #tpu.memory_space<semaphore_mem>>
        %dma_start3A_431 = arith.constant 0 : i32
        %dma_start3A_432 = arith.constant 0 : i32
        %dma_start3A_433 = tpu.memref_slice %arg8[%rem3A_271, %dma_start3A_420, %dma_start3A_431, %dma_start3A_432] : memref<2x4x8x1024xf32, #tpu.memory_space<vmem>> -> memref<1x1x8x1024xf32, #tpu.memory_space<vmem>>
        %dma_start3A_434 = tpu.memref_squeeze %dma_start3A_433 : memref<1x1x8x1024xf32, #tpu.memory_space<vmem>> -> memref<8x1024xf32, #tpu.memory_space<vmem>>
        %dma_start3A_435 = tpu.memref_reshape %arg2 : memref<32x1000000xf32, #tpu.memory_space<hbm>> -> memref<4x8x1000000xf32, #tpu.memory_space<hbm>>
        %dma_start3A_436 = arith.constant 0 : i32
        %dma_start3A_437 = tpu.memref_slice %dma_start3A_435[%dma_start3A_419, %dma_start3A_436, %multiple_of3A_398] : memref<4x8x1000000xf32, #tpu.memory_space<hbm>> -> memref<1x8x1024xf32, #tpu.memory_space<hbm>>
        %dma_start3A_438 = tpu.memref_squeeze %dma_start3A_437 : memref<1x8x1024xf32, #tpu.memory_space<hbm>> -> memref<8x1024xf32, #tpu.memory_space<hbm>>
        tpu.enqueue_dma source(%dma_start3A_438 : memref<8x1024xf32, #tpu.memory_space<hbm>>) target(%dma_start3A_434 : memref<8x1024xf32, #tpu.memory_space<vmem>>) target_semaphore(%dma_start3A_430 : memref<!tpu.dma_semaphore, #tpu.memory_space<semaphore_mem>>)
        %dma_start3A_439 = arith.constant 2 : i32
        %dma_start3A_440 = arith.constant 2 : i32
        %dma_start3A_441 = arith.constant 0 : i32
        %dma_start3A_442 = arith.constant 0 : i32
        %dma_start3A_443 = tpu.memref_slice %arg8[%rem3A_271, %dma_start3A_440, %dma_start3A_441, %dma_start3A_442] : memref<2x4x8x1024xf32, #tpu.memory_space<vmem>> -> memref<1x1x8x1024xf32, #tpu.memory_space<vmem>>
        %dma_start3A_444 = tpu.memref_squeeze %dma_start3A_443 : memref<1x1x8x1024xf32, #tpu.memory_space<vmem>> -> memref<8x1024xf32, #tpu.memory_space<vmem>>
        %dma_start3A_445 = tpu.memref_reshape %arg2 : memref<32x1000000xf32, #tpu.memory_space<hbm>> -> memref<4x8x1000000xf32, #tpu.memory_space<hbm>>
        %dma_start3A_446 = arith.constant 0 : i32
        %dma_start3A_447 = tpu.memref_slice %dma_start3A_445[%dma_start3A_439, %dma_start3A_446, %multiple_of3A_398] : memref<4x8x1000000xf32, #tpu.memory_space<hbm>> -> memref<1x8x1024xf32, #tpu.memory_space<hbm>>
        %dma_start3A_448 = tpu.memref_squeeze %dma_start3A_447 : memref<1x8x1024xf32, #tpu.memory_space<hbm>> -> memref<8x1024xf32, #tpu.memory_space<hbm>>
        %dma_start3A_449 = tpu.memref_slice %arg12[%rem3A_271] : memref<2x!tpu.dma_semaphore, #tpu.memory_space<semaphore_mem>> -> memref<1x!tpu.dma_semaphore, #tpu.memory_space<semaphore_mem>>
        %dma_start3A_450 = tpu.memref_squeeze %dma_start3A_449 : memref<1x!tpu.dma_semaphore, #tpu.memory_space<semaphore_mem>> -> memref<!tpu.dma_semaphore, #tpu.memory_space<semaphore_mem>>
        %dma_start3A_451 = arith.constant 0 : i32
        %dma_start3A_452 = arith.constant 0 : i32
        %dma_start3A_453 = tpu.memref_slice %arg8[%rem3A_271, %dma_start3A_440, %dma_start3A_451, %dma_start3A_452] : memref<2x4x8x1024xf32, #tpu.memory_space<vmem>> -> memref<1x1x8x1024xf32, #tpu.memory_space<vmem>>
        %dma_start3A_454 = tpu.memref_squeeze %dma_start3A_453 : memref<1x1x8x1024xf32, #tpu.memory_space<vmem>> -> memref<8x1024xf32, #tpu.memory_space<vmem>>
        %dma_start3A_455 = tpu.memref_reshape %arg2 : memref<32x1000000xf32, #tpu.memory_space<hbm>> -> memref<4x8x1000000xf32, #tpu.memory_space<hbm>>
        %dma_start3A_456 = arith.constant 0 : i32
        %dma_start3A_457 = tpu.memref_slice %dma_start3A_455[%dma_start3A_439, %dma_start3A_456, %multiple_of3A_398] : memref<4x8x1000000xf32, #tpu.memory_space<hbm>> -> memref<1x8x1024xf32, #tpu.memory_space<hbm>>
        %dma_start3A_458 = tpu.memref_squeeze %dma_start3A_457 : memref<1x8x1024xf32, #tpu.memory_space<hbm>> -> memref<8x1024xf32, #tpu.memory_space<hbm>>
        tpu.enqueue_dma source(%dma_start3A_458 : memref<8x1024xf32, #tpu.memory_space<hbm>>) target(%dma_start3A_454 : memref<8x1024xf32, #tpu.memory_space<vmem>>) target_semaphore(%dma_start3A_450 : memref<!tpu.dma_semaphore, #tpu.memory_space<semaphore_mem>>)
        %dma_start3A_459 = arith.constant 3 : i32
        %dma_start3A_460 = arith.constant 3 : i32
        %dma_start3A_461 = arith.constant 0 : i32
        %dma_start3A_462 = arith.constant 0 : i32
        %dma_start3A_463 = tpu.memref_slice %arg8[%rem3A_271, %dma_start3A_460, %dma_start3A_461, %dma_start3A_462] : memref<2x4x8x1024xf32, #tpu.memory_space<vmem>> -> memref<1x1x8x1024xf32, #tpu.memory_space<vmem>>
        %dma_start3A_464 = tpu.memref_squeeze %dma_start3A_463 : memref<1x1x8x1024xf32, #tpu.memory_space<vmem>> -> memref<8x1024xf32, #tpu.memory_space<vmem>>
        %dma_start3A_465 = tpu.memref_reshape %arg2 : memref<32x1000000xf32, #tpu.memory_space<hbm>> -> memref<4x8x1000000xf32, #tpu.memory_space<hbm>>
        %dma_start3A_466 = arith.constant 0 : i32
        %dma_start3A_467 = tpu.memref_slice %dma_start3A_465[%dma_start3A_459, %dma_start3A_466, %multiple_of3A_398] : memref<4x8x1000000xf32, #tpu.memory_space<hbm>> -> memref<1x8x1024xf32, #tpu.memory_space<hbm>>
        %dma_start3A_468 = tpu.memref_squeeze %dma_start3A_467 : memref<1x8x1024xf32, #tpu.memory_space<hbm>> -> memref<8x1024xf32, #tpu.memory_space<hbm>>
        %dma_start3A_469 = tpu.memref_slice %arg12[%rem3A_271] : memref<2x!tpu.dma_semaphore, #tpu.memory_space<semaphore_mem>> -> memref<1x!tpu.dma_semaphore, #tpu.memory_space<semaphore_mem>>
        %dma_start3A_470 = tpu.memref_squeeze %dma_start3A_469 : memref<1x!tpu.dma_semaphore, #tpu.memory_space<semaphore_mem>> -> memref<!tpu.dma_semaphore, #tpu.memory_space<semaphore_mem>>
        %dma_start3A_471 = arith.constant 0 : i32
        %dma_start3A_472 = arith.constant 0 : i32
        %dma_start3A_473 = tpu.memref_slice %arg8[%rem3A_271, %dma_start3A_460, %dma_start3A_471, %dma_start3A_472] : memref<2x4x8x1024xf32, #tpu.memory_space<vmem>> -> memref<1x1x8x1024xf32, #tpu.memory_space<vmem>>
        %dma_start3A_474 = tpu.memref_squeeze %dma_start3A_473 : memref<1x1x8x1024xf32, #tpu.memory_space<vmem>> -> memref<8x1024xf32, #tpu.memory_space<vmem>>
        %dma_start3A_475 = tpu.memref_reshape %arg2 : memref<32x1000000xf32, #tpu.memory_space<hbm>> -> memref<4x8x1000000xf32, #tpu.memory_space<hbm>>
        %dma_start3A_476 = arith.constant 0 : i32
        %dma_start3A_477 = tpu.memref_slice %dma_start3A_475[%dma_start3A_459, %dma_start3A_476, %multiple_of3A_398] : memref<4x8x1000000xf32, #tpu.memory_space<hbm>> -> memref<1x8x1024xf32, #tpu.memory_space<hbm>>
        %dma_start3A_478 = tpu.memref_squeeze %dma_start3A_477 : memref<1x8x1024xf32, #tpu.memory_space<hbm>> -> memref<8x1024xf32, #tpu.memory_space<hbm>>
        tpu.enqueue_dma source(%dma_start3A_478 : memref<8x1024xf32, #tpu.memory_space<hbm>>) target(%dma_start3A_474 : memref<8x1024xf32, #tpu.memory_space<vmem>>) target_semaphore(%dma_start3A_470 : memref<!tpu.dma_semaphore, #tpu.memory_space<semaphore_mem>>)
      } else {
      }
      %dma_start3A_376 = arith.constant 0 : i32
      %dma_start3A_377 = arith.constant 0 : i32
      %dma_start3A_378 = tpu.memref_slice %arg11[%rem3A_271, %dma_start3A_376, %dma_start3A_377] : memref<2x48x128xf32, #tpu.memory_space<vmem>> -> memref<1x48x128xf32, #tpu.memory_space<vmem>>
      %dma_start3A_379 = tpu.memref_squeeze %dma_start3A_378 : memref<1x48x128xf32, #tpu.memory_space<vmem>> -> memref<48x128xf32, #tpu.memory_space<vmem>>
      %dma_start3A_380 = arith.constant 0 : i32
      %dma_start3A_381 = tpu.memref_slice %arg9[%rem3A_271, %dma_start3A_380] : memref<2x48xi32, #tpu.memory_space<vmem>> -> memref<1x48xi32, #tpu.memory_space<vmem>>
      %dma_start3A_382 = tpu.memref_squeeze %dma_start3A_381 : memref<1x48xi32, #tpu.memory_space<vmem>> -> memref<48xi32, #tpu.memory_space<vmem>>
      %dma_start3A_383 = arith.constant 0 : i32
      %dma_start3A_384 = arith.constant 0 : i32
      %dma_start3A_385 = tpu.memref_slice %arg4[%dma_start3A_383, %dma_start3A_384] : memref<16416x128xf32, #tpu.memory_space<hbm>> -> memref<16416x128xf32, #tpu.memory_space<hbm>>
      %dma_start3A_386 = tpu.memref_slice %arg13[%rem3A_271] : memref<2x!tpu.dma_semaphore, #tpu.memory_space<semaphore_mem>> -> memref<1x!tpu.dma_semaphore, #tpu.memory_space<semaphore_mem>>
      %dma_start3A_387 = tpu.memref_squeeze %dma_start3A_386 : memref<1x!tpu.dma_semaphore, #tpu.memory_space<semaphore_mem>> -> memref<!tpu.dma_semaphore, #tpu.memory_space<semaphore_mem>>
      tpu.enqueue_indirect_dma source(%dma_start3A_379 : memref<48x128xf32, #tpu.memory_space<vmem>>) target(%dma_start3A_385 : memref<16416x128xf32, #tpu.memory_space<hbm>>) offsets(%dma_start3A_382 : memref<48xi32, #tpu.memory_space<vmem>>) semaphore(%dma_start3A_387 : memref<!tpu.dma_semaphore, #tpu.memory_space<semaphore_mem>>)
      %scan3A_388 = arith.constant 0 : i32
      scf.yield %scan3A_388 : i32
    }
    %scan3A_238 = arith.constant 31 : i32
    %dma_wait3A = arith.constant 0 : i32
    %dma_wait3A_239 = arith.constant 0 : i32
    %dma_wait3A_240 = arith.constant 0 : i32
    %dma_wait3A_241 = arith.constant 0 : i32
    %dma_wait3A_242 = arith.constant 0 : i32
    %dma_wait3A_243 = tpu.memref_slice %arg11[%dma_wait3A, %dma_wait3A_241, %dma_wait3A_242] : memref<2x48x128xf32, #tpu.memory_space<vmem>> -> memref<1x48x128xf32, #tpu.memory_space<vmem>>
    %dma_wait3A_244 = tpu.memref_squeeze %dma_wait3A_243 : memref<1x48x128xf32, #tpu.memory_space<vmem>> -> memref<48x128xf32, #tpu.memory_space<vmem>>
    %dma_wait3A_245 = arith.constant 0 : i32
    %dma_wait3A_246 = tpu.memref_slice %arg9[%dma_wait3A_239, %dma_wait3A_245] : memref<2x48xi32, #tpu.memory_space<vmem>> -> memref<1x48xi32, #tpu.memory_space<vmem>>
    %dma_wait3A_247 = tpu.memref_squeeze %dma_wait3A_246 : memref<1x48xi32, #tpu.memory_space<vmem>> -> memref<48xi32, #tpu.memory_space<vmem>>
    %dma_wait3A_248 = arith.constant 0 : i32
    %dma_wait3A_249 = arith.constant 0 : i32
    %dma_wait3A_250 = tpu.memref_slice %arg4[%dma_wait3A_248, %dma_wait3A_249] : memref<16416x128xf32, #tpu.memory_space<hbm>> -> memref<16416x128xf32, #tpu.memory_space<hbm>>
    %dma_wait3A_251 = tpu.memref_slice %arg13[%dma_wait3A_240] : memref<2x!tpu.dma_semaphore, #tpu.memory_space<semaphore_mem>> -> memref<1x!tpu.dma_semaphore, #tpu.memory_space<semaphore_mem>>
    %dma_wait3A_252 = tpu.memref_squeeze %dma_wait3A_251 : memref<1x!tpu.dma_semaphore, #tpu.memory_space<semaphore_mem>> -> memref<!tpu.dma_semaphore, #tpu.memory_space<semaphore_mem>>
    tpu.wait_indirect_dma semaphore(%dma_wait3A_252 : memref<!tpu.dma_semaphore, #tpu.memory_space<semaphore_mem>>) src(%dma_wait3A_244 : memref<48x128xf32, #tpu.memory_space<vmem>>) dst(%dma_wait3A_250 : memref<16416x128xf32, #tpu.memory_space<hbm>>)
    %dma_wait3A_253 = arith.constant 1 : i32
    %dma_wait3A_254 = arith.constant 1 : i32
    %dma_wait3A_255 = arith.constant 1 : i32
    %dma_wait3A_256 = arith.constant 0 : i32
    %dma_wait3A_257 = arith.constant 0 : i32
    %dma_wait3A_258 = tpu.memref_slice %arg11[%dma_wait3A_253, %dma_wait3A_256, %dma_wait3A_257] : memref<2x48x128xf32, #tpu.memory_space<vmem>> -> memref<1x48x128xf32, #tpu.memory_space<vmem>>
    %dma_wait3A_259 = tpu.memref_squeeze %dma_wait3A_258 : memref<1x48x128xf32, #tpu.memory_space<vmem>> -> memref<48x128xf32, #tpu.memory_space<vmem>>
    %dma_wait3A_260 = arith.constant 0 : i32
    %dma_wait3A_261 = tpu.memref_slice %arg9[%dma_wait3A_254, %dma_wait3A_260] : memref<2x48xi32, #tpu.memory_space<vmem>> -> memref<1x48xi32, #tpu.memory_space<vmem>>
    %dma_wait3A_262 = tpu.memref_squeeze %dma_wait3A_261 : memref<1x48xi32, #tpu.memory_space<vmem>> -> memref<48xi32, #tpu.memory_space<vmem>>
    %dma_wait3A_263 = arith.constant 0 : i32
    %dma_wait3A_264 = arith.constant 0 : i32
    %dma_wait3A_265 = tpu.memref_slice %arg4[%dma_wait3A_263, %dma_wait3A_264] : memref<16416x128xf32, #tpu.memory_space<hbm>> -> memref<16416x128xf32, #tpu.memory_space<hbm>>
    %dma_wait3A_266 = tpu.memref_slice %arg13[%dma_wait3A_255] : memref<2x!tpu.dma_semaphore, #tpu.memory_space<semaphore_mem>> -> memref<1x!tpu.dma_semaphore, #tpu.memory_space<semaphore_mem>>
    %dma_wait3A_267 = tpu.memref_squeeze %dma_wait3A_266 : memref<1x!tpu.dma_semaphore, #tpu.memory_space<semaphore_mem>> -> memref<!tpu.dma_semaphore, #tpu.memory_space<semaphore_mem>>
    tpu.wait_indirect_dma semaphore(%dma_wait3A_267 : memref<!tpu.dma_semaphore, #tpu.memory_space<semaphore_mem>>) src(%dma_wait3A_259 : memref<48x128xf32, #tpu.memory_space<vmem>>) dst(%dma_wait3A_265 : memref<16416x128xf32, #tpu.memory_space<hbm>>)
    return
  }
}

</mosaic_0001>

<sc_bundles>
// kernel: kernel.4.cloned.1.call-start
scs
__scs_entry_jumppad:
0x0: {  	(pc) =	sbr.rel $0x88, $3  }
0x1: {  	(tag) =	ssettag $0x0;
	lr =	simm.s32 $0x1  }
0x2: {  	[smem:$0x3F9F] =	sst lr;
	_ =	strace $0xD0000000  }
0x3: {  	_ = 	snop  }
0x4: {  	_ = 	snop  }
0x5: {  	_ = 	snop  }
0x6: {  	_ = 	snop  }
0x7: {  	_ = 	snop  }
__scs_overlays_trampoline_lowered:
0x8: {  	[smem:$0x3FAE] =	sst s0  }
0x9: {  	[smem:$0x3FAF] =	sst s1  }
0xa: {  	[smem:$0x3FB0] =	sst s2  }
0xb: {  	[smem:$0x3FB1] =	sst s3  }
0xc: {  	[smem:$0x3FB2] =	sst s4  }
0xd: {  	[smem:$0x3FB3] =	sst s5  }
0xe: {  	[smem:$0x3FB4] =	sst s6  }
0xf: {  	[smem:$0x3FB5] =	sst s7  }
0x10: {  	[smem:$0x3FB6] =	sst s8  }
0x11: {  	[smem:$0x3FB7] =	sst s9;
	s0 =	simm.s32 @!p0 $0x0  }
0x12: {  	s1 =	sld [smem:$0x3F9D];
	s0 =	simm.s32 @p0 $0x1  }
0x13: {  	[smem:$0x3FB8] =	sst s0;
	s0 =	simm.s32 @!p1 $0x0  }
0x14: {  	s2 =	sld [smem:$0x3F9C];
	s0 =	simm.s32 @p1 $0x1  }
0x15: {  	[smem:$0x3FB9] =	sst s0;
	s0 =	simm.s32 @!p2 $0x0  }
0x16: {  	s3 =	sld [smem:$0x3FDB];
	s0 =	simm.s32 @p2 $0x1  }
0x17: {  	s4 =	simm.s32 $0x1BF5;
	[smem:$0x3FBB] =	sst s0  }
0x18: {  	s0 =	sld [smem:$0x3F9E];
	_ =	swait.ge [sflag:s4], $0x0  }
0x19: {  	s7 =	sld [smem:$0x3F9F]  }
0x1a: {  	s8 =	sadd.s32 $0xFFFFE003, lr  }
0x1b: {  	s9 =	sadd.s32 $0xFFFFFEF7, lr;
	s5 =	simm.s32 $0xFFFFFFFF;
	p2 =	slt.u32 s8, $0xFFFFF086  }
0x1c: {  	p1 =	slt.u32 s9, $0xF7A;
	s5 =	simm.s32 @!p2 $0x0  }
0x1d: {  	s5 =	simm.s32 @p1 $0x1;
	p0 =	seq.s32 s7, s2  }
0x1e: {  	s7 =	smul.u32 @!p0 $0xF7A, s2;
	p2 =	seq.s32 @!p0 s5, $0x0  }
0x1f: {  	s9 =	smul.u32 $0xF7A, s1;
	s8 =	simm.s32 @!p0 $0x1BF5;
	p2 =	por !p2, p0  }
0x20: {  	[sflag:s8] =	ssyncset.s32 @!p0 $0xFFFFF086;
	s6 =	sadd.s32 @!p0 s3, s7;
	s7 =	simm.s32 @!p0 $0x108  }
0x21: {  	s3 =	sadd.s32 s3, s9;
	s6 =	sadd.s32 @!p0 $0x88, s6;
	s7 =	simm.s32 @p2 $0x1082  }
0x22: {  	[simem:s7], [sflag:s8] =	dma.local @!p0 [hbm:s6], $0xF7A  }
0x23: {  	s9 =	sor.u32 $0xD0000000, s2;
	s6 =	simm.s32 $0x108;
	_ =	swait.ge @!p0 [sflag:s8], $0x0  }
0x24: {  	s3 =	sadd.s32 $0x88, s3;
	s6 =	simm.s32 @!p1 $0x1082;
	[sflag:s4] =	ssyncset.s32 $0xFFFFF086  }
0x25: {  	[simem:s6], [sflag:s4] =	dma.local [hbm:s3], $0xF7A  }
0x26: {  	[smem:$0x3F9F] =	sst s1;
	(tag) =	ssettag s2;
	_ =	strace s9  }
0x27: {  	s1 =	sld [smem:$0x3FAF]  }
0x28: {  	s2 =	sld [smem:$0x3FB0]  }
0x29: {  	s4 =	sld [smem:$0x3FB2]  }
0x2a: {  	p0 =	seq.s32 s5, $0x0;
	s5 =	sld [smem:$0x3FB3]  }
0x2b: {  	s6 =	sld [smem:$0x3FB4]  }
0x2c: {  	s7 =	sld [smem:$0x3FB5]  }
0x2d: {  	s3 =	simm.s32 $0x108;
	s8 =	sld [smem:$0x3FB6]  }
0x2e: {  	s3 =	simm.s32 @!p0 $0x1082;
	s9 =	sld [smem:$0x3FB7]  }
0x2f: {  	lr =	sadd.s32 s0, s3;
	s0 =	sld [smem:$0x3FAE]  }
0x30: {  	s3 =	sld [smem:$0x3FB1]  }
0x31: {  	[smem:$0x3FBA] =	sst s10  }
0x32: {  	s10 =	sld [smem:$0x3FB8];
	_ =	sdelay $0x3  }
0x33: {  	p0 =	seq.s32 s10, $0x1;
	s10 =	sld [smem:$0x3FBA];
	_ =	sdelay $0x3  }
0x34: {  	[smem:$0x3FBA] =	sst s10  }
0x35: {  	s10 =	sld [smem:$0x3FB9];
	_ =	sdelay $0x3  }
0x36: {  	p1 =	seq.s32 s10, $0x1;
	s10 =	sld [smem:$0x3FBA];
	_ =	sdelay $0x3  }
0x37: {  	[smem:$0x3FBA] =	sst s10  }
0x38: {  	s10 =	sld [smem:$0x3FBB]  }
0x39: {  	_ = 	snop;
	(pc) =	sbr.ind lr, $3  }
0x3a: {  	_ = 	snop  }
0x3b: {  	_ = 	snop  }
0x3c: {  	p2 =	seq.s32 s10, $0x1;
	s10 =	sld [smem:$0x3FBA]  }
0x3d: {  	_ =	shalt  }
0x3e: {  	_ =	shalt  }
0x3f: {  	_ =	shalt  }
0x40: {  	_ =	shalt  }
0x41: {  	_ =	shalt  }
0x42: {  	_ =	shalt  }
0x43: {  	_ =	shalt  }
0x44: {  	_ =	shalt  }
0x45: {  	_ =	shalt  }
0x46: {  	_ =	shalt  }
0x47: {  	_ =	shalt  }
0x48: {  	_ =	shalt  }
0x49: {  	_ =	shalt  }
0x4a: {  	_ =	shalt  }
0x4b: {  	_ =	shalt  }
0x4c: {  	_ =	shalt  }
0x4d: {  	_ =	shalt  }
0x4e: {  	_ =	shalt  }
0x4f: {  	_ =	shalt  }
0x50: {  	_ =	shalt  }
0x51: {  	_ =	shalt  }
0x52: {  	_ =	shalt  }
0x53: {  	_ =	shalt  }
0x54: {  	_ =	shalt  }
0x55: {  	_ =	shalt  }
0x56: {  	_ =	shalt  }
0x57: {  	_ =	shalt  }
0x58: {  	_ =	shalt  }
0x59: {  	_ =	shalt  }
0x5a: {  	_ =	shalt  }
0x5b: {  	_ =	shalt  }
0x5c: {  	_ =	shalt  }
0x5d: {  	_ =	shalt  }
0x5e: {  	_ =	shalt  }
0x5f: {  	_ =	shalt  }
0x60: {  	_ =	shalt  }
0x61: {  	_ =	shalt  }
0x62: {  	_ =	shalt  }
0x63: {  	_ =	shalt  }
0x64: {  	_ =	shalt  }
0x65: {  	_ =	shalt  }
0x66: {  	_ =	shalt  }
0x67: {  	_ =	shalt  }
0x68: {  	_ =	shalt  }
0x69: {  	_ =	shalt  }
0x6a: {  	_ =	shalt  }
0x6b: {  	_ =	shalt  }
0x6c: {  	_ =	shalt  }
0x6d: {  	_ =	shalt  }
0x6e: {  	_ =	shalt  }
0x6f: {  	_ =	shalt  }
0x70: {  	_ =	shalt  }
0x71: {  	_ =	shalt  }
0x72: {  	_ =	shalt  }
0x73: {  	_ =	shalt  }
0x74: {  	_ =	shalt  }
0x75: {  	_ =	shalt  }
0x76: {  	_ =	shalt  }
0x77: {  	_ =	shalt  }
0x78: {  	_ =	shalt  }
0x79: {  	_ =	shalt  }
0x7a: {  	_ =	shalt  }
0x7b: {  	_ =	shalt  }
0x7c: {  	_ =	shalt  }
0x7d: {  	_ =	shalt  }
0x7e: {  	_ =	shalt  }
0x7f: {  	_ =	shalt  }
0x80: {  	_ =	shalt  }
0x81: {  	_ =	shalt  }
0x82: {  	_ =	shalt  }
0x83: {  	_ =	shalt  }
0x84: {  	_ =	shalt  }
0x85: {  	_ =	shalt  }
0x86: {  	_ =	shalt  }
0x87: {  	_ =	shalt  }
.Lfunc_end0:
.L_simem_size_0:
called_computation_lowered:
.L_overlay_start_0:
0x88: {  	s2 =	sld [smem:$0x3FD9]  }
0x89: {  	s3 =	sld [smem:$0x3FFE];
	_ =	sdelay $0x1  }
0x8a: {  	s1 =	srdreg.scid  }
0x8b: {  	s0 =	sand.u32 $0x1, s1  }
0x8c: {  	s17 =	sshll.u32 s0, $0xA;
	s2 =	sadd.s32 s3, s2  }
0x8d: {  	s2 =	sadd.s32 s2, s17  }
0x8e: {  	[smem:$0x3FC6] =	sst s2  }
0x8f: {  	_ = 	snop  }
0x90: {  	s2 =	sld [smem:$0x3FC9]  }
0x91: {  	s18 =	sld [smem:$0x3FC8];
	(tm) =	ssettm $0x1  }
0x92: {  	s4 =	sld [smem:$0x3FFB];
	_ =	sdelay $0x3  }
0x93: {  	_ =	strace s4  }
0x94: {  	s4 =	sld [smem:$0x3FFC];
	_ =	sdelay $0x3  }
0x95: {  	_ =	strace s4  }
0x96: {  	s4 =	sld [smem:$0x3FFD];
	_ =	sdelay $0x3  }
0x97: {  	_ =	strace s4  }
0x98: {  	_ =	strace $0x8FFFFFFF  }
0x99: {  	s19 =	sld [smem:$0x3FDB];
	_ =	sdelay $0x1  }
0x9a: {  	s5 =	simm.s32 $_scs_section_size  }
0x9b: {  	s6 =	simm.s32 $_size__tile_overlayer_lowered;
	s7 =	simm.s32 $_tile_overlayer_lowered  }
0x9c: {  	s22 =	simm.s32 $0x1BFF;
	s21 =	sshll.u32 s7, $0x1;
	s4 =	sadd.s32 s5, s19  }
0x9d: {  	s8 =	simm.s32 $0x0;
	s20 =	sshll.u32 s6, $0x1;
	s6 =	sadd.s32 s21, s4  }
0x9e: {  	[timem:s8], [sflag:s22] =	dma.local [hbm:s6], s20  }
0x9f: {  	_ =	swait.ge [sflag:s22], s20  }
0xa0: {  	s5 =	ssub.s32 $0x0, s20;
	[sflag:s22] =	ssyncset.done $0x0  }
0xa1: {  	[sflag:s22] =	ssyncadd.s32 s5;
	_ =	sdelay $0x1  }
0xa2: {  	s23 =	simm.s32 $0x1B8B  }
0xa3: {  	_ =	swait.ge [sflag:s23], $0x1  }
0xa4: {  	[sflag:s23] =	ssyncset.done $0x0  }
0xa5: {  	s25 =	simm.s32 $0x1B8E;
	s24 =	sld [smem:$0x3FFE];
	[sflag:s23] =	ssyncadd.s32 $0xFFFFFFFF  }
0xa6: {  	s26 =	simm.s32 $execute0_lowered;
	[smem:$0x3FD2] =	sst s25  }
0xa7: {  	s6 =	sshll.u32 s26, $0x1;
	_ =	strace $0x80000046;
	[dreg:$0x1] =	wrdreg $0xFFFFFFFF  }
0xa8: {  	s28 =	simm.s32 $_size_execute0_lowered;
	s4 =	sadd.s32 s4, s6;
	[dreg:$0x0] =	wrdreg $0x0  }
0xa9: {  	s6 =	sshll.u32 s28, $0x1;
	[dreg:$0x2] =	wrdreg s4  }
0xaa: {  	[dreg:$0x3] =	wrdreg s6  }
0xab: {  	[dreg:$0x4] =	wrdreg $0xC0  }
0xac: {  	_ =	task [dreg:s8], $0x5FFFF  }
0xad: {  	[dreg:$0x1] =	wrdreg $0xFFFFFFFF  }
0xae: {  	[dreg:$0x0] =	wrdreg $0x60  }
0xaf: {  	[dreg:$0x2] =	wrdreg s18  }
0xb0: {  	[dreg:$0x3] =	wrdreg s2  }
0xb1: {  	[dreg:$0x4] =	wrdreg s24  }
0xb2: {  	[dreg:$0x5] =	wrdreg $0x9  }
0xb3: {  	_ =	task.clear_ibuf [dreg:s8], $0x6FFFF;
	_ =	strace $0x90000046  }
0xb4: {  	s29 =	simm.s32 $0x9;
	_ =	strace $0x80000048  }
0xb5: {  	_ =	swait.ge [sflag:s29], $0x1  }
0xb6: {  	[sflag:s29] =	ssyncadd.s32 $0xFFFFFFFF  }
0xb7: {  	_ =	strace $0x90000048  }
0xb8: {  	_ =	sfence  }
0xb9: {  	s30 =	sld [smem:$0x0];
	_ =	sdelay $0x2  }
0xba: {  	s31 =	sshll.u32 s1, $0xD;
	s1 =	sshrl.u32 s1, $0x2  }
0xbb: {  	s3 =	sand.u32 $0x4000, s31;
	s1 =	sadd.s32 s1, s30  }
0xbc: {  	s0 =	sor.u32 s3, s0;
	s1 =	sshll.u32 s1, $0x11  }
0xbd: {  	s0 =	sor.u32 s1, s0  }
0xbe: {  	s0 =	sadd.s32 $0x8F2B, s0  }
0xbf: {  	[sflag:s0] =	ssyncadd.remote.s32 $0x1  }
0xc0: {  	_ =	sfence.sel $0xFFFF  }
0xc1: {  	[dreg:$0x0] =	wrdreg $0xFFFFFFFF;
	(pc) =	sbr.abs _section_cstart, $3  }
0xc2: {  	[dreg:$0x1] =	wrdreg $0xFFFFFFFF  }
0xc3: {  	_ =	task.clear_ibuf [dreg:s8], $0x2FFFF;
	_ =	strace $0x9FFFFFFF  }
0xc4: {  	(tm) =	ssettm $0x7FFFFFFF  }
0xc5: {  	_ =	shalt  }
tec
execute0_lowered:
.L_overlay_start_1:
0x0: {  	(tag) =	ssettag $0x1  }
0x1: {  	v3 =	vlaneseq.u32  }
0x2: {  	v4 =	vimm.s32 $0x2380;
	vm0 =	vcmask $0x300;
	v5 =	vimm.s32 $0x6380  }
0x3: {  	vm1 =	vcmask $0x704;
	vm15 =	vcmask $0xB08;
	vm4 =	vcmask $0xF0C  }
0x4: {  	s0 =	srdreg.scid;
	vm5 =	vcmask $0x1310;
	v4 =	vsel vm0, $0x0, v4;
	v5 =	vsel vm0, $0x4000, v5  }
0x5: {  	s1 =	stileid.u32;
	s23 =	rddreg [dreg:$0x2];
	vm6 =	vcmask $0x1714;
	v4 =	vsel vm1, $0x80, v4;
	v5 =	vsel vm1, $0x4080, v5  }
0x6: {  	s5 =	simm.s32 $0x0;
	vm7 =	vcmask $0x1B18;
	s0 =	sand.u32 $0x1, s0;
	s1 =	sshll.u32 s1, $0x1;
	v4 =	vsel vm15, $0x100, v4;
	v5 =	vsel vm15, $0x4100, v5  }
0x7: {  	vm8 =	vcmask $0x1F1C;
	s17 =	simm.s32 $0x5;
	s28 =	simm.s32 $0x3;
	s3 =	sor.u32 s0, s1;
	v4 =	vsel vm4, $0x180, v4;
	v5 =	vsel vm4, $0x4180, v5  }
0x8: {  	vm9 =	vcmask $0x2320;
	s29 =	simm.s32 $0x4;
	s30 =	simm.s32 $0x0;
	s1 =	smul.u32 $0xF5, s3;
	v4 =	vsel vm5, $0x200, v4;
	v5 =	vsel vm5, $0x4200, v5  }
0x9: {  	vm10 =	vcmask $0x2724;
	[smem:$0x7FF] =	sst s5;
	s0 =	ssub.s32 $0x2, s0;
	s4 =	sor.u32 $0x4000, s3;
	v4 =	vsel vm6, $0x280, v4;
	v5 =	vsel vm6, $0x4280, v5  }
0xa: {  	vm11 =	vcmask $0x2B28;
	s6 =	smul.u32 $0x3D400, s3;
	s25 =	sshrl.u32 s0, $0x1;
	s2 =	smin.u32 s1, $0x1D90;
	v4 =	vsel vm7, $0x300, v4;
	v5 =	vsel vm7, $0x4300, v5  }
0xb: {  	vm12 =	vcmask $0x2F2C;
	s3 =	smul.u32 $0x7A80, s3;
	s0 =	ssub.s32 s0, s25;
	s2 =	sadd.s32 $0xF5, s2;
	v4 =	vsel vm8, $0x380, v4;
	v5 =	vsel vm8, $0x4380, v5  }
0xc: {  	s7 =	sshrl.u32 s6, $0x3;
	s6 =	sadd.s32 $0x800, s23;
	v1 =	vmov s2;
	s2 =	rddreg [dreg:$0x0];
	v4 =	vsel vm9, $0x2000, v4;
	v5 =	vsel vm9, $0x6000, v5  }
0xd: {  	vm13 =	vcmask $0x3330;
	s15 =	sadd.s32 $0x10, s1;
	_ =	strace $0x80000047;
	s24 =	sadd.s32 s2, s7;
	v4 =	vsel vm10, $0x2080, v4;
	v5 =	vsel vm10, $0x6080, v5  }
.Ltmp0:
0xe: {  	vm14 =	vcmask $0x3734;
	s16 =	smax.u32 s0, $0x1;
	s7 =	sadd.s32 $0x1E8500, s24;
	v4 =	vsel vm11, $0x2100, v4;
	v5 =	vsel vm11, $0x6100, v5;
	(pc) =	sbr.rel .LBB2_1-.Ltmp0, $4  }
0xf: {  	vm15 =	vcmask $0x3B38;
	s12 =	sadd.s32 s2, s3;
	s8 =	sadd.s32 $0xF4280, s24;
	[dreg:$0x4] =	wrdreg s7;
	v4 =	vsel vm12, $0x2180, v4;
	v5 =	vsel vm12, $0x6180, v5  }
0x10: {  	v2 =	vmov s4;
	s26 =	sadd.s32 $0x2DC780, s24;
	s31 =	sadd.s32 $0x400, s24;
	[dreg:$0x5] =	wrdreg s8;
	v4 =	vsel vm13, $0x2200, v4;
	v5 =	vsel vm13, $0x6200, v5  }
0x11: {  	v0 =	vmov s1;
	s11 =	sadd.s32 $0x1E8900, s24;
	s13 =	sadd.s32 $0xF4680, s24;
	[dreg:$0x6] =	wrdreg s26;
	v6 =	vsel vm14, $0x2280, v4;
	v7 =	vsel vm14, $0x6280, v5  }
0x12: {  	s14 =	sadd.s32 $0x2DCB80, s24;
	[dreg:$0x7] =	wrdreg s31;
	s26 =	simm.s32 $0x30;
	v4 =	vimm.s32 $0x0;
	v5 =	vsel vm15, $0x2300, v6;
	v6 =	vsel vm15, $0x6300, v7  }
.LBB2_17:
0x13: {  	s30 =	sadd.s32 $0x1, s30  }
0x14: {  	_ =	swait.ge [sflag:s28], $0x1800;
	p0 =	sne.s32 s30, s16  }
.Ltmp1:
0x15: {  	[sflag:s28] =	ssyncset.done $0x0;
	(pc) =	sbr.rel @!p0 .LBB2_18-.Ltmp1, $4  }
0x16: {  	[sflag:s28] =	ssyncadd.s32 $0xFFFFE800  }
0x17: {  	_ =	swait.ge [sflag:s29], $0x1800  }
0x18: {  	[sflag:s29] =	ssyncset.done $0x0  }
0x19: {  	[sflag:s29] =	ssyncadd.s32 $0xFFFFE800  }
.LBB2_1:
0x1a: {  	s0 =	rddreg [dreg:$0x1]  }
0x1b: {  	[tilespmem:s5], [sflag:$0x5] =	stream.linear.gather [hbm4b:s0+s5], $0x4000, $0x38;
	[tilespmem:$0x18200] =	vst v63  }
0x1c: {  	_ =	swait.ge [sflag:s17], $0x4000  }
0x1d: {  	[sflag:s17] =	ssyncset.done $0x0  }
0x1e: {  	s9 =	simm.s32 $0x5000;
	[sflag:s17] =	ssyncadd.s32 $0xFFFFC000  }
0x1f: {  	[tilespmem:s9], [sflag:$0x1] =	stream.linear.gather [hbm4b:s12+s5], $0x2000, $0x38;
	[tilespmem:$0x18200] =	vst v63  }
0x20: {  	s3 =	simm.s32 $0x7000;
	s10 =	rddreg [dreg:$0x5]  }
0x21: {  	[tilespmem:s3], [sflag:$0x1] =	stream.linear.gather [hbm4b:s10+s5], $0x2000, $0x38;
	[tilespmem:$0x18200] =	vst v63  }
0x22: {  	s19 =	simm.s32 $0x9000;
	s18 =	rddreg [dreg:$0x4]  }
0x23: {  	[tilespmem:s19], [sflag:$0x1] =	stream.linear.gather [hbm4b:s18+s5], $0x2000, $0x38;
	[tilespmem:$0x18200] =	vst v63  }
0x24: {  	s21 =	simm.s32 $0xB000;
	s20 =	rddreg [dreg:$0x6]  }
0x25: {  	[tilespmem:s21], [sflag:$0x1] =	stream.linear.gather [hbm4b:s20+s5], $0x2000, $0x38;
	[tilespmem:$0x18200] =	vst v63  }
0x26: {  	s23 =	simm.s32 $0xD000;
	s22 =	rddreg [dreg:$0x7]  }
0x27: {  	[tilespmem:s23], [sflag:$0x2] =	stream.linear.gather [hbm4b:s22+s5], $0x2000, $0x38;
	[tilespmem:$0x18200] =	vst v63  }
0x28: {  	s24 =	simm.s32 $0xF000  }
0x29: {  	[tilespmem:s24], [sflag:$0x2] =	stream.linear.gather [hbm4b:s13+s5], $0x2000, $0x38;
	[tilespmem:$0x18200] =	vst v63  }
0x2a: {  	s25 =	simm.s32 $0x11000  }
0x2b: {  	[tilespmem:s25], [sflag:$0x2] =	stream.linear.gather [hbm4b:s11+s5], $0x2000, $0x38;
	[tilespmem:$0x18200] =	vst v63  }
0x2c: {  	s31 =	simm.s32 $0x13000  }
0x2d: {  	[tilespmem:s31], [sflag:$0x2] =	stream.linear.gather [hbm4b:s14+s5], $0x2000, $0x38;
	[tilespmem:$0x18200] =	vst v63  }
0x2e: {  	v7 =	vld [tilespmem:s5+$0x0];
	_ =	sdelay $0x4  }
0x2f: {  	v8 =	vshra.s32 v7, $0x7  }
0x30: {  	vm0 =	vge.s32 v8, v0;
	vm1 =	vlt.s32 v8, v1  }
0x31: {  	vm0 =	vmand vm0, vm1  }
0x32: {  	v9 =	vmpcnt.ones.xlane vm0;
	_ =	sdelay $0x1  }
0x33: {  	(v2sf) =	vpush v9, $0x0;
	_ =	sdelay $0x2  }
0x34: {  	v8 =	vor.u32 s5, v3  }
0x35: {  	[tilespmem:s5+$0x4000] =	vst.msk vm0, v8  }
0x36: {  	s0 =	simm.s32 $0x10;
	[tilespmem:s5+$0x4800] =	vst.msk vm0, v7  }
0x37: {  	s4 =	simm.s32 $0x20;
	s7 =	simm.s32 $0x10;
	s3 =	simm.s32 $0x0;
	v7 =	vld [tilespmem:s0+$0x0]  }
.LBB2_2:
0x38: {  	p0 =	sne.s32 s4, $0x3FF0;
	_ =	sdelay $0x3  }
0x39: {  	v8 =	vshra.s32 v7, $0x7  }
0x3a: {  	vm0 =	vge.s32 v8, v0;
	vm1 =	vlt.s32 v8, v1  }
0x3b: {  	vm0 =	vmand vm0, vm1  }
0x3c: {  	v8 =	vmpcnt.ones.xlane vm0  }
0x3d: {  	s8 =	spop (v2sf)  }
0x3e: {  	v9 =	vor.u32 s0, v3;
	s0 =	smov.u32 s4;
	(v2sf) =	vpush v8, $0x0;
	s3 =	sadd.s32 s3, s8  }
0x3f: {  	[tilespmem:s3+$0x4000] =	vst.msk vm0, v9  }
.Ltmp2:
0x40: {  	[tilespmem:s3+$0x4800] =	vst.msk vm0, v7;
	(pc) =	sbr.rel @p0 .LBB2_2-.Ltmp2, $3  }
0x41: {  	_ =	sdelay $0x1  }
0x42: {  	s7 =	sadd.s32 $0x10, s7  }
0x43: {  	s4 =	sadd.s32 $0x10, s4;
	v7 =	vld [tilespmem:s7+$0x0]  }
0x44: {  	_ =	sdelay $0x3  }
0x45: {  	v8 =	vshra.s32 v7, $0x7  }
0x46: {  	vm0 =	vge.s32 v8, v0;
	vm1 =	vlt.s32 v8, v1  }
0x47: {  	vm0 =	vmand vm0, vm1  }
0x48: {  	v8 =	vmpcnt.ones.xlane vm0;
	_ =	sdelay $0x1  }
0x49: {  	(v2sf) =	vpush v8, $0x0;
	_ =	sdelay $0xd  }
0x4a: {  	s4 =	spop (v2sf)  }
0x4b: {  	s3 =	sadd.s32 s3, s4;
	s23 =	spop (v2sf)  }
0x4c: {  	s7 =	sadd.s32 s3, s23  }
0x4d: {  	s4 =	sadd.s32 $0xF, s7  }
0x4e: {  	s8 =	sand.u32 $0xF, s4  }
0x4f: {  	s24 =	sshra.s32 s4, $0x1F;
	p1 =	slt.s32 s4, $0x1;
	p0 =	sne.s32 s8, $0x0  }
.Ltmp3:
0x50: {  	s8 =	sshrl.u32 s24, $0x1C;
	p0 =	por !p1, !p0;
	(pc) =	sbr.rel .LBB2_4-.Ltmp3, $4  }
0x51: {  	s4 =	sadd.s32 s8, s4;
	s8 =	simm.s32 $0x1;
	p0 =	por !p0, !p0  }
0x52: {  	v8 =	vor.u32 s0, v3;
	s25 =	sshra.s32 s4, $0x4;
	s8 =	simm.s32 @!p0 $0x0  }
0x53: {  	s0 =	simm.s32 $0x0;
	[tilespmem:s3+$0x4000] =	vst.msk vm0, v8;
	s31 =	ssub.s32 s25, s8  }
0x54: {  	[tilespmem:s3+$0x4800] =	vst.msk vm0, v7;
	v7 =	vmov s7;
	s4 =	simm.s32 $0x0;
	p0 =	por $0x0, $0x0;
	p1 =	slt.s32 s31, $0x1  }
.LBB2_15:
0x55: {  	_ =	sdelay $0x3  }
0x56: {  	v11 =	vld.idx.msk [tilespmem:v11+s23+$0x0], $0xffff  }
0x57: {  	v12 =	vadd.s32 v5, v9  }
0x58: {  	v62 =	vadd.s32 v6, v9;
	_ =	sdelay $0x1  }
0x59: {  	[tilespmem:s8+$0x280] =	vst v10  }
0x5a: {  	[tilespmem:s8+$0x290] =	vst v11  }
0x5b: {  	v10 =	vld.idx.msk [tilespmem:v12+s23+$0x0], $0xffff  }
0x5c: {  	v9 =	vld.idx.msk [tilespmem:v62+s23+$0x0], $0xffff  }
0x5d: {  	v63 =	vadd.s32 v5, v8  }
0x5e: {  	v8 =	vadd.s32 v6, v8;
	_ =	sdelay $0x1  }
0x5f: {  	[tilespmem:s8+$0x300] =	vst v10  }
0x60: {  	[tilespmem:s8+$0x310] =	vst v9  }
0x61: {  	v9 =	vld.idx.msk [tilespmem:v63+s23+$0x0], $0xffff  }
0x62: {  	v8 =	vld.idx.msk [tilespmem:v8+s23+$0x0], $0xffff;
	_ =	sdelay $0x3  }
0x63: {  	[tilespmem:s8+$0x380] =	vst v9  }
0x64: {  	[tilespmem:s8+$0x390] =	vst v8  }
.LBB2_16:
0x65: {  	p2 =	sgt.u32 s0, $0x1C  }
0x66: {  	s7 =	sadd.s32 @!p2 s20, s15  }
0x67: {  	s7 =	smin.u32 @!p2 s7, $0x1E7D  }
0x68: {  	s7 =	sshll.u32 @!p2 s7, $0x7  }
0x69: {  	s8 =	simm.s32 @!p2 $0x0;
	s7 =	sadd.s32 @!p2 s2, s7  }
0x6a: {  	[tilespmem:s23], [sflag:s19] =	stream.linear.gather @!p2 [hbm4b:s7+s8], $0x2000, $0x38;
	[tilespmem:$0x18200] =	vst v63  }
0x6b: {  	s9 =	sadd.s32 @!p2 $0x7000, s22;
	s10 =	sadd.s32 @!p2 $0xF4280, s7  }
0x6c: {  	[tilespmem:s9], [sflag:s19] =	stream.linear.gather @!p2 [hbm4b:s10+s8], $0x2000, $0x38;
	[tilespmem:$0x18200] =	vst v63  }
0x6d: {  	s9 =	sadd.s32 @!p2 $0x9000, s22;
	s10 =	sadd.s32 @!p2 $0x1E8500, s7  }
0x6e: {  	[tilespmem:s9], [sflag:s19] =	stream.linear.gather @!p2 [hbm4b:s10+s8], $0x2000, $0x38;
	[tilespmem:$0x18200] =	vst v63  }
0x6f: {  	s0 =	sadd.s32 $0x1, s0;
	s7 =	sadd.s32 @!p2 $0x2DC780, s7;
	s9 =	sadd.s32 @!p2 $0xB000, s22  }
0x70: {  	[tilespmem:s9], [sflag:s19] =	stream.linear.gather @!p2 [hbm4b:s7+s8], $0x2000, $0x38;
	[tilespmem:$0x18200] =	vst v63  }
0x71: {  	s23 =	smul.u32 $0x6000, s3;
	p2 =	sne.s32 s0, $0x1F  }
.Ltmp4:
0x72: {  	_ = 	snop;
	(pc) =	sbr.rel @!p2 .LBB2_17-.Ltmp4, $4  }
0x73: {  	_ = 	snop  }
0x74: {  	s24 =	sshrl.u32 s23, $0x2  }
0x75: {  	s25 =	sadd.s32 $0x3, s3;
	p0 =	por !p0, !p0;
	s7 =	sadd.s32 $0x15200, s24  }
0x76: {  	[hbm4b:s6+s26] =	stream.indirect.scatter [tilespmem:s7], [sflag:s25], $0x80, s18, s26, $0xb8;
	[tilespmem:$0x18200] =	vst v63  }
.LBB2_4:
0x77: {  	s3 =	sand.u32 $0x1, s0;
	p2 =	slt.u32 s0, $0x2  }
0x78: {  	s7 =	sadd.s32 @!p2 $0x3, s3  }
0x79: {  	_ =	swait.ge @!p2 [sflag:s7], $0x1800  }
0x7a: {  	[sflag:s7] =	ssyncset.done @!p2 $0x0  }
0x7b: {  	s25 =	sshll.u32 s3, $0x7;
	[sflag:s7] =	ssyncadd.s32 @!p2 $0xFFFFE800  }
0x7c: {  	[tilespmem:s25+$0x15000] =	vst v2  }
0x7d: {  	[tilespmem:s25+$0x15100] =	vst v4  }
0x7e: {  	[tilespmem:s25+$0x15010] =	vst v2  }
0x7f: {  	[tilespmem:s25+$0x15110] =	vst v4  }
.Ltmp5:
0x80: {  	[tilespmem:s25+$0x15020] =	vst v2;
	(pc) =	sbr.rel @p1 .LBB2_5-.Ltmp5, $4  }
0x81: {  	s19 =	sadd.s32 $0x1, s3;
	[tilespmem:s25+$0x15120] =	vst v4  }
0x82: {  	_ =	swait.ge [sflag:s19], $0x8000  }
0x83: {  	s20 =	sshll.u32 s0, $0x3;
	[sflag:s19] =	ssyncset.done $0x0  }
0x84: {  	s18 =	sor.u32 $0x15000, s25;
	s21 =	sor.u32 $0x15100, s25;
	[sflag:s19] =	ssyncadd.s32 $0xFFFF8000  }
0x85: {  	p3 =	sne.s32 s31, $0x1  }
.Ltmp6:
0x86: {  	_ = 	snop;
	(pc) =	sbr.rel @!p3 .LBB2_7-.Ltmp6, $4  }
0x87: {  	s7 =	sadd.s32 s1, s20  }
0x88: {  	s7 =	smin.u32 s7, $0x1E7D  }
0x89: {  	s8 =	simm.s32 $0x4800;
	s7 =	sshll.u32 s7, $0x7  }
0x8a: {  	v9 =	vmov s18;
	v8 =	vmov s21;
	p2 =	por $0x0, $0x0;
	v11 =	vld [tilespmem:s8+$0x0];
	s8 =	sadd.s32 $0xFFFFFFFF, s31;
	v10 =	vmov s7;
	s7 =	simm.s32 $0x4000  }
0x8b: {  	_ =	sdelay $0x3  }
0x8c: {  	v12 =	vor.u32 s4, v3;
	v11 =	vsub.s32 v11, v10  }
0x8d: {  	vm1 =	vlt.s32 v12, v7;
	vm0 =	vlt.u32 v11, $0x400  }
0x8e: {  	vm0 =	vmand vm1, vm0  }
0x8f: {  	v13 =	vmpcnt.ones.xlane vm0  }
0x90: {  	v63 =	vld [tilespmem:s7+$0x0]  }
0x91: {  	(v2sf) =	vpush v13, $0x0  }
0x92: {  	p3 =	sne.s32 s8, $0x1  }
.Ltmp7:
0x93: {  	_ = 	snop;
	(pc) =	sbr.rel @!p3 .LBB2_9-.Ltmp7, $4  }
0x94: {  	_ = 	snop  }
0x95: {  	[tilespmem:v9+s4+$0x0 ss:$0x1] =	vst.idx.msk vm0, v63  }
0x96: {  	s24 =	simm.s32 $0x4810;
	s25 =	sadd.s32 $0xFFFFFFFF, s8;
	p2 =	por $0x1, $0x1;
	[tilespmem:v8+s4+$0x0 ss:$0x1] =	vst.idx.msk vm0, v11  }
0x97: {  	s23 =	simm.s32 $0x0;
	s8 =	simm.s32 $0x4000;
	s22 =	simm.s32 $0x0;
	v11 =	vld [tilespmem:s24+$0x0]  }
.LBB2_10:
0x98: {  	p3 =	sne.s32 s25, $0x1;
	_ =	sdelay $0x2  }
0x99: {  	s23 =	sadd.s32 $0x10, s23  }
0x9a: {  	v12 =	vor.u32 s23, v3;
	v11 =	vsub.s32 v11, v10  }
0x9b: {  	vm1 =	vlt.s32 v12, v7;
	vm0 =	vlt.u32 v11, $0x400  }
0x9c: {  	s8 =	sadd.s32 $0x10, s8;
	vm0 =	vmand vm1, vm0  }
0x9d: {  	v12 =	vld [tilespmem:s8+$0x0];
	v13 =	vmpcnt.ones.xlane vm0  }
0x9e: {  	s9 =	spop (v2sf)  }
0x9f: {  	(v2sf) =	vpush v13, $0x0;
	s22 =	sadd.s32 s22, s9;
	_ =	sdelay $0x1  }
.Ltmp8:
0xa0: {  	(pc) =	sbr.rel @p3 .LBB2_10-.Ltmp8, $4  }
0xa1: {  	[tilespmem:v9+s22+$0x0 ss:$0x1] =	vst.idx.msk vm0, v12  }
0xa2: {  	[tilespmem:v8+s22+$0x0 ss:$0x1] =	vst.idx.msk vm0, v11  }
0xa3: {  	s24 =	sadd.s32 $0x10, s24  }
0xa4: {  	s25 =	sadd.s32 $0xFFFFFFFF, s25;
	v11 =	vld [tilespmem:s24+$0x0]  }
.LBB2_11:
0xa5: {  	_ =	sdelay $0x1  }
0xa6: {  	s9 =	sadd.s32 @p2 $0x10, s23;
	s23 =	simm.s32 $0x0  }
0xa7: {  	s23 =	smov.u32 @p2 s9  }
0xa8: {  	v61 =	vor.u32 s23, v3;
	v10 =	vsub.s32 v11, v10  }
0xa9: {  	vm1 =	vlt.s32 v61, v7;
	vm0 =	vlt.u32 v10, $0x400  }
0xaa: {  	vm0 =	vmand vm1, vm0  }
0xab: {  	v62 =	vmpcnt.ones.xlane vm0;
	_ =	sdelay $0x1  }
0xac: {  	(v2sf) =	vpush v62, $0x0;
	_ =	sdelay $0x8  }
0xad: {  	s8 =	sadd.s32 @p2 $0x10, s8  }
0xae: {  	s7 =	smov.u32 @p2 s8  }
0xaf: {  	v63 =	vld [tilespmem:s7+$0x0];
	_ =	sdelay $0x1  }
.Ltmp9:
0xb0: {  	s7 =	spop @p2 (v2sf);
	(pc) =	sbr.rel .LBB2_12-.Ltmp9, $4  }
0xb1: {  	s8 =	simm.s32 $0x0;
	s7 =	sadd.s32 @p2 s22, s7  }
0xb2: {  	s8 =	smov.u32 @p2 s7;
	s25 =	spop (v2sf)  }
0xb3: {  	[tilespmem:v9+s8+$0x0 ss:$0x1] =	vst.idx.msk vm0, v63;
	s7 =	sadd.s32 s8, s25  }
0xb4: {  	[tilespmem:v8+s8+$0x0 ss:$0x1] =	vst.idx.msk vm0, v10;
	s7 =	sadd.s32 $0xF, s7  }
.LBB2_5:
0xb5: {  	s7 =	simm.s32 $0xF  }
.LBB2_12:
0xb6: {  	s8 =	sand.u32 $0xF, s7  }
0xb7: {  	s9 =	sshra.s32 s7, $0x1F;
	p2 =	slt.s32 s7, $0x1;
	p3 =	sne.s32 s8, $0x0  }
0xb8: {  	s24 =	sshrl.u32 s9, $0x1C;
	p2 =	por !p2, !p3  }
0xb9: {  	s8 =	simm.s32 $0x1;
	s25 =	sadd.s32 s24, s7;
	p2 =	por !p2, !p2  }
0xba: {  	s7 =	sshra.s32 s25, $0x4;
	s8 =	simm.s32 @!p2 $0x0  }
0xbb: {  	s7 =	ssub.s32 s7, s8  }
0xbc: {  	p2 =	slt.s32 s7, $0x1  }
.Ltmp10:
0xbd: {  	_ = 	snop;
	(pc) =	sbr.rel @p2 .LBB2_16-.Ltmp10, $3  }
0xbe: {  	_ =	sdelay $0x1  }
0xbf: {  	s22 =	sshll.u32 s3, $0xF  }
0xc0: {  	s23 =	sor.u32 $0x5000, s22  }
0xc1: {  	s24 =	simm.s32 $0x0  }
0xc2: {  	s8 =	sand.u32 $0xFFFFFF80, s24  }
0xc3: {  	s9 =	sand.u32 $0x70, s24;
	s8 =	sadd.s32 s8, s21  }
0xc4: {  	s8 =	sadd.s32 s9, s8  }
0xc5: {  	v8 =	vld [tilespmem:s8+$0x0];
	_ =	sdelay $0x4  }
0xc6: {  	v9 =	vbroadcast v8, $0x0;
	_ =	sdelay $0x1  }
0xc7: {  	v10 =	vshll.u32 v9, $0x3  }
0xc8: {  	v9 =	vand.u32 $0x7F, v9;
	v10 =	vand.u32 $0xFFFFFC00, v10  }
0xc9: {  	v9 =	vor.u32 v9, v10  }
0xca: {  	v10 =	vadd.s32 v5, v9  }
0xcb: {  	v9 =	vadd.s32 v6, v9  }
0xcc: {  	v11 =	vbroadcast v8, $0x1;
	_ =	sdelay $0x1  }
0xcd: {  	s8 =	simm.s32 $0x1;
	v12 =	vshll.u32 v11, $0x3  }
0xce: {  	s8 =	simm.s32 @!p0 $0x0;
	v11 =	vand.u32 $0x7F, v11;
	v12 =	vand.u32 $0xFFFFFC00, v12;
	v10 =	vld.idx.msk [tilespmem:v10+s23+$0x0], $0xffff  }
0xcf: {  	s8 =	smul.u32 $0x6000, s8;
	v11 =	vor.u32 v11, v12;
	v9 =	vld.idx.msk [tilespmem:v9+s23+$0x0], $0xffff  }
0xd0: {  	v12 =	vadd.s32 v5, v11  }
0xd1: {  	s8 =	sshrl.u32 s8, $0x2;
	v11 =	vadd.s32 v6, v11  }
0xd2: {  	s8 =	sadd.s32 $0x15600, s8;
	v13 =	vbroadcast v8, $0x2  }
0xd3: {  	[tilespmem:s8+$0xFFFFFC00] =	vst v10  }
0xd4: {  	v10 =	vshll.u32 v13, $0x3;
	[tilespmem:s8+$0xFFFFFC10] =	vst v9  }
0xd5: {  	v9 =	vand.u32 $0x7F, v13;
	v10 =	vand.u32 $0xFFFFFC00, v10;
	v12 =	vld.idx.msk [tilespmem:v12+s23+$0x0], $0xffff  }
0xd6: {  	v9 =	vor.u32 v9, v10;
	v10 =	vld.idx.msk [tilespmem:v11+s23+$0x0], $0xffff  }
0xd7: {  	v11 =	vadd.s32 v5, v9  }
0xd8: {  	v9 =	vadd.s32 v6, v9  }
0xd9: {  	v45 =	vbroadcast v8, $0x3  }
0xda: {  	[tilespmem:s8+$0xFFFFFC80] =	vst v12  }
0xdb: {  	v46 =	vshll.u32 v45, $0x3;
	[tilespmem:s8+$0xFFFFFC90] =	vst v10  }
0xdc: {  	v12 =	vand.u32 $0xFFFFFC00, v46;
	v10 =	vand.u32 $0x7F, v45;
	v11 =	vld.idx.msk [tilespmem:v11+s23+$0x0], $0xffff  }
0xdd: {  	v10 =	vor.u32 v10, v12;
	v9 =	vld.idx.msk [tilespmem:v9+s23+$0x0], $0xffff  }
0xde: {  	v12 =	vadd.s32 v5, v10  }
0xdf: {  	v10 =	vadd.s32 v6, v10  }
0xe0: {  	v47 =	vbroadcast v8, $0x4  }
0xe1: {  	[tilespmem:s8+$0xFFFFFD00] =	vst v11  }
0xe2: {  	v11 =	vshll.u32 v47, $0x3;
	[tilespmem:s8+$0xFFFFFD10] =	vst v9  }
0xe3: {  	v9 =	vand.u32 $0x7F, v47;
	v11 =	vand.u32 $0xFFFFFC00, v11;
	v12 =	vld.idx.msk [tilespmem:v12+s23+$0x0], $0xffff  }
0xe4: {  	v10 =	vld.idx.msk [tilespmem:v10+s23+$0x0], $0xffff;
	v9 =	vor.u32 v9, v11  }
0xe5: {  	v11 =	vadd.s32 v5, v9  }
0xe6: {  	v9 =	vadd.s32 v6, v9  }
0xe7: {  	v48 =	vbroadcast v8, $0x5  }
0xe8: {  	[tilespmem:s8+$0xFFFFFD80] =	vst v12  }
0xe9: {  	v49 =	vshll.u32 v48, $0x3;
	[tilespmem:s8+$0xFFFFFD90] =	vst v10  }
0xea: {  	v10 =	vand.u32 $0x7F, v48;
	v12 =	vand.u32 $0xFFFFFC00, v49;
	v11 =	vld.idx.msk [tilespmem:v11+s23+$0x0], $0xffff  }
0xeb: {  	v10 =	vor.u32 v10, v12;
	v9 =	vld.idx.msk [tilespmem:v9+s23+$0x0], $0xffff  }
0xec: {  	v12 =	vadd.s32 v5, v10  }
0xed: {  	v10 =	vadd.s32 v6, v10  }
0xee: {  	v50 =	vbroadcast v8, $0x6  }
0xef: {  	[tilespmem:s8+$0xFFFFFE00] =	vst v11  }
0xf0: {  	v11 =	vshll.u32 v50, $0x3;
	[tilespmem:s8+$0xFFFFFE10] =	vst v9  }
0xf1: {  	v9 =	vand.u32 $0x7F, v50;
	v11 =	vand.u32 $0xFFFFFC00, v11;
	v12 =	vld.idx.msk [tilespmem:v12+s23+$0x0], $0xffff  }
0xf2: {  	v10 =	vld.idx.msk [tilespmem:v10+s23+$0x0], $0xffff;
	v9 =	vor.u32 v9, v11  }
0xf3: {  	v11 =	vadd.s32 v5, v9  }
0xf4: {  	v9 =	vadd.s32 v6, v9  }
0xf5: {  	v51 =	vbroadcast v8, $0x7  }
0xf6: {  	[tilespmem:s8+$0xFFFFFE80] =	vst v12  }
0xf7: {  	v52 =	vshll.u32 v51, $0x3;
	[tilespmem:s8+$0xFFFFFE90] =	vst v10  }
0xf8: {  	v10 =	vand.u32 $0x7F, v51;
	v12 =	vand.u32 $0xFFFFFC00, v52;
	v11 =	vld.idx.msk [tilespmem:v11+s23+$0x0], $0xffff  }
0xf9: {  	v10 =	vor.u32 v10, v12;
	v9 =	vld.idx.msk [tilespmem:v9+s23+$0x0], $0xffff  }
0xfa: {  	v12 =	vadd.s32 v5, v10  }
0xfb: {  	v10 =	vadd.s32 v6, v10  }
0xfc: {  	v53 =	vbroadcast v8, $0x8  }
0xfd: {  	[tilespmem:s8+$0xFFFFFF00] =	vst v11  }
0xfe: {  	v11 =	vshll.u32 v53, $0x3;
	[tilespmem:s8+$0xFFFFFF10] =	vst v9  }
0xff: {  	v9 =	vand.u32 $0x7F, v53;
	v11 =	vand.u32 $0xFFFFFC00, v11;
	v12 =	vld.idx.msk [tilespmem:v12+s23+$0x0], $0xffff  }
0x100: {  	v10 =	vld.idx.msk [tilespmem:v10+s23+$0x0], $0xffff;
	v9 =	vor.u32 v9, v11  }
0x101: {  	v11 =	vadd.s32 v5, v9  }
0x102: {  	v9 =	vadd.s32 v6, v9  }
0x103: {  	v54 =	vbroadcast v8, $0x9  }
0x104: {  	[tilespmem:s8+$0xFFFFFF80] =	vst v12  }
0x105: {  	v55 =	vshll.u32 v54, $0x3;
	[tilespmem:s8+$0xFFFFFF90] =	vst v10  }
0x106: {  	v10 =	vand.u32 $0x7F, v54;
	v12 =	vand.u32 $0xFFFFFC00, v55;
	v11 =	vld.idx.msk [tilespmem:v11+s23+$0x0], $0xffff  }
0x107: {  	v10 =	vor.u32 v10, v12;
	v9 =	vld.idx.msk [tilespmem:v9+s23+$0x0], $0xffff  }
0x108: {  	v12 =	vadd.s32 v5, v10  }
0x109: {  	v10 =	vadd.s32 v6, v10  }
0x10a: {  	v56 =	vbroadcast v8, $0xA  }
0x10b: {  	[tilespmem:s8+$0x0] =	vst v11  }
0x10c: {  	v11 =	vshll.u32 v56, $0x3;
	[tilespmem:s8+$0x10] =	vst v9  }
0x10d: {  	v9 =	vand.u32 $0x7F, v56;
	v11 =	vand.u32 $0xFFFFFC00, v11;
	v12 =	vld.idx.msk [tilespmem:v12+s23+$0x0], $0xffff  }
0x10e: {  	v10 =	vld.idx.msk [tilespmem:v10+s23+$0x0], $0xffff;
	v9 =	vor.u32 v9, v11  }
0x10f: {  	v11 =	vadd.s32 v5, v9  }
0x110: {  	v9 =	vadd.s32 v6, v9  }
0x111: {  	v57 =	vbroadcast v8, $0xB  }
0x112: {  	[tilespmem:s8+$0x80] =	vst v12  }
0x113: {  	v58 =	vshll.u32 v57, $0x3;
	[tilespmem:s8+$0x90] =	vst v10  }
0x114: {  	v10 =	vand.u32 $0x7F, v57;
	v12 =	vand.u32 $0xFFFFFC00, v58;
	v11 =	vld.idx.msk [tilespmem:v11+s23+$0x0], $0xffff  }
0x115: {  	v10 =	vor.u32 v10, v12;
	v9 =	vld.idx.msk [tilespmem:v9+s23+$0x0], $0xffff  }
0x116: {  	v12 =	vadd.s32 v5, v10  }
0x117: {  	v10 =	vadd.s32 v6, v10  }
0x118: {  	v59 =	vbroadcast v8, $0xC  }
0x119: {  	[tilespmem:s8+$0x100] =	vst v11  }
0x11a: {  	v11 =	vshll.u32 v59, $0x3;
	[tilespmem:s8+$0x110] =	vst v9  }
0x11b: {  	v9 =	vand.u32 $0x7F, v59;
	v11 =	vand.u32 $0xFFFFFC00, v11;
	v12 =	vld.idx.msk [tilespmem:v12+s23+$0x0], $0xffff  }
0x11c: {  	v10 =	vld.idx.msk [tilespmem:v10+s23+$0x0], $0xffff;
	v9 =	vor.u32 v9, v11  }
0x11d: {  	v11 =	vadd.s32 v5, v9  }
0x11e: {  	v9 =	vadd.s32 v6, v9;
	_ =	sdelay $0x1  }
0x11f: {  	[tilespmem:s8+$0x180] =	vst v12  }
0x120: {  	[tilespmem:s8+$0x190] =	vst v10  }
0x121: {  	v60 =	vbroadcast v8, $0xD;
	v11 =	vld.idx.msk [tilespmem:v11+s23+$0x0], $0xffff  }
0x122: {  	v9 =	vld.idx.msk [tilespmem:v9+s23+$0x0], $0xffff  }
0x123: {  	v62 =	vbroadcast v8, $0xE;
	v61 =	vshll.u32 v60, $0x3  }
0x124: {  	v10 =	vand.u32 $0x7F, v60;
	v12 =	vand.u32 $0xFFFFFC00, v61  }
0x125: {  	v14 =	vshll.u32 v62, $0x3;
	v10 =	vor.u32 v10, v12  }
0x126: {  	p2 =	sne.s32 s7, $0x1;
	v13 =	vand.u32 $0x7F, v62;
	v12 =	vadd.s32 v5, v10;
	[tilespmem:s8+$0x200] =	vst v11;
	v11 =	vand.u32 $0xFFFFFC00, v14  }
.Ltmp11:
0x127: {  	v8 =	vbroadcast v8, $0xF;
	[tilespmem:s8+$0x210] =	vst v9;
	v9 =	vor.u32 v13, v11;
	v11 =	vadd.s32 v6, v10;
	(pc) =	sbr.rel @!p2 .LBB2_15-.Ltmp11, $4  }
0x128: {  	_ = 	snop  }
0x129: {  	v15 =	vshll.u32 v8, $0x3  }
0x12a: {  	v8 =	vand.u32 $0x7F, v8;
	v63 =	vand.u32 $0xFFFFFC00, v15  }
0x12b: {  	s7 =	sadd.s32 $0xFFFFFFFF, s7;
	s25 =	smov.u32 s8;
	v8 =	vor.u32 v8, v63;
	v10 =	vld.idx.msk [tilespmem:v12+s23+$0x0], $0xffff  }
.LBB2_14:
0x12c: {  	p2 =	sne.s32 s7, $0x1;
	v11 =	vld.idx.msk [tilespmem:v11+s23+$0x0], $0xffff;
	s24 =	sadd.s32 $0x10, s24;
	s25 =	sadd.s32 $0x800, s25  }
0x12d: {  	s7 =	sadd.s32 $0xFFFFFFFF, s7  }
0x12e: {  	v12 =	vadd.s32 v5, v9  }
0x12f: {  	v9 =	vadd.s32 v6, v9;
	_ =	sdelay $0x1  }
0x130: {  	[tilespmem:s8+$0x280] =	vst v10  }
0x131: {  	[tilespmem:s8+$0x290] =	vst v11  }
0x132: {  	v10 =	vld.idx.msk [tilespmem:v12+s23+$0x0], $0xffff  }
0x133: {  	v9 =	vld.idx.msk [tilespmem:v9+s23+$0x0], $0xffff;
	_ =	sdelay $0x1  }
0x134: {  	v11 =	vadd.s32 v5, v8;
	v8 =	vadd.s32 v6, v8;
	_ =	sdelay $0x2  }
0x135: {  	[tilespmem:s8+$0x300] =	vst v10  }
0x136: {  	s9 =	sand.u32 $0xFFFFFF80, s24;
	[tilespmem:s8+$0x310] =	vst v9  }
0x137: {  	s10 =	sand.u32 $0x70, s24;
	s9 =	sadd.s32 s9, s21;
	v9 =	vld.idx.msk [tilespmem:v11+s23+$0x0], $0xffff  }
0x138: {  	s9 =	sadd.s32 s10, s9;
	v8 =	vld.idx.msk [tilespmem:v8+s23+$0x0], $0xffff;
	_ =	sdelay $0x4  }
0x139: {  	[tilespmem:s8+$0x380] =	vst v9  }
0x13a: {  	[tilespmem:s8+$0x390] =	vst v8;
	s8 =	smov.u32 s25  }
0x13b: {  	v8 =	vld [tilespmem:s9+$0x0];
	_ =	sdelay $0x4  }
0x13c: {  	v9 =	vbroadcast v8, $0x0;
	v10 =	vbroadcast v8, $0x2  }
0x13d: {  	v11 =	vbroadcast v8, $0x1;
	v12 =	vbroadcast v8, $0x3  }
0x13e: {  	v15 =	vbroadcast v8, $0x4;
	v13 =	vshll.u32 v9, $0x3;
	v14 =	vshll.u32 v10, $0x3  }
0x13f: {  	v9 =	vand.u32 $0x7F, v9;
	v16 =	vand.u32 $0x7F, v11;
	v13 =	vand.u32 $0xFFFFFC00, v13  }
0x140: {  	v11 =	vshll.u32 v11, $0x3;
	v9 =	vor.u32 v9, v13;
	v13 =	vand.u32 $0x7F, v15  }
0x141: {  	v11 =	vand.u32 $0xFFFFFC00, v11;
	v17 =	vadd.s32 v5, v9;
	v9 =	vadd.s32 v6, v9  }
0x142: {  	v11 =	vor.u32 v16, v11;
	v16 =	vshll.u32 v12, $0x3;
	v15 =	vshll.u32 v15, $0x3  }
0x143: {  	v12 =	vand.u32 $0x7F, v12;
	v16 =	vand.u32 $0xFFFFFC00, v16;
	v15 =	vand.u32 $0xFFFFFC00, v15  }
0x144: {  	v16 =	vor.u32 v12, v16;
	v15 =	vor.u32 v13, v15;
	v12 =	vbroadcast v8, $0x5  }
0x145: {  	v18 =	vbroadcast v8, $0x7;
	v13 =	vbroadcast v8, $0x6  }
0x146: {  	v20 =	vbroadcast v8, $0x8;
	v21 =	vbroadcast v8, $0x9;
	v19 =	vshll.u32 v12, $0x3;
	v17 =	vld.idx.msk [tilespmem:v17+s23+$0x0], $0xffff  }
0x147: {  	v12 =	vand.u32 $0x7F, v12;
	v22 =	vshll.u32 v13, $0x3;
	v19 =	vand.u32 $0xFFFFFC00, v19;
	v9 =	vld.idx.msk [tilespmem:v9+s23+$0x0], $0xffff  }
0x148: {  	v19 =	vor.u32 v12, v19;
	v12 =	vand.u32 $0x7F, v13;
	v13 =	vand.u32 $0xFFFFFC00, v22  }
0x149: {  	v10 =	vand.u32 $0x7F, v10;
	v14 =	vand.u32 $0xFFFFFC00, v14;
	v22 =	vadd.s32 v5, v11  }
0x14a: {  	v10 =	vor.u32 v10, v14;
	v11 =	vadd.s32 v6, v11;
	v14 =	vor.u32 v12, v13  }
0x14b: {  	v23 =	vadd.s32 v5, v10;
	v10 =	vadd.s32 v6, v10;
	v12 =	vshll.u32 v18, $0x3  }
0x14c: {  	v13 =	vand.u32 $0x7F, v18;
	v12 =	vand.u32 $0xFFFFFC00, v12;
	[tilespmem:s25+$0xFFFFFC00] =	vst v17;
	v17 =	vshll.u32 v20, $0x3  }
0x14d: {  	v18 =	vor.u32 v13, v12;
	[tilespmem:s25+$0xFFFFFC10] =	vst v9;
	v9 =	vand.u32 $0x7F, v20;
	v12 =	vand.u32 $0xFFFFFC00, v17  }
0x14e: {  	v17 =	vld.idx.msk [tilespmem:v22+s23+$0x0], $0xffff;
	v20 =	vor.u32 v9, v12;
	v9 =	vshll.u32 v21, $0x3;
	v12 =	vbroadcast v8, $0xA  }
0x14f: {  	v13 =	vand.u32 $0x7F, v21;
	v21 =	vbroadcast v8, $0xB;
	v11 =	vld.idx.msk [tilespmem:v11+s23+$0x0], $0xffff;
	v9 =	vand.u32 $0xFFFFFC00, v9  }
0x150: {  	v24 =	vbroadcast v8, $0xC;
	v22 =	vor.u32 v13, v9;
	v9 =	vshll.u32 v12, $0x3  }
0x151: {  	v12 =	vand.u32 $0x7F, v12;
	v25 =	vshll.u32 v21, $0x3;
	v9 =	vand.u32 $0xFFFFFC00, v9  }
0x152: {  	v13 =	vor.u32 v12, v9;
	v9 =	vand.u32 $0x7F, v21;
	v12 =	vand.u32 $0xFFFFFC00, v25  }
0x153: {  	v21 =	vbroadcast v8, $0xD;
	v12 =	vor.u32 v9, v12;
	v9 =	vshll.u32 v24, $0x3  }
0x154: {  	[tilespmem:s25+$0xFFFFFC80] =	vst v17;
	v17 =	vand.u32 $0x7F, v24;
	v9 =	vand.u32 $0xFFFFFC00, v9;
	v24 =	vbroadcast v8, $0xE  }
0x155: {  	v8 =	vbroadcast v8, $0xF;
	[tilespmem:s25+$0xFFFFFC90] =	vst v11;
	v11 =	vor.u32 v17, v9;
	v9 =	vshll.u32 v21, $0x3  }
0x156: {  	v21 =	vand.u32 $0x7F, v21;
	v17 =	vld.idx.msk [tilespmem:v23+s23+$0x0], $0xffff;
	v9 =	vand.u32 $0xFFFFFC00, v9;
	v23 =	vshll.u32 v24, $0x3  }
0x157: {  	v25 =	vld.idx.msk [tilespmem:v10+s23+$0x0], $0xffff;
	v10 =	vor.u32 v21, v9;
	v9 =	vand.u32 $0x7F, v24;
	v21 =	vand.u32 $0xFFFFFC00, v23  }
0x158: {  	v9 =	vor.u32 v9, v21;
	v21 =	vshll.u32 v8, $0x3  }
0x159: {  	v23 =	vadd.s32 v5, v16;
	v8 =	vand.u32 $0x7F, v8;
	v21 =	vand.u32 $0xFFFFFC00, v21  }
0x15a: {  	v16 =	vadd.s32 v6, v16;
	v8 =	vor.u32 v8, v21;
	_ =	sdelay $0x1  }
0x15b: {  	[tilespmem:s25+$0xFFFFFD00] =	vst v17  }
0x15c: {  	[tilespmem:s25+$0xFFFFFD10] =	vst v25  }
0x15d: {  	v17 =	vld.idx.msk [tilespmem:v23+s23+$0x0], $0xffff  }
0x15e: {  	v16 =	vld.idx.msk [tilespmem:v16+s23+$0x0], $0xffff;
	_ =	sdelay $0x1  }
0x15f: {  	v21 =	vadd.s32 v5, v15  }
0x160: {  	v15 =	vadd.s32 v6, v15;
	_ =	sdelay $0x1  }
0x161: {  	[tilespmem:s25+$0xFFFFFD80] =	vst v17  }
0x162: {  	[tilespmem:s25+$0xFFFFFD90] =	vst v16  }
0x163: {  	v16 =	vld.idx.msk [tilespmem:v21+s23+$0x0], $0xffff  }
0x164: {  	v15 =	vld.idx.msk [tilespmem:v15+s23+$0x0], $0xffff;
	_ =	sdelay $0x1  }
0x165: {  	v17 =	vadd.s32 v5, v19  }
0x166: {  	v19 =	vadd.s32 v6, v19;
	_ =	sdelay $0x1  }
0x167: {  	[tilespmem:s25+$0xFFFFFE00] =	vst v16  }
0x168: {  	[tilespmem:s25+$0xFFFFFE10] =	vst v15  }
0x169: {  	v15 =	vld.idx.msk [tilespmem:v17+s23+$0x0], $0xffff  }
0x16a: {  	v16 =	vld.idx.msk [tilespmem:v19+s23+$0x0], $0xffff;
	_ =	sdelay $0x1  }
0x16b: {  	v17 =	vadd.s32 v5, v14  }
0x16c: {  	v14 =	vadd.s32 v6, v14;
	_ =	sdelay $0x1  }
0x16d: {  	[tilespmem:s25+$0xFFFFFE80] =	vst v15  }
0x16e: {  	[tilespmem:s25+$0xFFFFFE90] =	vst v16  }
0x16f: {  	v15 =	vld.idx.msk [tilespmem:v17+s23+$0x0], $0xffff  }
0x170: {  	v14 =	vld.idx.msk [tilespmem:v14+s23+$0x0], $0xffff;
	_ =	sdelay $0x1  }
0x171: {  	v16 =	vadd.s32 v5, v18  }
0x172: {  	v17 =	vadd.s32 v6, v18;
	_ =	sdelay $0x1  }
0x173: {  	[tilespmem:s25+$0xFFFFFF00] =	vst v15  }
0x174: {  	[tilespmem:s25+$0xFFFFFF10] =	vst v14  }
0x175: {  	v14 =	vld.idx.msk [tilespmem:v16+s23+$0x0], $0xffff  }
0x176: {  	v15 =	vld.idx.msk [tilespmem:v17+s23+$0x0], $0xffff;
	_ =	sdelay $0x1  }
0x177: {  	v16 =	vadd.s32 v5, v20  }
0x178: {  	v17 =	vadd.s32 v6, v20;
	_ =	sdelay $0x1  }
0x179: {  	[tilespmem:s25+$0xFFFFFF80] =	vst v14  }
0x17a: {  	[tilespmem:s25+$0xFFFFFF90] =	vst v15  }
0x17b: {  	v14 =	vld.idx.msk [tilespmem:v16+s23+$0x0], $0xffff  }
0x17c: {  	v15 =	vld.idx.msk [tilespmem:v17+s23+$0x0], $0xffff;
	_ =	sdelay $0x1  }
0x17d: {  	v16 =	vadd.s32 v5, v22  }
0x17e: {  	v17 =	vadd.s32 v6, v22;
	_ =	sdelay $0x1  }
0x17f: {  	[tilespmem:s25+$0x0] =	vst v14  }
0x180: {  	[tilespmem:s25+$0x10] =	vst v15  }
0x181: {  	v14 =	vld.idx.msk [tilespmem:v16+s23+$0x0], $0xffff  }
0x182: {  	v15 =	vld.idx.msk [tilespmem:v17+s23+$0x0], $0xffff;
	_ =	sdelay $0x1  }
0x183: {  	v16 =	vadd.s32 v5, v13  }
0x184: {  	v13 =	vadd.s32 v6, v13;
	_ =	sdelay $0x1  }
0x185: {  	[tilespmem:s25+$0x80] =	vst v14  }
0x186: {  	[tilespmem:s25+$0x90] =	vst v15  }
0x187: {  	v14 =	vld.idx.msk [tilespmem:v16+s23+$0x0], $0xffff  }
0x188: {  	v13 =	vld.idx.msk [tilespmem:v13+s23+$0x0], $0xffff;
	_ =	sdelay $0x1  }
0x189: {  	v15 =	vadd.s32 v5, v12  }
0x18a: {  	v12 =	vadd.s32 v6, v12;
	_ =	sdelay $0x1  }
0x18b: {  	[tilespmem:s25+$0x100] =	vst v14  }
0x18c: {  	[tilespmem:s25+$0x110] =	vst v13  }
0x18d: {  	v13 =	vld.idx.msk [tilespmem:v15+s23+$0x0], $0xffff  }
0x18e: {  	v12 =	vld.idx.msk [tilespmem:v12+s23+$0x0], $0xffff;
	_ =	sdelay $0x1  }
0x18f: {  	v14 =	vadd.s32 v5, v11  }
0x190: {  	v11 =	vadd.s32 v6, v11;
	_ =	sdelay $0x1  }
0x191: {  	[tilespmem:s25+$0x180] =	vst v13  }
0x192: {  	[tilespmem:s25+$0x190] =	vst v12  }
0x193: {  	v12 =	vld.idx.msk [tilespmem:v14+s23+$0x0], $0xffff  }
0x194: {  	v13 =	vld.idx.msk [tilespmem:v11+s23+$0x0], $0xffff;
	_ =	sdelay $0x1  }
0x195: {  	v14 =	vadd.s32 v5, v10  }
.Ltmp12:
0x196: {  	v11 =	vadd.s32 v6, v10;
	(pc) =	sbr.rel @p2 .LBB2_14-.Ltmp12, $4  }
0x197: {  	_ = 	snop  }
0x198: {  	[tilespmem:s25+$0x200] =	vst v12  }
0x199: {  	[tilespmem:s25+$0x210] =	vst v13  }
0x19a: {  	v10 =	vld.idx.msk [tilespmem:v14+s23+$0x0], $0xffff  }
.Ltmp13:
0x19b: {  	_ = 	snop;
	(pc) =	sbr.rel .LBB2_15-.Ltmp13, $1  }
0x19c: {  	_ =	sdelay $0x3  }
.LBB2_7:
.Ltmp14:
0x19d: {  	(pc) =	sbr.rel .LBB2_11-.Ltmp14, $2  }
0x19e: {  	_ =	sdelay $0x2  }
0x19f: {  	s23 =	simm.s32 $0x0;
	s8 =	simm.s32 $0x4000;
	s22 =	simm.s32 $0x0  }
.LBB2_9:
.Ltmp15:
0x1a0: {  	(pc) =	sbr.rel .LBB2_11-.Ltmp15, $2  }
0x1a1: {  	_ =	sdelay $0x2  }
0x1a2: {  	s23 =	simm.s32 $0x0;
	s8 =	simm.s32 $0x4000;
	s22 =	simm.s32 $0x0  }
.LBB2_18:
0x1a3: {  	_ =	sfence.sel $0x180000  }
0x1a4: {  	[bflag:$0x0] =	sbarrier.arrive $0xFFFF  }
0x1a5: {  	_ =	strace $0x90000047  }
0x1a6: {  	s0 =	stileid.u32;
	[bflag:$0x2] =	sbarrier.arrive $0xFFFF  }
0x1a7: {  	p0 =	sne.s32 s0, $0x0;
	s0 =	rddreg [dreg:$0x3]  }
0x1a8: {  	s0 =	sadd.s32 @!p0 $0x100000, s0  }
0x1a9: {  	[sflag:s0] =	ssyncadd.tile.s32 @!p0 $0x1;
	_ =	shalt  }
.Lfunc_end2:
_tile_overlayer_lowered:
.L_overlay_start_2:
0x1aa: {  	(tag) =	ssettag $0x2  }
0x1ab: {  	s0 =	rddreg [dreg:$0x0];
	s2 =	stileid.u32  }
0x1ac: {  	s1 =	rddreg [dreg:$0x1];
	p0 =	sne.s32 s2, $0x0  }
0x1ad: {  	s3 =	rddreg [dreg:$0x2];
	[bflag:$0x3] =	sbarrier.arrive $0xFFFF;
	s2 =	simm.s32 @!p0 $0x1C05  }
0x1ae: {  	[timem:s3], [sflag:s2] =	dma.local @!p0 [hbm:s0], s1  }
0x1af: {  	s0 =	simm.s32 @!p0 $0x5  }
0x1b0: {  	_ =	swait.ge @!p0 [sflag:s0], s1  }
0x1b1: {  	s1 =	ssub.s32 @!p0 $0x0, s1;
	[sflag:s0] =	ssyncset.done @!p0 $0x0  }
0x1b2: {  	[sflag:s0] =	ssyncadd.s32 @!p0 s1  }
0x1b3: {  	[bflag:$0x3] =	sbarrier.arrive $0xFFFF  }
0x1b4: {  	_ =	shalt  }

// kernel: kernel.7.cloned.1.call-start
scs
__scs_entry_jumppad:
0x0: {  	(pc) =	sbr.rel $0x88, $3  }
0x1: {  	(tag) =	ssettag $0x0;
	lr =	simm.s32 $0x1  }
0x2: {  	[smem:$0x3F9F] =	sst lr;
	_ =	strace $0xD0000000  }
0x3: {  	_ = 	snop  }
0x4: {  	_ = 	snop  }
0x5: {  	_ = 	snop  }
0x6: {  	_ = 	snop  }
0x7: {  	_ = 	snop  }
__scs_overlays_trampoline_lowered:
0x8: {  	[smem:$0x3FAE] =	sst s0  }
0x9: {  	[smem:$0x3FAF] =	sst s1  }
0xa: {  	[smem:$0x3FB0] =	sst s2  }
0xb: {  	[smem:$0x3FB1] =	sst s3  }
0xc: {  	[smem:$0x3FB2] =	sst s4  }
0xd: {  	[smem:$0x3FB3] =	sst s5  }
0xe: {  	[smem:$0x3FB4] =	sst s6  }
0xf: {  	[smem:$0x3FB5] =	sst s7  }
0x10: {  	[smem:$0x3FB6] =	sst s8  }
0x11: {  	[smem:$0x3FB7] =	sst s9;
	s0 =	simm.s32 @!p0 $0x0  }
0x12: {  	s1 =	sld [smem:$0x3F9D];
	s0 =	simm.s32 @p0 $0x1  }
0x13: {  	[smem:$0x3FB8] =	sst s0;
	s0 =	simm.s32 @!p1 $0x0  }
0x14: {  	s2 =	sld [smem:$0x3F9C];
	s0 =	simm.s32 @p1 $0x1  }
0x15: {  	[smem:$0x3FB9] =	sst s0;
	s0 =	simm.s32 @!p2 $0x0  }
0x16: {  	s3 =	sld [smem:$0x3FDB];
	s0 =	simm.s32 @p2 $0x1  }
0x17: {  	s4 =	simm.s32 $0x1BF5;
	[smem:$0x3FBB] =	sst s0  }
0x18: {  	s0 =	sld [smem:$0x3F9E];
	_ =	swait.ge [sflag:s4], $0x0  }
0x19: {  	s7 =	sld [smem:$0x3F9F]  }
0x1a: {  	s8 =	sadd.s32 $0xFFFFE003, lr  }
0x1b: {  	s9 =	sadd.s32 $0xFFFFFEF7, lr;
	s5 =	simm.s32 $0xFFFFFFFF;
	p2 =	slt.u32 s8, $0xFFFFF086  }
0x1c: {  	p1 =	slt.u32 s9, $0xF7A;
	s5 =	simm.s32 @!p2 $0x0  }
0x1d: {  	s5 =	simm.s32 @p1 $0x1;
	p0 =	seq.s32 s7, s2  }
0x1e: {  	s7 =	smul.u32 @!p0 $0xF7A, s2;
	p2 =	seq.s32 @!p0 s5, $0x0  }
0x1f: {  	s9 =	smul.u32 $0xF7A, s1;
	s8 =	simm.s32 @!p0 $0x1BF5;
	p2 =	por !p2, p0  }
0x20: {  	[sflag:s8] =	ssyncset.s32 @!p0 $0xFFFFF086;
	s6 =	sadd.s32 @!p0 s3, s7;
	s7 =	simm.s32 @!p0 $0x108  }
0x21: {  	s3 =	sadd.s32 s3, s9;
	s6 =	sadd.s32 @!p0 $0x88, s6;
	s7 =	simm.s32 @p2 $0x1082  }
0x22: {  	[simem:s7], [sflag:s8] =	dma.local @!p0 [hbm:s6], $0xF7A  }
0x23: {  	s9 =	sor.u32 $0xD0000000, s2;
	s6 =	simm.s32 $0x108;
	_ =	swait.ge @!p0 [sflag:s8], $0x0  }
0x24: {  	s3 =	sadd.s32 $0x88, s3;
	s6 =	simm.s32 @!p1 $0x1082;
	[sflag:s4] =	ssyncset.s32 $0xFFFFF086  }
0x25: {  	[simem:s6], [sflag:s4] =	dma.local [hbm:s3], $0xF7A  }
0x26: {  	[smem:$0x3F9F] =	sst s1;
	(tag) =	ssettag s2;
	_ =	strace s9  }
0x27: {  	s1 =	sld [smem:$0x3FAF]  }
0x28: {  	s2 =	sld [smem:$0x3FB0]  }
0x29: {  	s4 =	sld [smem:$0x3FB2]  }
0x2a: {  	p0 =	seq.s32 s5, $0x0;
	s5 =	sld [smem:$0x3FB3]  }
0x2b: {  	s6 =	sld [smem:$0x3FB4]  }
0x2c: {  	s7 =	sld [smem:$0x3FB5]  }
0x2d: {  	s3 =	simm.s32 $0x108;
	s8 =	sld [smem:$0x3FB6]  }
0x2e: {  	s3 =	simm.s32 @!p0 $0x1082;
	s9 =	sld [smem:$0x3FB7]  }
0x2f: {  	lr =	sadd.s32 s0, s3;
	s0 =	sld [smem:$0x3FAE]  }
0x30: {  	s3 =	sld [smem:$0x3FB1]  }
0x31: {  	[smem:$0x3FBA] =	sst s10  }
0x32: {  	s10 =	sld [smem:$0x3FB8];
	_ =	sdelay $0x3  }
0x33: {  	p0 =	seq.s32 s10, $0x1;
	s10 =	sld [smem:$0x3FBA];
	_ =	sdelay $0x3  }
0x34: {  	[smem:$0x3FBA] =	sst s10  }
0x35: {  	s10 =	sld [smem:$0x3FB9];
	_ =	sdelay $0x3  }
0x36: {  	p1 =	seq.s32 s10, $0x1;
	s10 =	sld [smem:$0x3FBA];
	_ =	sdelay $0x3  }
0x37: {  	[smem:$0x3FBA] =	sst s10  }
0x38: {  	s10 =	sld [smem:$0x3FBB]  }
0x39: {  	_ = 	snop;
	(pc) =	sbr.ind lr, $3  }
0x3a: {  	_ = 	snop  }
0x3b: {  	_ = 	snop  }
0x3c: {  	p2 =	seq.s32 s10, $0x1;
	s10 =	sld [smem:$0x3FBA]  }
0x3d: {  	_ =	shalt  }
0x3e: {  	_ =	shalt  }
0x3f: {  	_ =	shalt  }
0x40: {  	_ =	shalt  }
0x41: {  	_ =	shalt  }
0x42: {  	_ =	shalt  }
0x43: {  	_ =	shalt  }
0x44: {  	_ =	shalt  }
0x45: {  	_ =	shalt  }
0x46: {  	_ =	shalt  }
0x47: {  	_ =	shalt  }
0x48: {  	_ =	shalt  }
0x49: {  	_ =	shalt  }
0x4a: {  	_ =	shalt  }
0x4b: {  	_ =	shalt  }
0x4c: {  	_ =	shalt  }
0x4d: {  	_ =	shalt  }
0x4e: {  	_ =	shalt  }
0x4f: {  	_ =	shalt  }
0x50: {  	_ =	shalt  }
0x51: {  	_ =	shalt  }
0x52: {  	_ =	shalt  }
0x53: {  	_ =	shalt  }
0x54: {  	_ =	shalt  }
0x55: {  	_ =	shalt  }
0x56: {  	_ =	shalt  }
0x57: {  	_ =	shalt  }
0x58: {  	_ =	shalt  }
0x59: {  	_ =	shalt  }
0x5a: {  	_ =	shalt  }
0x5b: {  	_ =	shalt  }
0x5c: {  	_ =	shalt  }
0x5d: {  	_ =	shalt  }
0x5e: {  	_ =	shalt  }
0x5f: {  	_ =	shalt  }
0x60: {  	_ =	shalt  }
0x61: {  	_ =	shalt  }
0x62: {  	_ =	shalt  }
0x63: {  	_ =	shalt  }
0x64: {  	_ =	shalt  }
0x65: {  	_ =	shalt  }
0x66: {  	_ =	shalt  }
0x67: {  	_ =	shalt  }
0x68: {  	_ =	shalt  }
0x69: {  	_ =	shalt  }
0x6a: {  	_ =	shalt  }
0x6b: {  	_ =	shalt  }
0x6c: {  	_ =	shalt  }
0x6d: {  	_ =	shalt  }
0x6e: {  	_ =	shalt  }
0x6f: {  	_ =	shalt  }
0x70: {  	_ =	shalt  }
0x71: {  	_ =	shalt  }
0x72: {  	_ =	shalt  }
0x73: {  	_ =	shalt  }
0x74: {  	_ =	shalt  }
0x75: {  	_ =	shalt  }
0x76: {  	_ =	shalt  }
0x77: {  	_ =	shalt  }
0x78: {  	_ =	shalt  }
0x79: {  	_ =	shalt  }
0x7a: {  	_ =	shalt  }
0x7b: {  	_ =	shalt  }
0x7c: {  	_ =	shalt  }
0x7d: {  	_ =	shalt  }
0x7e: {  	_ =	shalt  }
0x7f: {  	_ =	shalt  }
0x80: {  	_ =	shalt  }
0x81: {  	_ =	shalt  }
0x82: {  	_ =	shalt  }
0x83: {  	_ =	shalt  }
0x84: {  	_ =	shalt  }
0x85: {  	_ =	shalt  }
0x86: {  	_ =	shalt  }
0x87: {  	_ =	shalt  }
.Lfunc_end0:
.L_simem_size_0:
called_computation.1_lowered:
.L_overlay_start_0:
0x88: {  	s2 =	sld [smem:$0x3FD9]  }
0x89: {  	s3 =	sld [smem:$0x3FFE];
	_ =	sdelay $0x1  }
0x8a: {  	s1 =	srdreg.scid  }
0x8b: {  	s0 =	sand.u32 $0x1, s1  }
0x8c: {  	s17 =	sshll.u32 s0, $0xA;
	s2 =	sadd.s32 s3, s2  }
0x8d: {  	s2 =	sadd.s32 s2, s17  }
0x8e: {  	[smem:$0x3FC6] =	sst s2  }
0x8f: {  	_ = 	snop  }
0x90: {  	s2 =	sld [smem:$0x3FD0];
	(tm) =	ssettm $0x1  }
0x91: {  	s18 =	sld [smem:$0x3FFB];
	_ =	sdelay $0x3  }
0x92: {  	_ =	strace s18  }
0x93: {  	s3 =	sld [smem:$0x3FFC];
	_ =	sdelay $0x3  }
0x94: {  	_ =	strace s3  }
0x95: {  	s3 =	sld [smem:$0x3FFD];
	_ =	sdelay $0x3  }
0x96: {  	_ =	strace s3  }
0x97: {  	_ =	strace $0x8FFFFFFF  }
0x98: {  	s19 =	sld [smem:$0x3FDB];
	_ =	sdelay $0x1  }
0x99: {  	s4 =	simm.s32 $_scs_section_size  }
0x9a: {  	s5 =	simm.s32 $_size__tile_overlayer_lowered;
	s6 =	simm.s32 $_tile_overlayer_lowered  }
0x9b: {  	s22 =	simm.s32 $0x1BFF;
	s21 =	sshll.u32 s6, $0x1;
	s3 =	sadd.s32 s4, s19  }
0x9c: {  	s7 =	simm.s32 $0x0;
	s20 =	sshll.u32 s5, $0x1;
	s5 =	sadd.s32 s21, s3  }
0x9d: {  	[timem:s7], [sflag:s22] =	dma.local [hbm:s5], s20  }
0x9e: {  	_ =	swait.ge [sflag:s22], s20  }
0x9f: {  	s4 =	ssub.s32 $0x0, s20;
	[sflag:s22] =	ssyncset.done $0x0  }
0xa0: {  	[sflag:s22] =	ssyncadd.s32 s4;
	_ =	sdelay $0x1  }
0xa1: {  	s23 =	simm.s32 $0x1B8B  }
0xa2: {  	_ =	swait.ge [sflag:s23], $0x1  }
0xa3: {  	[sflag:s23] =	ssyncset.done $0x0  }
0xa4: {  	s25 =	simm.s32 $0x1B8E;
	s24 =	sld [smem:$0x3FFE];
	[sflag:s23] =	ssyncadd.s32 $0xFFFFFFFF  }
0xa5: {  	s26 =	simm.s32 $execute0_lowered;
	[smem:$0x3FD2] =	sst s25  }
0xa6: {  	s5 =	sshll.u32 s26, $0x1;
	_ =	strace $0x80000049;
	[dreg:$0x1] =	wrdreg $0xFFFFFFFF  }
0xa7: {  	s28 =	simm.s32 $_size_execute0_lowered;
	s3 =	sadd.s32 s3, s5;
	[dreg:$0x0] =	wrdreg $0x0  }
0xa8: {  	s5 =	sshll.u32 s28, $0x1;
	[dreg:$0x2] =	wrdreg s3  }
0xa9: {  	[dreg:$0x3] =	wrdreg s5  }
0xaa: {  	[dreg:$0x4] =	wrdreg $0xC0  }
0xab: {  	_ =	task [dreg:s7], $0x5FFFF  }
0xac: {  	[dreg:$0x1] =	wrdreg $0xFFFFFFFF  }
0xad: {  	[dreg:$0x0] =	wrdreg $0x60  }
0xae: {  	[dreg:$0x2] =	wrdreg s24  }
0xaf: {  	[dreg:$0x3] =	wrdreg s2  }
0xb0: {  	[dreg:$0x4] =	wrdreg $0x9  }
0xb1: {  	_ =	task.clear_ibuf [dreg:s7], $0x5FFFF;
	_ =	strace $0x90000049  }
0xb2: {  	s29 =	simm.s32 $0x9;
	_ =	strace $0x8000004B  }
0xb3: {  	_ =	swait.ge [sflag:s29], $0x1  }
0xb4: {  	[sflag:s29] =	ssyncadd.s32 $0xFFFFFFFF  }
0xb5: {  	_ =	strace $0x9000004B  }
0xb6: {  	_ =	sfence  }
0xb7: {  	s30 =	sld [smem:$0x0];
	_ =	sdelay $0x2  }
0xb8: {  	s31 =	sshll.u32 s1, $0xD;
	s1 =	sshrl.u32 s1, $0x2  }
0xb9: {  	s3 =	sand.u32 $0x4000, s31;
	s1 =	sadd.s32 s1, s30  }
0xba: {  	s0 =	sor.u32 s3, s0;
	s1 =	sshll.u32 s1, $0x11  }
0xbb: {  	s0 =	sor.u32 s1, s0  }
0xbc: {  	s0 =	sadd.s32 $0x8F2B, s0  }
0xbd: {  	[sflag:s0] =	ssyncadd.remote.s32 $0x1  }
0xbe: {  	_ =	sfence.sel $0xFFFF  }
0xbf: {  	[dreg:$0x0] =	wrdreg $0xFFFFFFFF;
	(pc) =	sbr.abs _section_cstart, $3  }
0xc0: {  	[dreg:$0x1] =	wrdreg $0xFFFFFFFF  }
0xc1: {  	_ =	task.clear_ibuf [dreg:s7], $0x2FFFF;
	_ =	strace $0x9FFFFFFF  }
0xc2: {  	(tm) =	ssettm $0x7FFFFFFF  }
0xc3: {  	_ =	shalt  }
tec
execute0_lowered:
.L_overlay_start_1:
0x0: {  	(tag) =	ssettag $0x1  }
0x1: {  	s1 =	srdreg.scid;
	s3 =	rddreg [dreg:$0x0]  }
0x2: {  	s0 =	stileid.u32;
	s5 =	rddreg [dreg:$0x1]  }
0x3: {  	s2 =	simm.s32 $0x0;
	s8 =	simm.s32 $0x20000;
	s4 =	sand.u32 $0x1, s1  }
0x4: {  	s9 =	simm.s32 $0x10000;
	s6 =	sshll.u32 s0, $0xA;
	s7 =	sshll.u32 s4, $0x9  }
0x5: {  	s10 =	simm.s32 $0x0;
	s1 =	rddreg [dreg:$0x2];
	s6 =	sor.u32 s7, s6  }
0x6: {  	[smem:$0x7FF] =	sst s2;
	s4 =	ssub.s32 $0x2, s4;
	s7 =	sshll.u32 s6, $0x4  }
0x7: {  	_ =	strace $0x8000004A;
	s31 =	sshrl.u32 s4, $0x1;
	s3 =	sadd.s32 s7, s3  }
0x8: {  	v0 =	vlaneseq.u32;
	s7 =	ssub.s32 s4, s31;
	s4 =	sadd.s32 s5, s6;
	s6 =	simm.s32 $0x1  }
0x9: {  	v0 =	vmul.u32 $0x80, v0;
	s3 =	sadd.s32 $0x800, s3;
	s5 =	smax.u32 s7, $0x1;
	s7 =	simm.s32 $0x1000  }
.LBB2_1:
0xa: {  	v1 =	vmov s2  }
0xb: {  	v1 =	vshll.u32 v1, $0x7  }
0xc: {  	v1 =	vor.u32 v0, v1  }
0xd: {  	[tilespmem:s2], [sflag:$0x1] =	stream.linear.gather [hbm4b:s3+s2], $0x10000, $0x38;
	[tilespmem:$0x14000] =	vst v63  }
0xe: {  	_ =	swait.ge [sflag:s6], $0x10000  }
0xf: {  	[sflag:s6] =	ssyncset.done $0x0  }
0x10: {  	[sflag:s6] =	ssyncadd.s32 $0xFFFF0000  }
0x11: {  	v2 =	vld.idx.msk [tilespmem:v1+s2+$0x0], $0xffff  }
0x12: {  	v3 =	vor.u32 $0x1, v1;
	_ =	sdelay $0x1  }
0x13: {  	s11 =	sand.u32 $0x70, s2;
	s12 =	sand.u32 $0xC00, s2  }
0x14: {  	s11 =	sor.u32 s11, s12  }
0x15: {  	[tilespmem:s11+$0x10000] =	vst v2  }
0x16: {  	v2 =	vld.idx.msk [tilespmem:v3+s2+$0x0], $0xffff  }
0x17: {  	v3 =	vor.u32 $0x2, v1;
	_ =	sdelay $0x3  }
0x18: {  	[tilespmem:s11+$0x10080] =	vst v2  }
0x19: {  	v2 =	vld.idx.msk [tilespmem:v3+s2+$0x0], $0xffff  }
0x1a: {  	v3 =	vor.u32 $0x3, v1;
	_ =	sdelay $0x3  }
0x1b: {  	[tilespmem:s11+$0x10100] =	vst v2  }
0x1c: {  	v2 =	vld.idx.msk [tilespmem:v3+s2+$0x0], $0xffff  }
0x1d: {  	v3 =	vor.u32 $0x4, v1;
	_ =	sdelay $0x3  }
0x1e: {  	[tilespmem:s11+$0x10180] =	vst v2  }
0x1f: {  	v2 =	vld.idx.msk [tilespmem:v3+s2+$0x0], $0xffff  }
0x20: {  	v3 =	vor.u32 $0x5, v1;
	_ =	sdelay $0x3  }
0x21: {  	[tilespmem:s11+$0x10200] =	vst v2  }
0x22: {  	v2 =	vld.idx.msk [tilespmem:v3+s2+$0x0], $0xffff  }
0x23: {  	v3 =	vor.u32 $0x6, v1;
	_ =	sdelay $0x3  }
0x24: {  	[tilespmem:s11+$0x10280] =	vst v2  }
0x25: {  	v2 =	vld.idx.msk [tilespmem:v3+s2+$0x0], $0xffff  }
0x26: {  	v3 =	vor.u32 $0x7, v1;
	_ =	sdelay $0x3  }
0x27: {  	[tilespmem:s11+$0x10300] =	vst v2  }
0x28: {  	v2 =	vld.idx.msk [tilespmem:v3+s2+$0x0], $0xffff  }
0x29: {  	v3 =	vor.u32 $0x8, v1;
	_ =	sdelay $0x1  }
0x2a: {  	s31 =	sor.u32 s2, s2  }
0x2b: {  	s12 =	sor.u32 $0x380, s31  }
0x2c: {  	[tilespmem:s12+$0x10000] =	vst v2  }
0x2d: {  	v2 =	vld.idx.msk [tilespmem:v3+s2+$0x0], $0xffff  }
0x2e: {  	v3 =	vor.u32 $0x9, v1;
	_ =	sdelay $0x3  }
0x2f: {  	[tilespmem:s11+$0x11000] =	vst v2  }
0x30: {  	v2 =	vld.idx.msk [tilespmem:v3+s2+$0x0], $0xffff  }
0x31: {  	v3 =	vor.u32 $0xA, v1;
	_ =	sdelay $0x3  }
0x32: {  	[tilespmem:s11+$0x11080] =	vst v2  }
0x33: {  	v2 =	vld.idx.msk [tilespmem:v3+s2+$0x0], $0xffff  }
0x34: {  	v3 =	vor.u32 $0xB, v1;
	_ =	sdelay $0x3  }
0x35: {  	[tilespmem:s11+$0x11100] =	vst v2  }
0x36: {  	v2 =	vld.idx.msk [tilespmem:v3+s2+$0x0], $0xffff  }
0x37: {  	v3 =	vor.u32 $0xC, v1;
	_ =	sdelay $0x3  }
0x38: {  	[tilespmem:s11+$0x11180] =	vst v2  }
0x39: {  	v2 =	vld.idx.msk [tilespmem:v3+s2+$0x0], $0xffff  }
0x3a: {  	v3 =	vor.u32 $0xD, v1;
	_ =	sdelay $0x3  }
0x3b: {  	[tilespmem:s11+$0x11200] =	vst v2  }
0x3c: {  	v2 =	vld.idx.msk [tilespmem:v3+s2+$0x0], $0xffff  }
0x3d: {  	v3 =	vor.u32 $0xE, v1;
	_ =	sdelay $0x3  }
0x3e: {  	[tilespmem:s11+$0x11280] =	vst v2  }
0x3f: {  	v2 =	vld.idx.msk [tilespmem:v3+s2+$0x0], $0xffff  }
0x40: {  	v3 =	vor.u32 $0xF, v1;
	_ =	sdelay $0x3  }
0x41: {  	[tilespmem:s11+$0x11300] =	vst v2  }
0x42: {  	v2 =	vld.idx.msk [tilespmem:v3+s2+$0x0], $0xffff  }
0x43: {  	v3 =	vor.u32 $0x10, v1;
	_ =	sdelay $0x3  }
0x44: {  	[tilespmem:s11+$0x11380] =	vst v2  }
0x45: {  	v2 =	vld.idx.msk [tilespmem:v3+s2+$0x0], $0xffff  }
0x46: {  	v3 =	vor.u32 $0x11, v1;
	_ =	sdelay $0x3  }
0x47: {  	[tilespmem:s11+$0x12000] =	vst v2  }
0x48: {  	v2 =	vld.idx.msk [tilespmem:v3+s2+$0x0], $0xffff  }
0x49: {  	v3 =	vor.u32 $0x12, v1;
	_ =	sdelay $0x3  }
0x4a: {  	[tilespmem:s11+$0x12080] =	vst v2  }
0x4b: {  	v2 =	vld.idx.msk [tilespmem:v3+s2+$0x0], $0xffff  }
0x4c: {  	v3 =	vor.u32 $0x13, v1;
	_ =	sdelay $0x3  }
0x4d: {  	[tilespmem:s11+$0x12100] =	vst v2  }
0x4e: {  	v2 =	vld.idx.msk [tilespmem:v3+s2+$0x0], $0xffff  }
0x4f: {  	v3 =	vor.u32 $0x14, v1;
	_ =	sdelay $0x3  }
0x50: {  	[tilespmem:s11+$0x12180] =	vst v2  }
0x51: {  	v2 =	vld.idx.msk [tilespmem:v3+s2+$0x0], $0xffff  }
0x52: {  	v3 =	vor.u32 $0x15, v1;
	_ =	sdelay $0x3  }
0x53: {  	[tilespmem:s11+$0x12200] =	vst v2  }
0x54: {  	v2 =	vld.idx.msk [tilespmem:v3+s2+$0x0], $0xffff  }
0x55: {  	v3 =	vor.u32 $0x16, v1;
	_ =	sdelay $0x3  }
0x56: {  	[tilespmem:s11+$0x12280] =	vst v2  }
0x57: {  	v2 =	vld.idx.msk [tilespmem:v3+s2+$0x0], $0xffff  }
0x58: {  	v3 =	vor.u32 $0x17, v1;
	_ =	sdelay $0x3  }
0x59: {  	[tilespmem:s11+$0x12300] =	vst v2  }
0x5a: {  	v2 =	vld.idx.msk [tilespmem:v3+s2+$0x0], $0xffff  }
0x5b: {  	v3 =	vor.u32 $0x18, v1;
	_ =	sdelay $0x3  }
0x5c: {  	[tilespmem:s11+$0x12380] =	vst v2  }
0x5d: {  	v2 =	vld.idx.msk [tilespmem:v3+s2+$0x0], $0xffff  }
0x5e: {  	v3 =	vor.u32 $0x19, v1;
	_ =	sdelay $0x3  }
0x5f: {  	[tilespmem:s11+$0x13000] =	vst v2  }
0x60: {  	v2 =	vld.idx.msk [tilespmem:v3+s2+$0x0], $0xffff  }
0x61: {  	v3 =	vor.u32 $0x1A, v1;
	_ =	sdelay $0x3  }
0x62: {  	[tilespmem:s11+$0x13080] =	vst v2  }
0x63: {  	v2 =	vld.idx.msk [tilespmem:v3+s2+$0x0], $0xffff  }
0x64: {  	v3 =	vor.u32 $0x1B, v1;
	_ =	sdelay $0x3  }
0x65: {  	[tilespmem:s11+$0x13100] =	vst v2  }
0x66: {  	v2 =	vld.idx.msk [tilespmem:v3+s2+$0x0], $0xffff  }
0x67: {  	v3 =	vor.u32 $0x1C, v1;
	_ =	sdelay $0x3  }
0x68: {  	[tilespmem:s11+$0x13180] =	vst v2  }
0x69: {  	v2 =	vld.idx.msk [tilespmem:v3+s2+$0x0], $0xffff  }
0x6a: {  	v3 =	vor.u32 $0x1D, v1;
	_ =	sdelay $0x3  }
0x6b: {  	[tilespmem:s11+$0x13200] =	vst v2  }
0x6c: {  	v2 =	vld.idx.msk [tilespmem:v3+s2+$0x0], $0xffff  }
0x6d: {  	v3 =	vor.u32 $0x1E, v1;
	_ =	sdelay $0x3  }
0x6e: {  	[tilespmem:s11+$0x13280] =	vst v2  }
0x6f: {  	v2 =	vld.idx.msk [tilespmem:v3+s2+$0x0], $0xffff  }
0x70: {  	v3 =	vor.u32 $0x1F, v1;
	_ =	sdelay $0x3  }
0x71: {  	s12 =	simm.s32 $0x10;
	[tilespmem:s11+$0x13300] =	vst v2  }
0x72: {  	s14 =	simm.s32 $0x20;
	s13 =	simm.s32 $0x0;
	v1 =	vmov s12;
	v2 =	vld.idx.msk [tilespmem:v3+s2+$0x0], $0xffff  }
.LBB2_2:
0x73: {  	p0 =	sne.s32 s14, $0x1F0;
	v1 =	vshll.u32 v1, $0x7  }
0x74: {  	v1 =	vor.u32 v0, v1;
	_ =	sdelay $0x3  }
0x75: {  	[tilespmem:s11+$0x13380] =	vst v2  }
0x76: {  	v2 =	vld.idx.msk [tilespmem:v1+s2+$0x0], $0xffff;
	_ =	sdelay $0x1  }
0x77: {  	v3 =	vor.u32 $0x1, v1  }
0x78: {  	s13 =	sadd.s32 $0x80, s13  }
0x79: {  	s15 =	sand.u32 $0xC00, s13;
	s11 =	sand.u32 $0x70, s12  }
0x7a: {  	s11 =	sor.u32 s11, s15  }
0x7b: {  	[tilespmem:s11+$0x10000] =	vst v2  }
0x7c: {  	v2 =	vld.idx.msk [tilespmem:v3+s2+$0x0], $0xffff;
	_ =	sdelay $0x1  }
0x7d: {  	v3 =	vor.u32 $0x2, v1;
	_ =	sdelay $0x3  }
0x7e: {  	[tilespmem:s11+$0x10080] =	vst v2  }
0x7f: {  	v2 =	vld.idx.msk [tilespmem:v3+s2+$0x0], $0xffff;
	_ =	sdelay $0x1  }
0x80: {  	v3 =	vor.u32 $0x3, v1;
	_ =	sdelay $0x3  }
0x81: {  	[tilespmem:s11+$0x10100] =	vst v2  }
0x82: {  	v2 =	vld.idx.msk [tilespmem:v3+s2+$0x0], $0xffff;
	_ =	sdelay $0x1  }
0x83: {  	v3 =	vor.u32 $0x4, v1;
	_ =	sdelay $0x3  }
0x84: {  	[tilespmem:s11+$0x10180] =	vst v2  }
0x85: {  	v2 =	vld.idx.msk [tilespmem:v3+s2+$0x0], $0xffff;
	_ =	sdelay $0x1  }
0x86: {  	v3 =	vor.u32 $0x5, v1;
	_ =	sdelay $0x3  }
0x87: {  	[tilespmem:s11+$0x10200] =	vst v2  }
0x88: {  	v2 =	vld.idx.msk [tilespmem:v3+s2+$0x0], $0xffff;
	_ =	sdelay $0x1  }
0x89: {  	v3 =	vor.u32 $0x6, v1;
	_ =	sdelay $0x3  }
0x8a: {  	[tilespmem:s11+$0x10280] =	vst v2  }
0x8b: {  	v2 =	vld.idx.msk [tilespmem:v3+s2+$0x0], $0xffff;
	_ =	sdelay $0x1  }
0x8c: {  	v3 =	vor.u32 $0x7, v1;
	_ =	sdelay $0x3  }
0x8d: {  	[tilespmem:s11+$0x10300] =	vst v2  }
0x8e: {  	v2 =	vld.idx.msk [tilespmem:v3+s2+$0x0], $0xffff;
	_ =	sdelay $0x1  }
0x8f: {  	v3 =	vor.u32 $0x8, v1;
	_ =	sdelay $0x1  }
0x90: {  	s15 =	sor.u32 s13, s12;
	s12 =	smov.u32 s14  }
0x91: {  	s15 =	sor.u32 $0x380, s15  }
0x92: {  	[tilespmem:s15+$0x10000] =	vst v2  }
0x93: {  	v2 =	vld.idx.msk [tilespmem:v3+s2+$0x0], $0xffff;
	_ =	sdelay $0x1  }
0x94: {  	v3 =	vor.u32 $0x9, v1;
	_ =	sdelay $0x3  }
0x95: {  	[tilespmem:s11+$0x11000] =	vst v2  }
0x96: {  	v2 =	vld.idx.msk [tilespmem:v3+s2+$0x0], $0xffff;
	_ =	sdelay $0x1  }
0x97: {  	v3 =	vor.u32 $0xA, v1;
	_ =	sdelay $0x3  }
0x98: {  	[tilespmem:s11+$0x11080] =	vst v2  }
0x99: {  	v2 =	vld.idx.msk [tilespmem:v3+s2+$0x0], $0xffff;
	_ =	sdelay $0x1  }
0x9a: {  	v3 =	vor.u32 $0xB, v1;
	_ =	sdelay $0x3  }
0x9b: {  	[tilespmem:s11+$0x11100] =	vst v2  }
0x9c: {  	v2 =	vld.idx.msk [tilespmem:v3+s2+$0x0], $0xffff;
	_ =	sdelay $0x1  }
0x9d: {  	v3 =	vor.u32 $0xC, v1;
	_ =	sdelay $0x3  }
0x9e: {  	[tilespmem:s11+$0x11180] =	vst v2  }
0x9f: {  	v2 =	vld.idx.msk [tilespmem:v3+s2+$0x0], $0xffff;
	_ =	sdelay $0x1  }
0xa0: {  	v3 =	vor.u32 $0xD, v1;
	_ =	sdelay $0x3  }
0xa1: {  	[tilespmem:s11+$0x11200] =	vst v2  }
0xa2: {  	v2 =	vld.idx.msk [tilespmem:v3+s2+$0x0], $0xffff;
	_ =	sdelay $0x1  }
0xa3: {  	v3 =	vor.u32 $0xE, v1;
	_ =	sdelay $0x3  }
0xa4: {  	[tilespmem:s11+$0x11280] =	vst v2  }
0xa5: {  	v2 =	vld.idx.msk [tilespmem:v3+s2+$0x0], $0xffff;
	_ =	sdelay $0x1  }
0xa6: {  	v3 =	vor.u32 $0xF, v1;
	_ =	sdelay $0x3  }
0xa7: {  	[tilespmem:s11+$0x11300] =	vst v2  }
0xa8: {  	v2 =	vld.idx.msk [tilespmem:v3+s2+$0x0], $0xffff;
	_ =	sdelay $0x1  }
0xa9: {  	v3 =	vor.u32 $0x10, v1;
	_ =	sdelay $0x3  }
0xaa: {  	[tilespmem:s11+$0x11380] =	vst v2  }
0xab: {  	v2 =	vld.idx.msk [tilespmem:v3+s2+$0x0], $0xffff;
	_ =	sdelay $0x1  }
0xac: {  	v3 =	vor.u32 $0x11, v1;
	_ =	sdelay $0x3  }
0xad: {  	[tilespmem:s11+$0x12000] =	vst v2  }
0xae: {  	v2 =	vld.idx.msk [tilespmem:v3+s2+$0x0], $0xffff;
	_ =	sdelay $0x1  }
0xaf: {  	v3 =	vor.u32 $0x12, v1;
	_ =	sdelay $0x3  }
0xb0: {  	[tilespmem:s11+$0x12080] =	vst v2  }
0xb1: {  	v2 =	vld.idx.msk [tilespmem:v3+s2+$0x0], $0xffff;
	_ =	sdelay $0x1  }
0xb2: {  	v3 =	vor.u32 $0x13, v1;
	_ =	sdelay $0x3  }
0xb3: {  	[tilespmem:s11+$0x12100] =	vst v2  }
0xb4: {  	v2 =	vld.idx.msk [tilespmem:v3+s2+$0x0], $0xffff;
	_ =	sdelay $0x1  }
0xb5: {  	v3 =	vor.u32 $0x14, v1;
	_ =	sdelay $0x3  }
0xb6: {  	[tilespmem:s11+$0x12180] =	vst v2  }
0xb7: {  	v2 =	vld.idx.msk [tilespmem:v3+s2+$0x0], $0xffff;
	_ =	sdelay $0x1  }
0xb8: {  	v3 =	vor.u32 $0x15, v1;
	_ =	sdelay $0x3  }
0xb9: {  	[tilespmem:s11+$0x12200] =	vst v2  }
0xba: {  	v2 =	vld.idx.msk [tilespmem:v3+s2+$0x0], $0xffff;
	_ =	sdelay $0x1  }
0xbb: {  	v3 =	vor.u32 $0x16, v1;
	_ =	sdelay $0x3  }
0xbc: {  	[tilespmem:s11+$0x12280] =	vst v2  }
0xbd: {  	v2 =	vld.idx.msk [tilespmem:v3+s2+$0x0], $0xffff;
	_ =	sdelay $0x1  }
0xbe: {  	v3 =	vor.u32 $0x17, v1;
	_ =	sdelay $0x3  }
0xbf: {  	[tilespmem:s11+$0x12300] =	vst v2  }
0xc0: {  	v2 =	vld.idx.msk [tilespmem:v3+s2+$0x0], $0xffff;
	_ =	sdelay $0x1  }
0xc1: {  	v3 =	vor.u32 $0x18, v1;
	_ =	sdelay $0x3  }
0xc2: {  	[tilespmem:s11+$0x12380] =	vst v2  }
0xc3: {  	v2 =	vld.idx.msk [tilespmem:v3+s2+$0x0], $0xffff;
	_ =	sdelay $0x1  }
0xc4: {  	v3 =	vor.u32 $0x19, v1;
	_ =	sdelay $0x3  }
0xc5: {  	[tilespmem:s11+$0x13000] =	vst v2  }
0xc6: {  	v2 =	vld.idx.msk [tilespmem:v3+s2+$0x0], $0xffff;
	_ =	sdelay $0x1  }
0xc7: {  	v3 =	vor.u32 $0x1A, v1;
	_ =	sdelay $0x3  }
0xc8: {  	[tilespmem:s11+$0x13080] =	vst v2  }
0xc9: {  	v2 =	vld.idx.msk [tilespmem:v3+s2+$0x0], $0xffff;
	_ =	sdelay $0x1  }
0xca: {  	v3 =	vor.u32 $0x1B, v1;
	_ =	sdelay $0x3  }
0xcb: {  	[tilespmem:s11+$0x13100] =	vst v2  }
0xcc: {  	v2 =	vld.idx.msk [tilespmem:v3+s2+$0x0], $0xffff;
	_ =	sdelay $0x1  }
0xcd: {  	v3 =	vor.u32 $0x1C, v1;
	_ =	sdelay $0x3  }
0xce: {  	[tilespmem:s11+$0x13180] =	vst v2  }
0xcf: {  	v2 =	vld.idx.msk [tilespmem:v3+s2+$0x0], $0xffff;
	_ =	sdelay $0x1  }
0xd0: {  	v3 =	vor.u32 $0x1D, v1;
	_ =	sdelay $0x3  }
0xd1: {  	[tilespmem:s11+$0x13200] =	vst v2  }
0xd2: {  	v2 =	vld.idx.msk [tilespmem:v3+s2+$0x0], $0xffff;
	_ =	sdelay $0x1  }
0xd3: {  	v3 =	vor.u32 $0x1E, v1;
	_ =	sdelay $0x3  }
0xd4: {  	[tilespmem:s11+$0x13280] =	vst v2  }
0xd5: {  	v2 =	vld.idx.msk [tilespmem:v3+s2+$0x0], $0xffff;
	_ =	sdelay $0x1  }
0xd6: {  	v3 =	vor.u32 $0x1F, v1  }
.Ltmp0:
0xd7: {  	(pc) =	sbr.rel @p0 .LBB2_2-.Ltmp0, $3  }
0xd8: {  	_ =	sdelay $0x1  }
0xd9: {  	[tilespmem:s11+$0x13300] =	vst v2  }
0xda: {  	s14 =	sadd.s32 $0x10, s14;
	v1 =	vmov s12;
	v2 =	vld.idx.msk [tilespmem:v3+s2+$0x0], $0xffff  }
0xdb: {  	v1 =	vshll.u32 v1, $0x7  }
0xdc: {  	v1 =	vor.u32 v0, v1;
	_ =	sdelay $0x3  }
0xdd: {  	[tilespmem:s11+$0x13380] =	vst v2  }
0xde: {  	v2 =	vld.idx.msk [tilespmem:v1+s2+$0x0], $0xffff  }
0xdf: {  	v3 =	vor.u32 $0x1, v1  }
0xe0: {  	s13 =	sadd.s32 $0x80, s13  }
0xe1: {  	s30 =	sand.u32 $0x70, s12;
	s14 =	sand.u32 $0xC00, s13  }
0xe2: {  	s11 =	sor.u32 s30, s14  }
0xe3: {  	[tilespmem:s11+$0x10000] =	vst v2  }
0xe4: {  	v2 =	vld.idx.msk [tilespmem:v3+s2+$0x0], $0xffff  }
0xe5: {  	v3 =	vor.u32 $0x2, v1;
	_ =	sdelay $0x3  }
0xe6: {  	[tilespmem:s11+$0x10080] =	vst v2  }
0xe7: {  	v2 =	vld.idx.msk [tilespmem:v3+s2+$0x0], $0xffff  }
0xe8: {  	v3 =	vor.u32 $0x3, v1;
	_ =	sdelay $0x3  }
0xe9: {  	[tilespmem:s11+$0x10100] =	vst v2  }
0xea: {  	v2 =	vld.idx.msk [tilespmem:v3+s2+$0x0], $0xffff  }
0xeb: {  	v3 =	vor.u32 $0x4, v1;
	_ =	sdelay $0x3  }
0xec: {  	[tilespmem:s11+$0x10180] =	vst v2  }
0xed: {  	v2 =	vld.idx.msk [tilespmem:v3+s2+$0x0], $0xffff  }
0xee: {  	v3 =	vor.u32 $0x5, v1;
	_ =	sdelay $0x3  }
0xef: {  	[tilespmem:s11+$0x10200] =	vst v2  }
0xf0: {  	v2 =	vld.idx.msk [tilespmem:v3+s2+$0x0], $0xffff  }
0xf1: {  	v3 =	vor.u32 $0x6, v1;
	_ =	sdelay $0x3  }
0xf2: {  	[tilespmem:s11+$0x10280] =	vst v2  }
0xf3: {  	v2 =	vld.idx.msk [tilespmem:v3+s2+$0x0], $0xffff  }
0xf4: {  	v3 =	vor.u32 $0x7, v1;
	_ =	sdelay $0x3  }
0xf5: {  	[tilespmem:s11+$0x10300] =	vst v2  }
0xf6: {  	v2 =	vld.idx.msk [tilespmem:v3+s2+$0x0], $0xffff  }
0xf7: {  	v3 =	vor.u32 $0x8, v1;
	_ =	sdelay $0x1  }
0xf8: {  	s31 =	sor.u32 s13, s12  }
0xf9: {  	s12 =	sor.u32 $0x380, s31  }
0xfa: {  	[tilespmem:s12+$0x10000] =	vst v2  }
0xfb: {  	v2 =	vld.idx.msk [tilespmem:v3+s2+$0x0], $0xffff  }
0xfc: {  	v3 =	vor.u32 $0x9, v1;
	_ =	sdelay $0x3  }
0xfd: {  	[tilespmem:s11+$0x11000] =	vst v2  }
0xfe: {  	v2 =	vld.idx.msk [tilespmem:v3+s2+$0x0], $0xffff  }
0xff: {  	v3 =	vor.u32 $0xA, v1;
	_ =	sdelay $0x3  }
0x100: {  	[tilespmem:s11+$0x11080] =	vst v2  }
0x101: {  	v2 =	vld.idx.msk [tilespmem:v3+s2+$0x0], $0xffff  }
0x102: {  	v3 =	vor.u32 $0xB, v1;
	_ =	sdelay $0x3  }
0x103: {  	[tilespmem:s11+$0x11100] =	vst v2  }
0x104: {  	v2 =	vld.idx.msk [tilespmem:v3+s2+$0x0], $0xffff  }
0x105: {  	v3 =	vor.u32 $0xC, v1;
	_ =	sdelay $0x3  }
0x106: {  	[tilespmem:s11+$0x11180] =	vst v2  }
0x107: {  	v2 =	vld.idx.msk [tilespmem:v3+s2+$0x0], $0xffff  }
0x108: {  	v3 =	vor.u32 $0xD, v1;
	_ =	sdelay $0x3  }
0x109: {  	[tilespmem:s11+$0x11200] =	vst v2  }
0x10a: {  	v2 =	vld.idx.msk [tilespmem:v3+s2+$0x0], $0xffff  }
0x10b: {  	v3 =	vor.u32 $0xE, v1;
	_ =	sdelay $0x3  }
0x10c: {  	[tilespmem:s11+$0x11280] =	vst v2  }
0x10d: {  	v2 =	vld.idx.msk [tilespmem:v3+s2+$0x0], $0xffff  }
0x10e: {  	v3 =	vor.u32 $0xF, v1;
	_ =	sdelay $0x3  }
0x10f: {  	[tilespmem:s11+$0x11300] =	vst v2  }
0x110: {  	v2 =	vld.idx.msk [tilespmem:v3+s2+$0x0], $0xffff  }
0x111: {  	v3 =	vor.u32 $0x10, v1;
	_ =	sdelay $0x3  }
0x112: {  	[tilespmem:s11+$0x11380] =	vst v2  }
0x113: {  	v2 =	vld.idx.msk [tilespmem:v3+s2+$0x0], $0xffff  }
0x114: {  	v3 =	vor.u32 $0x11, v1;
	_ =	sdelay $0x3  }
0x115: {  	[tilespmem:s11+$0x12000] =	vst v2  }
0x116: {  	v2 =	vld.idx.msk [tilespmem:v3+s2+$0x0], $0xffff  }
0x117: {  	v3 =	vor.u32 $0x12, v1;
	_ =	sdelay $0x3  }
0x118: {  	[tilespmem:s11+$0x12080] =	vst v2  }
0x119: {  	v2 =	vld.idx.msk [tilespmem:v3+s2+$0x0], $0xffff  }
0x11a: {  	v3 =	vor.u32 $0x13, v1;
	_ =	sdelay $0x3  }
0x11b: {  	[tilespmem:s11+$0x12100] =	vst v2  }
0x11c: {  	v2 =	vld.idx.msk [tilespmem:v3+s2+$0x0], $0xffff  }
0x11d: {  	v3 =	vor.u32 $0x14, v1;
	_ =	sdelay $0x3  }
0x11e: {  	[tilespmem:s11+$0x12180] =	vst v2  }
0x11f: {  	v2 =	vld.idx.msk [tilespmem:v3+s2+$0x0], $0xffff  }
0x120: {  	v3 =	vor.u32 $0x15, v1;
	_ =	sdelay $0x3  }
0x121: {  	[tilespmem:s11+$0x12200] =	vst v2  }
0x122: {  	v2 =	vld.idx.msk [tilespmem:v3+s2+$0x0], $0xffff  }
0x123: {  	v3 =	vor.u32 $0x16, v1;
	_ =	sdelay $0x3  }
0x124: {  	[tilespmem:s11+$0x12280] =	vst v2  }
0x125: {  	v2 =	vld.idx.msk [tilespmem:v3+s2+$0x0], $0xffff  }
0x126: {  	v3 =	vor.u32 $0x17, v1;
	_ =	sdelay $0x3  }
0x127: {  	[tilespmem:s11+$0x12300] =	vst v2  }
0x128: {  	v2 =	vld.idx.msk [tilespmem:v3+s2+$0x0], $0xffff  }
0x129: {  	v3 =	vor.u32 $0x18, v1;
	_ =	sdelay $0x3  }
0x12a: {  	[tilespmem:s11+$0x12380] =	vst v2  }
0x12b: {  	v2 =	vld.idx.msk [tilespmem:v3+s2+$0x0], $0xffff  }
0x12c: {  	v3 =	vor.u32 $0x19, v1;
	_ =	sdelay $0x3  }
0x12d: {  	[tilespmem:s11+$0x13000] =	vst v2  }
0x12e: {  	v2 =	vld.idx.msk [tilespmem:v3+s2+$0x0], $0xffff  }
0x12f: {  	v3 =	vor.u32 $0x1A, v1;
	_ =	sdelay $0x3  }
0x130: {  	[tilespmem:s11+$0x13080] =	vst v2  }
0x131: {  	v2 =	vld.idx.msk [tilespmem:v3+s2+$0x0], $0xffff  }
0x132: {  	v3 =	vor.u32 $0x1B, v1;
	_ =	sdelay $0x3  }
0x133: {  	[tilespmem:s11+$0x13100] =	vst v2  }
0x134: {  	v2 =	vld.idx.msk [tilespmem:v3+s2+$0x0], $0xffff  }
0x135: {  	v3 =	vor.u32 $0x1C, v1;
	_ =	sdelay $0x3  }
0x136: {  	[tilespmem:s11+$0x13180] =	vst v2  }
0x137: {  	v2 =	vld.idx.msk [tilespmem:v3+s2+$0x0], $0xffff  }
0x138: {  	v3 =	vor.u32 $0x1D, v1;
	_ =	sdelay $0x3  }
0x139: {  	[tilespmem:s11+$0x13200] =	vst v2  }
0x13a: {  	v2 =	vld.idx.msk [tilespmem:v3+s2+$0x0], $0xffff  }
0x13b: {  	v3 =	vor.u32 $0x1E, v1;
	_ =	sdelay $0x3  }
0x13c: {  	[tilespmem:s11+$0x13280] =	vst v2  }
0x13d: {  	v2 =	vld.idx.msk [tilespmem:v3+s2+$0x0], $0xffff  }
0x13e: {  	v1 =	vor.u32 $0x1F, v1;
	_ =	sdelay $0x3  }
0x13f: {  	[tilespmem:s11+$0x13300] =	vst v2  }
0x140: {  	v1 =	vld.idx.msk [tilespmem:v1+s2+$0x0], $0xffff;
	_ =	sdelay $0x2  }
0x141: {  	s10 =	sadd.s32 $0x1, s10  }
0x142: {  	p0 =	sne.s32 s10, s5  }
.Ltmp1:
0x143: {  	[tilespmem:s11+$0x13380] =	vst v1;
	(pc) =	sbr.rel @p0 .LBB2_1-.Ltmp1, $4  }
0x144: {  	[hbm4b:s4+s7] =	stream.strided.scatter [tilespmem:s9], [sflag:$0x1], $0x4000, s8, s7, $0x38;
	[tilespmem:$0x14000] =	vst v63  }
0x145: {  	_ =	swait.ge [sflag:s6], $0x4000  }
0x146: {  	[sflag:s6] =	ssyncset.done $0x0  }
0x147: {  	[sflag:s6] =	ssyncadd.s32 $0xFFFFC000  }
0x148: {  	_ =	sfence.sel $0x180000  }
0x149: {  	[bflag:$0x0] =	sbarrier.arrive $0xFFFF  }
0x14a: {  	p0 =	sne.s32 s0, $0x0;
	_ =	strace $0x9000004A  }
0x14b: {  	s0 =	sadd.s32 @!p0 $0x100000, s1;
	[bflag:$0x2] =	sbarrier.arrive $0xFFFF  }
0x14c: {  	[sflag:s0] =	ssyncadd.tile.s32 @!p0 $0x1;
	_ =	shalt  }
.Lfunc_end2:
_tile_overlayer_lowered:
.L_overlay_start_2:
0x14d: {  	(tag) =	ssettag $0x2  }
0x14e: {  	s0 =	rddreg [dreg:$0x0];
	s2 =	stileid.u32  }
0x14f: {  	s1 =	rddreg [dreg:$0x1];
	p0 =	sne.s32 s2, $0x0  }
0x150: {  	s3 =	rddreg [dreg:$0x2];
	[bflag:$0x3] =	sbarrier.arrive $0xFFFF;
	s2 =	simm.s32 @!p0 $0x1C01  }
0x151: {  	[timem:s3], [sflag:s2] =	dma.local @!p0 [hbm:s0], s1  }
0x152: {  	s0 =	simm.s32 @!p0 $0x1  }
0x153: {  	_ =	swait.ge @!p0 [sflag:s0], s1  }
0x154: {  	s1 =	ssub.s32 @!p0 $0x0, s1;
	[sflag:s0] =	ssyncset.done @!p0 $0x0  }
0x155: {  	[sflag:s0] =	ssyncadd.s32 @!p0 s1  }
0x156: {  	[bflag:$0x3] =	sbarrier.arrive $0xFFFF  }
0x157: {  	_ =	shalt  }

</sc_bundles>
